<compile_context>
chip_gen: v7x
topology: tpu7x:2x2x1
jax: 0.10.2.dev20260603
libtpu: 0.0.44.dev20260713+nightly
codegen_flags: <defaults>
</compile_context>

<pallas_src>
import functools

import jax
import jax.numpy as jnp
from jax import lax
from jax.experimental import pallas as pl
from jax.experimental.pallas import tpu as pltpu
from jax.experimental.pallas import tpu_sc as plsc

_C = 16


def _sc_gather2(tt_t, ct_t, target_idx, context_idx):
    B = target_idx.shape[0]
    D = tt_t.shape[0]
    info = plsc.get_sparse_core_info()
    nw = info.num_cores * info.num_subcores
    b_per_w = B // nw
    n_chunks = b_per_w // _C
    rows_per_w = b_per_w // 8

    mesh = plsc.VectorSubcoreMesh(core_axis_name="c", subcore_axis_name="s")

    @functools.partial(
        pl.kernel,
        mesh=mesh,
        out_type=[
            jax.ShapeDtypeStruct((B // 8, 8 * D), jnp.float32),
            jax.ShapeDtypeStruct((B // 8, 8 * D), jnp.float32),
        ],
        scratch_types=[
            pltpu.VMEM((b_per_w,), jnp.int32),
            pltpu.VMEM((b_per_w,), jnp.int32),
            pltpu.VMEM((_C * D, 128), jnp.float32),
            pltpu.VMEM((_C * D, 128), jnp.float32),
            pltpu.VMEM((rows_per_w, 8 * D), jnp.float32),
            pltpu.VMEM((rows_per_w, 8 * D), jnp.float32),
            pltpu.SemaphoreType.DMA,
            pltpu.SemaphoreType.DMA,
        ],
        compiler_params=pltpu.CompilerParams(needs_layout_passes=False),
    )
    def gather_kernel(tt_hbm, ct_hbm, ti_hbm, ci_hbm, t_out, c_out,
                      ti_v, ci_v, t_tiles, c_tiles,
                      t_pack, c_pack, sem_t, sem_c):
        wid = lax.axis_index("s") * info.num_cores + lax.axis_index("c")
        base = wid * b_per_w
        pltpu.sync_copy(ti_hbm.at[pl.ds(base, b_per_w)], ti_v)
        pltpu.sync_copy(ci_hbm.at[pl.ds(base, b_per_w)], ci_v)
        iota16 = lax.iota(jnp.int32, 16)

        def chunk_body(chunk, _):
            tidx = ti_v[pl.ds(chunk * _C, _C)]
            cidx = ci_v[pl.ds(chunk * _C, _C)]
            tcb = lax.bitwise_and(tidx, ~127)
            ccb = lax.bitwise_and(cidx, ~127)
            t_copies = []
            c_copies = []
            for s in range(_C):
                t_copies.append(pltpu.async_copy(
                    tt_hbm.at[:, pl.ds(pl.multiple_of(tcb[s], 128), 128)],
                    t_tiles.at[pl.ds(s * D, D)], sem_t))
                c_copies.append(pltpu.async_copy(
                    ct_hbm.at[:, pl.ds(pl.multiple_of(ccb[s], 128), 128)],
                    c_tiles.at[pl.ds(s * D, D)], sem_c))
            tlane = lax.bitwise_and(tidx, 127)
            clane = lax.bitwise_and(cidx, 127)
            prow = chunk * (_C // 8)
            for cp in t_copies:
                cp.wait()
            for cp in c_copies:
                cp.wait()
            for s in range(_C):
                rv = iota16 + s * D
                tvals = plsc.load_gather(
                    t_tiles, [rv, jnp.full((16,), 1, jnp.int32) * tlane[s]])
                cvals = plsc.load_gather(
                    c_tiles, [rv, jnp.full((16,), 1, jnp.int32) * clane[s]])
                t_pack[prow + s // 8, pl.ds((s % 8) * D, D)] = tvals
                c_pack[prow + s // 8, pl.ds((s % 8) * D, D)] = cvals
            return ()

        lax.fori_loop(0, n_chunks, chunk_body, ())
        pltpu.sync_copy(t_pack, t_out.at[pl.ds(wid * rows_per_w, rows_per_w)])
        pltpu.sync_copy(c_pack, c_out.at[pl.ds(wid * rows_per_w, rows_per_w)])

    return gather_kernel(tt_t, ct_t, target_idx, context_idx)


def _mlp_body(t_ref, c_ref, w1a_ref, w1b_ref, b1_ref, w2_ref, b2_ref, o_ref):
    h = (
        jnp.dot(t_ref[...], w1a_ref[...], preferred_element_type=jnp.float32)
        + jnp.dot(c_ref[...], w1b_ref[...], preferred_element_type=jnp.float32)
        + b1_ref[...]
    )
    h = jnp.maximum(h, 0.0)
    o_ref[...] = jax.nn.sigmoid(
        jnp.dot(h, w2_ref[...], preferred_element_type=jnp.float32)
        + b2_ref[...])


def _tc_mlp(t_pack, c_pack, W1, b1, W2, b2):
    n, lanes = t_pack.shape
    D = lanes // 8
    eye8 = jnp.eye(8, dtype=jnp.float32)
    w1a_bd = jnp.kron(eye8, W1[:D, :])
    w1b_bd = jnp.kron(eye8, W1[D:, :])
    b1_tiled = jnp.tile(b1, 8).reshape(1, lanes)
    w2_bd = jnp.kron(eye8, W2)
    out = pl.pallas_call(
        _mlp_body,
        out_shape=jax.ShapeDtypeStruct((n, 8), jnp.float32),
    )(t_pack, c_pack, w1a_bd, w1b_bd, b1_tiled, w2_bd, b2.reshape(1, 1))
    return out


def kernel(target, context, target_table, context_table, W1, b1, W2, b2):
    target = target.astype(jnp.int32)
    context = context.astype(jnp.int32)
    B = target.shape[0]
    t_pack, c_pack = _sc_gather2(
        target_table.T, context_table.T, target, context)
    out = _tc_mlp(t_pack, c_pack, W1, b1, W2, b2)
    return out.reshape(B, 1)

# --- scband reference (transcript-rebuilt; emitter-appended) ---
"""Pipeline reference for scband-skip-gram-67345087201834 (READ-ONLY COPY).

The authoritative reference and input builder live on the scoring server;
editing this copy changes nothing except your own understanding.
"""

import jax, jax.numpy as jnp
import numpy as np

V = 1000000
D = 16
B = 16384


def setup_inputs(seed: int = 0) -> dict:
    key = jax.random.key(seed)
    ks = jax.random.split(key, 8)
    target = jax.random.randint(ks[0], (B,), 0, V, dtype=jnp.int64) if jax.config.jax_enable_x64 else jax.random.randint(ks[0], (B,), 0, V, dtype=jnp.int32)
    context = jax.random.randint(ks[1], (B,), 0, V, dtype=target.dtype)
    target_table = jax.random.normal(ks[2], (V, D), dtype=jnp.float32) * 0.02
    context_table = jax.random.normal(ks[3], (V, D), dtype=jnp.float32) * 0.02
    W1 = jax.random.normal(ks[4], (2 * D, D), dtype=jnp.float32) * (1.0 / np.sqrt(2 * D))
    b1 = jnp.zeros((D,), dtype=jnp.float32)
    W2 = jax.random.normal(ks[5], (D, 1), dtype=jnp.float32) * (1.0 / np.sqrt(D))
    b2 = jnp.zeros((1,), dtype=jnp.float32)
    return {
        "target": target,
        "context": context,
        "target_table": target_table,
        "context_table": context_table,
        "W1": W1,
        "b1": b1,
        "W2": W2,
        "b2": b2,
    }


def reference(target, context, target_table, context_table, W1, b1, W2, b2):
    # nn.Embedding lookups -> gather
    target_embed = jnp.take(target_table, target, axis=0)   # [B, D]
    context_embed = jnp.take(context_table, context, axis=0)  # [B, D]
    embed = jnp.concatenate([target_embed, context_embed], axis=1)  # [B, 2D]
    out = embed @ W1 + b1
    out = jax.nn.relu(out)
    out = out @ W2 + b2
    out = jax.nn.sigmoid(out)
    return out

if __name__ == "__main__":
    import jax
    _d = setup_inputs()
    print(jax.jit(kernel)(*tuple(_d.values())))

</pallas_src>

<mosaic_0001>
#map = affine_map<(d0, d1) -> (0, 0)>
#map1 = affine_map<(d0, d1) -> (0)>
module attributes {stable_mosaic.version = 14 : i64} {
  func.func @gather_kernel(%arg0: i32, %arg1: i32, %arg2: memref<16x1000000xf32, #tpu.memory_space<hbm>>, %arg3: memref<16x1000000xf32, #tpu.memory_space<hbm>>, %arg4: memref<16384xi32, #tpu.memory_space<hbm>>, %arg5: memref<16384xi32, #tpu.memory_space<hbm>>, %arg6: memref<2048x128xf32, #tpu.memory_space<hbm>>, %arg7: memref<2048x128xf32, #tpu.memory_space<hbm>>, %arg8: memref<512xi32, #tpu.memory_space<vmem>>, %arg9: memref<512xi32, #tpu.memory_space<vmem>>, %arg10: memref<256x128xf32, #tpu.memory_space<vmem>>, %arg11: memref<256x128xf32, #tpu.memory_space<vmem>>, %arg12: memref<64x128xf32, #tpu.memory_space<vmem>>, %arg13: memref<64x128xf32, #tpu.memory_space<vmem>>, %arg14: memref<!tpu.dma_semaphore, #tpu.memory_space<semaphore_mem>>, %arg15: memref<!tpu.dma_semaphore, #tpu.memory_space<semaphore_mem>>) attributes {dimension_semantics = [#tpu.dimension_semantics<core_parallel>, #tpu.dimension_semantics<subcore_parallel>], iteration_bounds = array<i64: 2, 16>, scalar_prefetch = 0 : i64, scratch_operands = 8 : i64, tpu.core_type = #tpu.core_type<sc_vector_subcore>, window_params = [{transform_indices = #map}, {transform_indices = #map}, {transform_indices = #map1}, {transform_indices = #map1}, {transform_indices = #map}, {transform_indices = #map}]} {
    %mul3A = arith.constant 2 : i32
    %mul3A_0 = arith.muli %arg1, %mul3A : i32
    %add3A = arith.addi %mul3A_0, %arg0 : i32
    %mul3A_1 = arith.constant 512 : i32
    %mul3A_2 = arith.muli %add3A, %mul3A_1 : i32
    "tpu.region"() ({
      %run_scoped3A = tpu.sem_alloc : memref<!tpu.dma_semaphore, #tpu.memory_space<semaphore_mem>>
      %dma_start3A = tpu.memref_slice %arg4[%mul3A_2] : memref<16384xi32, #tpu.memory_space<hbm>> -> memref<512xi32, #tpu.memory_space<hbm>>
      %dma_start3A_11 = tpu.memref_slice %arg4[%mul3A_2] : memref<16384xi32, #tpu.memory_space<hbm>> -> memref<512xi32, #tpu.memory_space<hbm>>
      tpu.enqueue_dma source(%dma_start3A_11 : memref<512xi32, #tpu.memory_space<hbm>>) target(%arg8 : memref<512xi32, #tpu.memory_space<vmem>>) target_semaphore(%run_scoped3A : memref<!tpu.dma_semaphore, #tpu.memory_space<semaphore_mem>>)
      %dma_wait3A = tpu.memref_slice %arg4[%mul3A_2] : memref<16384xi32, #tpu.memory_space<hbm>> -> memref<512xi32, #tpu.memory_space<hbm>>
      %dma_wait3A_12 = tpu.memref_slice %arg4[%mul3A_2] : memref<16384xi32, #tpu.memory_space<hbm>> -> memref<512xi32, #tpu.memory_space<hbm>>
      tpu.wait_dma2 semaphore(%run_scoped3A : memref<!tpu.dma_semaphore, #tpu.memory_space<semaphore_mem>>) src(%dma_wait3A_12 : memref<512xi32, #tpu.memory_space<hbm>>) dst(%arg8 : memref<512xi32, #tpu.memory_space<vmem>>)
      tpu.yield
    }) : () -> ()
    "tpu.region"() ({
      %run_scoped3A = tpu.sem_alloc : memref<!tpu.dma_semaphore, #tpu.memory_space<semaphore_mem>>
      %dma_start3A = tpu.memref_slice %arg5[%mul3A_2] : memref<16384xi32, #tpu.memory_space<hbm>> -> memref<512xi32, #tpu.memory_space<hbm>>
      %dma_start3A_11 = tpu.memref_slice %arg5[%mul3A_2] : memref<16384xi32, #tpu.memory_space<hbm>> -> memref<512xi32, #tpu.memory_space<hbm>>
      tpu.enqueue_dma source(%dma_start3A_11 : memref<512xi32, #tpu.memory_space<hbm>>) target(%arg9 : memref<512xi32, #tpu.memory_space<vmem>>) target_semaphore(%run_scoped3A : memref<!tpu.dma_semaphore, #tpu.memory_space<semaphore_mem>>)
      %dma_wait3A = tpu.memref_slice %arg5[%mul3A_2] : memref<16384xi32, #tpu.memory_space<hbm>> -> memref<512xi32, #tpu.memory_space<hbm>>
      %dma_wait3A_12 = tpu.memref_slice %arg5[%mul3A_2] : memref<16384xi32, #tpu.memory_space<hbm>> -> memref<512xi32, #tpu.memory_space<hbm>>
      tpu.wait_dma2 semaphore(%run_scoped3A : memref<!tpu.dma_semaphore, #tpu.memory_space<semaphore_mem>>) src(%dma_wait3A_12 : memref<512xi32, #tpu.memory_space<hbm>>) dst(%arg9 : memref<512xi32, #tpu.memory_space<vmem>>)
      tpu.yield
    }) : () -> ()
    %iota3A = tpu.iota {dimensions = array<i32: 0>} : vector<16xi32>
    %scan3A = arith.constant 0 : i32
    %scan3A_3 = arith.constant 32 : i32
    %scan3A_4 = arith.addi %scan3A, %scan3A_3 : i32
    %scan3A_5 = arith.constant 1 : i32
    scf.for %scan3A_11 = %scan3A to %scan3A_4 step %scan3A_5  : i32 {
      %mul3A_12 = arith.constant 16 : i32
      %mul3A_13 = arith.muli %scan3A_11, %mul3A_12 : i32
      %get3A = arith.index_cast %mul3A_13 : i32 to index
      %get3A_14 = tpu.vector_load %arg8[%get3A] {strides = array<i32>} : memref<512xi32, #tpu.memory_space<vmem>>, vector<16xi32>,
      %mul3A_15 = arith.constant 16 : i32
      %mul3A_16 = arith.muli %scan3A_11, %mul3A_15 : i32
      %get3A_17 = arith.index_cast %mul3A_16 : i32 to index
      %get3A_18 = tpu.vector_load %arg9[%get3A_17] {strides = array<i32>} : memref<512xi32, #tpu.memory_space<vmem>>, vector<16xi32>,
      %and3A = arith.constant -128 : i32
      %and3A_19 = vector.broadcast %and3A : i32 to vector<16xi32>
      %and3A_20 = arith.andi %get3A_14, %and3A_19 : vector<16xi32>
      %and3A_21 = arith.constant -128 : i32
      %and3A_22 = vector.broadcast %and3A_21 : i32 to vector<16xi32>
      %and3A_23 = arith.andi %get3A_18, %and3A_22 : vector<16xi32>
      %slice3A = vector.extract_strided_slice %and3A_20 {offsets = [0], sizes = [1], strides = [1]} : vector<16xi32> to vector<1xi32>
      %squeeze3A = vector.extract %slice3A[0] : i32 from vector<1xi32>
      %multiple_of3A = tpu.assume_multiple %squeeze3A, 128 : i32
      %dma_start3A = arith.constant 0 : i32
      %dma_start3A_24 = arith.constant 0 : i32
      %dma_start3A_25 = tpu.memref_slice %arg10[%dma_start3A, %dma_start3A_24] : memref<256x128xf32, #tpu.memory_space<vmem>> -> memref<16x128xf32, #tpu.memory_space<vmem>>
      %dma_start3A_26 = arith.constant 0 : i32
      %dma_start3A_27 = tpu.memref_slice %arg2[%dma_start3A_26, %multiple_of3A] : memref<16x1000000xf32, #tpu.memory_space<hbm>> -> memref<16x128xf32, #tpu.memory_space<hbm>>
      %dma_start3A_28 = arith.constant 0 : i32
      %dma_start3A_29 = arith.constant 0 : i32
      %dma_start3A_30 = tpu.memref_slice %arg10[%dma_start3A_28, %dma_start3A_29] : memref<256x128xf32, #tpu.memory_space<vmem>> -> memref<16x128xf32, #tpu.memory_space<vmem>>
      %dma_start3A_31 = arith.constant 0 : i32
      %dma_start3A_32 = tpu.memref_slice %arg2[%dma_start3A_31, %multiple_of3A] : memref<16x1000000xf32, #tpu.memory_space<hbm>> -> memref<16x128xf32, #tpu.memory_space<hbm>>
      tpu.enqueue_dma source(%dma_start3A_32 : memref<16x128xf32, #tpu.memory_space<hbm>>) target(%dma_start3A_30 : memref<16x128xf32, #tpu.memory_space<vmem>>) target_semaphore(%arg14 : memref<!tpu.dma_semaphore, #tpu.memory_space<semaphore_mem>>)
      %slice3A_33 = vector.extract_strided_slice %and3A_23 {offsets = [0], sizes = [1], strides = [1]} : vector<16xi32> to vector<1xi32>
      %squeeze3A_34 = vector.extract %slice3A_33[0] : i32 from vector<1xi32>
      %multiple_of3A_35 = tpu.assume_multiple %squeeze3A_34, 128 : i32
      %dma_start3A_36 = arith.constant 0 : i32
      %dma_start3A_37 = arith.constant 0 : i32
      %dma_start3A_38 = tpu.memref_slice %arg11[%dma_start3A_36, %dma_start3A_37] : memref<256x128xf32, #tpu.memory_space<vmem>> -> memref<16x128xf32, #tpu.memory_space<vmem>>
      %dma_start3A_39 = arith.constant 0 : i32
      %dma_start3A_40 = tpu.memref_slice %arg3[%dma_start3A_39, %multiple_of3A_35] : memref<16x1000000xf32, #tpu.memory_space<hbm>> -> memref<16x128xf32, #tpu.memory_space<hbm>>
      %dma_start3A_41 = arith.constant 0 : i32
      %dma_start3A_42 = arith.constant 0 : i32
      %dma_start3A_43 = tpu.memref_slice %arg11[%dma_start3A_41, %dma_start3A_42] : memref<256x128xf32, #tpu.memory_space<vmem>> -> memref<16x128xf32, #tpu.memory_space<vmem>>
      %dma_start3A_44 = arith.constant 0 : i32
      %dma_start3A_45 = tpu.memref_slice %arg3[%dma_start3A_44, %multiple_of3A_35] : memref<16x1000000xf32, #tpu.memory_space<hbm>> -> memref<16x128xf32, #tpu.memory_space<hbm>>
      tpu.enqueue_dma source(%dma_start3A_45 : memref<16x128xf32, #tpu.memory_space<hbm>>) target(%dma_start3A_43 : memref<16x128xf32, #tpu.memory_space<vmem>>) target_semaphore(%arg15 : memref<!tpu.dma_semaphore, #tpu.memory_space<semaphore_mem>>)
      %slice3A_46 = vector.extract_strided_slice %and3A_20 {offsets = [1], sizes = [1], strides = [1]} : vector<16xi32> to vector<1xi32>
      %squeeze3A_47 = vector.extract %slice3A_46[0] : i32 from vector<1xi32>
      %multiple_of3A_48 = tpu.assume_multiple %squeeze3A_47, 128 : i32
      %dma_start3A_49 = arith.constant 16 : i32
      %dma_start3A_50 = arith.constant 0 : i32
      %dma_start3A_51 = tpu.memref_slice %arg10[%dma_start3A_49, %dma_start3A_50] : memref<256x128xf32, #tpu.memory_space<vmem>> -> memref<16x128xf32, #tpu.memory_space<vmem>>
      %dma_start3A_52 = arith.constant 0 : i32
      %dma_start3A_53 = tpu.memref_slice %arg2[%dma_start3A_52, %multiple_of3A_48] : memref<16x1000000xf32, #tpu.memory_space<hbm>> -> memref<16x128xf32, #tpu.memory_space<hbm>>
      %dma_start3A_54 = arith.constant 16 : i32
      %dma_start3A_55 = arith.constant 0 : i32
      %dma_start3A_56 = tpu.memref_slice %arg10[%dma_start3A_54, %dma_start3A_55] : memref<256x128xf32, #tpu.memory_space<vmem>> -> memref<16x128xf32, #tpu.memory_space<vmem>>
      %dma_start3A_57 = arith.constant 0 : i32
      %dma_start3A_58 = tpu.memref_slice %arg2[%dma_start3A_57, %multiple_of3A_48] : memref<16x1000000xf32, #tpu.memory_space<hbm>> -> memref<16x128xf32, #tpu.memory_space<hbm>>
      tpu.enqueue_dma source(%dma_start3A_58 : memref<16x128xf32, #tpu.memory_space<hbm>>) target(%dma_start3A_56 : memref<16x128xf32, #tpu.memory_space<vmem>>) target_semaphore(%arg14 : memref<!tpu.dma_semaphore, #tpu.memory_space<semaphore_mem>>)
      %slice3A_59 = vector.extract_strided_slice %and3A_23 {offsets = [1], sizes = [1], strides = [1]} : vector<16xi32> to vector<1xi32>
      %squeeze3A_60 = vector.extract %slice3A_59[0] : i32 from vector<1xi32>
      %multiple_of3A_61 = tpu.assume_multiple %squeeze3A_60, 128 : i32
      %dma_start3A_62 = arith.constant 16 : i32
      %dma_start3A_63 = arith.constant 0 : i32
      %dma_start3A_64 = tpu.memref_slice %arg11[%dma_start3A_62, %dma_start3A_63] : memref<256x128xf32, #tpu.memory_space<vmem>> -> memref<16x128xf32, #tpu.memory_space<vmem>>
      %dma_start3A_65 = arith.constant 0 : i32
      %dma_start3A_66 = tpu.memref_slice %arg3[%dma_start3A_65, %multiple_of3A_61] : memref<16x1000000xf32, #tpu.memory_space<hbm>> -> memref<16x128xf32, #tpu.memory_space<hbm>>
      %dma_start3A_67 = arith.constant 16 : i32
      %dma_start3A_68 = arith.constant 0 : i32
      %dma_start3A_69 = tpu.memref_slice %arg11[%dma_start3A_67, %dma_start3A_68] : memref<256x128xf32, #tpu.memory_space<vmem>> -> memref<16x128xf32, #tpu.memory_space<vmem>>
      %dma_start3A_70 = arith.constant 0 : i32
      %dma_start3A_71 = tpu.memref_slice %arg3[%dma_start3A_70, %multiple_of3A_61] : memref<16x1000000xf32, #tpu.memory_space<hbm>> -> memref<16x128xf32, #tpu.memory_space<hbm>>
      tpu.enqueue_dma source(%dma_start3A_71 : memref<16x128xf32, #tpu.memory_space<hbm>>) target(%dma_start3A_69 : memref<16x128xf32, #tpu.memory_space<vmem>>) target_semaphore(%arg15 : memref<!tpu.dma_semaphore, #tpu.memory_space<semaphore_mem>>)
      %slice3A_72 = vector.extract_strided_slice %and3A_20 {offsets = [2], sizes = [1], strides = [1]} : vector<16xi32> to vector<1xi32>
      %squeeze3A_73 = vector.extract %slice3A_72[0] : i32 from vector<1xi32>
      %multiple_of3A_74 = tpu.assume_multiple %squeeze3A_73, 128 : i32
      %dma_start3A_75 = arith.constant 32 : i32
      %dma_start3A_76 = arith.constant 0 : i32
      %dma_start3A_77 = tpu.memref_slice %arg10[%dma_start3A_75, %dma_start3A_76] : memref<256x128xf32, #tpu.memory_space<vmem>> -> memref<16x128xf32, #tpu.memory_space<vmem>>
      %dma_start3A_78 = arith.constant 0 : i32
      %dma_start3A_79 = tpu.memref_slice %arg2[%dma_start3A_78, %multiple_of3A_74] : memref<16x1000000xf32, #tpu.memory_space<hbm>> -> memref<16x128xf32, #tpu.memory_space<hbm>>
      %dma_start3A_80 = arith.constant 32 : i32
      %dma_start3A_81 = arith.constant 0 : i32
      %dma_start3A_82 = tpu.memref_slice %arg10[%dma_start3A_80, %dma_start3A_81] : memref<256x128xf32, #tpu.memory_space<vmem>> -> memref<16x128xf32, #tpu.memory_space<vmem>>
      %dma_start3A_83 = arith.constant 0 : i32
      %dma_start3A_84 = tpu.memref_slice %arg2[%dma_start3A_83, %multiple_of3A_74] : memref<16x1000000xf32, #tpu.memory_space<hbm>> -> memref<16x128xf32, #tpu.memory_space<hbm>>
      tpu.enqueue_dma source(%dma_start3A_84 : memref<16x128xf32, #tpu.memory_space<hbm>>) target(%dma_start3A_82 : memref<16x128xf32, #tpu.memory_space<vmem>>) target_semaphore(%arg14 : memref<!tpu.dma_semaphore, #tpu.memory_space<semaphore_mem>>)
      %slice3A_85 = vector.extract_strided_slice %and3A_23 {offsets = [2], sizes = [1], strides = [1]} : vector<16xi32> to vector<1xi32>
      %squeeze3A_86 = vector.extract %slice3A_85[0] : i32 from vector<1xi32>
      %multiple_of3A_87 = tpu.assume_multiple %squeeze3A_86, 128 : i32
      %dma_start3A_88 = arith.constant 32 : i32
      %dma_start3A_89 = arith.constant 0 : i32
      %dma_start3A_90 = tpu.memref_slice %arg11[%dma_start3A_88, %dma_start3A_89] : memref<256x128xf32, #tpu.memory_space<vmem>> -> memref<16x128xf32, #tpu.memory_space<vmem>>
      %dma_start3A_91 = arith.constant 0 : i32
      %dma_start3A_92 = tpu.memref_slice %arg3[%dma_start3A_91, %multiple_of3A_87] : memref<16x1000000xf32, #tpu.memory_space<hbm>> -> memref<16x128xf32, #tpu.memory_space<hbm>>
      %dma_start3A_93 = arith.constant 32 : i32
      %dma_start3A_94 = arith.constant 0 : i32
      %dma_start3A_95 = tpu.memref_slice %arg11[%dma_start3A_93, %dma_start3A_94] : memref<256x128xf32, #tpu.memory_space<vmem>> -> memref<16x128xf32, #tpu.memory_space<vmem>>
      %dma_start3A_96 = arith.constant 0 : i32
      %dma_start3A_97 = tpu.memref_slice %arg3[%dma_start3A_96, %multiple_of3A_87] : memref<16x1000000xf32, #tpu.memory_space<hbm>> -> memref<16x128xf32, #tpu.memory_space<hbm>>
      tpu.enqueue_dma source(%dma_start3A_97 : memref<16x128xf32, #tpu.memory_space<hbm>>) target(%dma_start3A_95 : memref<16x128xf32, #tpu.memory_space<vmem>>) target_semaphore(%arg15 : memref<!tpu.dma_semaphore, #tpu.memory_space<semaphore_mem>>)
      %slice3A_98 = vector.extract_strided_slice %and3A_20 {offsets = [3], sizes = [1], strides = [1]} : vector<16xi32> to vector<1xi32>
      %squeeze3A_99 = vector.extract %slice3A_98[0] : i32 from vector<1xi32>
      %multiple_of3A_100 = tpu.assume_multiple %squeeze3A_99, 128 : i32
      %dma_start3A_101 = arith.constant 48 : i32
      %dma_start3A_102 = arith.constant 0 : i32
      %dma_start3A_103 = tpu.memref_slice %arg10[%dma_start3A_101, %dma_start3A_102] : memref<256x128xf32, #tpu.memory_space<vmem>> -> memref<16x128xf32, #tpu.memory_space<vmem>>
      %dma_start3A_104 = arith.constant 0 : i32
      %dma_start3A_105 = tpu.memref_slice %arg2[%dma_start3A_104, %multiple_of3A_100] : memref<16x1000000xf32, #tpu.memory_space<hbm>> -> memref<16x128xf32, #tpu.memory_space<hbm>>
      %dma_start3A_106 = arith.constant 48 : i32
      %dma_start3A_107 = arith.constant 0 : i32
      %dma_start3A_108 = tpu.memref_slice %arg10[%dma_start3A_106, %dma_start3A_107] : memref<256x128xf32, #tpu.memory_space<vmem>> -> memref<16x128xf32, #tpu.memory_space<vmem>>
      %dma_start3A_109 = arith.constant 0 : i32
      %dma_start3A_110 = tpu.memref_slice %arg2[%dma_start3A_109, %multiple_of3A_100] : memref<16x1000000xf32, #tpu.memory_space<hbm>> -> memref<16x128xf32, #tpu.memory_space<hbm>>
      tpu.enqueue_dma source(%dma_start3A_110 : memref<16x128xf32, #tpu.memory_space<hbm>>) target(%dma_start3A_108 : memref<16x128xf32, #tpu.memory_space<vmem>>) target_semaphore(%arg14 : memref<!tpu.dma_semaphore, #tpu.memory_space<semaphore_mem>>)
      %slice3A_111 = vector.extract_strided_slice %and3A_23 {offsets = [3], sizes = [1], strides = [1]} : vector<16xi32> to vector<1xi32>
      %squeeze3A_112 = vector.extract %slice3A_111[0] : i32 from vector<1xi32>
      %multiple_of3A_113 = tpu.assume_multiple %squeeze3A_112, 128 : i32
      %dma_start3A_114 = arith.constant 48 : i32
      %dma_start3A_115 = arith.constant 0 : i32
      %dma_start3A_116 = tpu.memref_slice %arg11[%dma_start3A_114, %dma_start3A_115] : memref<256x128xf32, #tpu.memory_space<vmem>> -> memref<16x128xf32, #tpu.memory_space<vmem>>
      %dma_start3A_117 = arith.constant 0 : i32
      %dma_start3A_118 = tpu.memref_slice %arg3[%dma_start3A_117, %multiple_of3A_113] : memref<16x1000000xf32, #tpu.memory_space<hbm>> -> memref<16x128xf32, #tpu.memory_space<hbm>>
      %dma_start3A_119 = arith.constant 48 : i32
      %dma_start3A_120 = arith.constant 0 : i32
      %dma_start3A_121 = tpu.memref_slice %arg11[%dma_start3A_119, %dma_start3A_120] : memref<256x128xf32, #tpu.memory_space<vmem>> -> memref<16x128xf32, #tpu.memory_space<vmem>>
      %dma_start3A_122 = arith.constant 0 : i32
      %dma_start3A_123 = tpu.memref_slice %arg3[%dma_start3A_122, %multiple_of3A_113] : memref<16x1000000xf32, #tpu.memory_space<hbm>> -> memref<16x128xf32, #tpu.memory_space<hbm>>
      tpu.enqueue_dma source(%dma_start3A_123 : memref<16x128xf32, #tpu.memory_space<hbm>>) target(%dma_start3A_121 : memref<16x128xf32, #tpu.memory_space<vmem>>) target_semaphore(%arg15 : memref<!tpu.dma_semaphore, #tpu.memory_space<semaphore_mem>>)
      %slice3A_124 = vector.extract_strided_slice %and3A_20 {offsets = [4], sizes = [1], strides = [1]} : vector<16xi32> to vector<1xi32>
      %squeeze3A_125 = vector.extract %slice3A_124[0] : i32 from vector<1xi32>
      %multiple_of3A_126 = tpu.assume_multiple %squeeze3A_125, 128 : i32
      %dma_start3A_127 = arith.constant 64 : i32
      %dma_start3A_128 = arith.constant 0 : i32
      %dma_start3A_129 = tpu.memref_slice %arg10[%dma_start3A_127, %dma_start3A_128] : memref<256x128xf32, #tpu.memory_space<vmem>> -> memref<16x128xf32, #tpu.memory_space<vmem>>
      %dma_start3A_130 = arith.constant 0 : i32
      %dma_start3A_131 = tpu.memref_slice %arg2[%dma_start3A_130, %multiple_of3A_126] : memref<16x1000000xf32, #tpu.memory_space<hbm>> -> memref<16x128xf32, #tpu.memory_space<hbm>>
      %dma_start3A_132 = arith.constant 64 : i32
      %dma_start3A_133 = arith.constant 0 : i32
      %dma_start3A_134 = tpu.memref_slice %arg10[%dma_start3A_132, %dma_start3A_133] : memref<256x128xf32, #tpu.memory_space<vmem>> -> memref<16x128xf32, #tpu.memory_space<vmem>>
      %dma_start3A_135 = arith.constant 0 : i32
      %dma_start3A_136 = tpu.memref_slice %arg2[%dma_start3A_135, %multiple_of3A_126] : memref<16x1000000xf32, #tpu.memory_space<hbm>> -> memref<16x128xf32, #tpu.memory_space<hbm>>
      tpu.enqueue_dma source(%dma_start3A_136 : memref<16x128xf32, #tpu.memory_space<hbm>>) target(%dma_start3A_134 : memref<16x128xf32, #tpu.memory_space<vmem>>) target_semaphore(%arg14 : memref<!tpu.dma_semaphore, #tpu.memory_space<semaphore_mem>>)
      %slice3A_137 = vector.extract_strided_slice %and3A_23 {offsets = [4], sizes = [1], strides = [1]} : vector<16xi32> to vector<1xi32>
      %squeeze3A_138 = vector.extract %slice3A_137[0] : i32 from vector<1xi32>
      %multiple_of3A_139 = tpu.assume_multiple %squeeze3A_138, 128 : i32
      %dma_start3A_140 = arith.constant 64 : i32
      %dma_start3A_141 = arith.constant 0 : i32
      %dma_start3A_142 = tpu.memref_slice %arg11[%dma_start3A_140, %dma_start3A_141] : memref<256x128xf32, #tpu.memory_space<vmem>> -> memref<16x128xf32, #tpu.memory_space<vmem>>
      %dma_start3A_143 = arith.constant 0 : i32
      %dma_start3A_144 = tpu.memref_slice %arg3[%dma_start3A_143, %multiple_of3A_139] : memref<16x1000000xf32, #tpu.memory_space<hbm>> -> memref<16x128xf32, #tpu.memory_space<hbm>>
      %dma_start3A_145 = arith.constant 64 : i32
      %dma_start3A_146 = arith.constant 0 : i32
      %dma_start3A_147 = tpu.memref_slice %arg11[%dma_start3A_145, %dma_start3A_146] : memref<256x128xf32, #tpu.memory_space<vmem>> -> memref<16x128xf32, #tpu.memory_space<vmem>>
      %dma_start3A_148 = arith.constant 0 : i32
      %dma_start3A_149 = tpu.memref_slice %arg3[%dma_start3A_148, %multiple_of3A_139] : memref<16x1000000xf32, #tpu.memory_space<hbm>> -> memref<16x128xf32, #tpu.memory_space<hbm>>
      tpu.enqueue_dma source(%dma_start3A_149 : memref<16x128xf32, #tpu.memory_space<hbm>>) target(%dma_start3A_147 : memref<16x128xf32, #tpu.memory_space<vmem>>) target_semaphore(%arg15 : memref<!tpu.dma_semaphore, #tpu.memory_space<semaphore_mem>>)
      %slice3A_150 = vector.extract_strided_slice %and3A_20 {offsets = [5], sizes = [1], strides = [1]} : vector<16xi32> to vector<1xi32>
      %squeeze3A_151 = vector.extract %slice3A_150[0] : i32 from vector<1xi32>
      %multiple_of3A_152 = tpu.assume_multiple %squeeze3A_151, 128 : i32
      %dma_start3A_153 = arith.constant 80 : i32
      %dma_start3A_154 = arith.constant 0 : i32
      %dma_start3A_155 = tpu.memref_slice %arg10[%dma_start3A_153, %dma_start3A_154] : memref<256x128xf32, #tpu.memory_space<vmem>> -> memref<16x128xf32, #tpu.memory_space<vmem>>
      %dma_start3A_156 = arith.constant 0 : i32
      %dma_start3A_157 = tpu.memref_slice %arg2[%dma_start3A_156, %multiple_of3A_152] : memref<16x1000000xf32, #tpu.memory_space<hbm>> -> memref<16x128xf32, #tpu.memory_space<hbm>>
      %dma_start3A_158 = arith.constant 80 : i32
      %dma_start3A_159 = arith.constant 0 : i32
      %dma_start3A_160 = tpu.memref_slice %arg10[%dma_start3A_158, %dma_start3A_159] : memref<256x128xf32, #tpu.memory_space<vmem>> -> memref<16x128xf32, #tpu.memory_space<vmem>>
      %dma_start3A_161 = arith.constant 0 : i32
      %dma_start3A_162 = tpu.memref_slice %arg2[%dma_start3A_161, %multiple_of3A_152] : memref<16x1000000xf32, #tpu.memory_space<hbm>> -> memref<16x128xf32, #tpu.memory_space<hbm>>
      tpu.enqueue_dma source(%dma_start3A_162 : memref<16x128xf32, #tpu.memory_space<hbm>>) target(%dma_start3A_160 : memref<16x128xf32, #tpu.memory_space<vmem>>) target_semaphore(%arg14 : memref<!tpu.dma_semaphore, #tpu.memory_space<semaphore_mem>>)
      %slice3A_163 = vector.extract_strided_slice %and3A_23 {offsets = [5], sizes = [1], strides = [1]} : vector<16xi32> to vector<1xi32>
      %squeeze3A_164 = vector.extract %slice3A_163[0] : i32 from vector<1xi32>
      %multiple_of3A_165 = tpu.assume_multiple %squeeze3A_164, 128 : i32
      %dma_start3A_166 = arith.constant 80 : i32
      %dma_start3A_167 = arith.constant 0 : i32
      %dma_start3A_168 = tpu.memref_slice %arg11[%dma_start3A_166, %dma_start3A_167] : memref<256x128xf32, #tpu.memory_space<vmem>> -> memref<16x128xf32, #tpu.memory_space<vmem>>
      %dma_start3A_169 = arith.constant 0 : i32
      %dma_start3A_170 = tpu.memref_slice %arg3[%dma_start3A_169, %multiple_of3A_165] : memref<16x1000000xf32, #tpu.memory_space<hbm>> -> memref<16x128xf32, #tpu.memory_space<hbm>>
      %dma_start3A_171 = arith.constant 80 : i32
      %dma_start3A_172 = arith.constant 0 : i32
      %dma_start3A_173 = tpu.memref_slice %arg11[%dma_start3A_171, %dma_start3A_172] : memref<256x128xf32, #tpu.memory_space<vmem>> -> memref<16x128xf32, #tpu.memory_space<vmem>>
      %dma_start3A_174 = arith.constant 0 : i32
      %dma_start3A_175 = tpu.memref_slice %arg3[%dma_start3A_174, %multiple_of3A_165] : memref<16x1000000xf32, #tpu.memory_space<hbm>> -> memref<16x128xf32, #tpu.memory_space<hbm>>
      tpu.enqueue_dma source(%dma_start3A_175 : memref<16x128xf32, #tpu.memory_space<hbm>>) target(%dma_start3A_173 : memref<16x128xf32, #tpu.memory_space<vmem>>) target_semaphore(%arg15 : memref<!tpu.dma_semaphore, #tpu.memory_space<semaphore_mem>>)
      %slice3A_176 = vector.extract_strided_slice %and3A_20 {offsets = [6], sizes = [1], strides = [1]} : vector<16xi32> to vector<1xi32>
      %squeeze3A_177 = vector.extract %slice3A_176[0] : i32 from vector<1xi32>
      %multiple_of3A_178 = tpu.assume_multiple %squeeze3A_177, 128 : i32
      %dma_start3A_179 = arith.constant 96 : i32
      %dma_start3A_180 = arith.constant 0 : i32
      %dma_start3A_181 = tpu.memref_slice %arg10[%dma_start3A_179, %dma_start3A_180] : memref<256x128xf32, #tpu.memory_space<vmem>> -> memref<16x128xf32, #tpu.memory_space<vmem>>
      %dma_start3A_182 = arith.constant 0 : i32
      %dma_start3A_183 = tpu.memref_slice %arg2[%dma_start3A_182, %multiple_of3A_178] : memref<16x1000000xf32, #tpu.memory_space<hbm>> -> memref<16x128xf32, #tpu.memory_space<hbm>>
      %dma_start3A_184 = arith.constant 96 : i32
      %dma_start3A_185 = arith.constant 0 : i32
      %dma_start3A_186 = tpu.memref_slice %arg10[%dma_start3A_184, %dma_start3A_185] : memref<256x128xf32, #tpu.memory_space<vmem>> -> memref<16x128xf32, #tpu.memory_space<vmem>>
      %dma_start3A_187 = arith.constant 0 : i32
      %dma_start3A_188 = tpu.memref_slice %arg2[%dma_start3A_187, %multiple_of3A_178] : memref<16x1000000xf32, #tpu.memory_space<hbm>> -> memref<16x128xf32, #tpu.memory_space<hbm>>
      tpu.enqueue_dma source(%dma_start3A_188 : memref<16x128xf32, #tpu.memory_space<hbm>>) target(%dma_start3A_186 : memref<16x128xf32, #tpu.memory_space<vmem>>) target_semaphore(%arg14 : memref<!tpu.dma_semaphore, #tpu.memory_space<semaphore_mem>>)
      %slice3A_189 = vector.extract_strided_slice %and3A_23 {offsets = [6], sizes = [1], strides = [1]} : vector<16xi32> to vector<1xi32>
      %squeeze3A_190 = vector.extract %slice3A_189[0] : i32 from vector<1xi32>
      %multiple_of3A_191 = tpu.assume_multiple %squeeze3A_190, 128 : i32
      %dma_start3A_192 = arith.constant 96 : i32
      %dma_start3A_193 = arith.constant 0 : i32
      %dma_start3A_194 = tpu.memref_slice %arg11[%dma_start3A_192, %dma_start3A_193] : memref<256x128xf32, #tpu.memory_space<vmem>> -> memref<16x128xf32, #tpu.memory_space<vmem>>
      %dma_start3A_195 = arith.constant 0 : i32
      %dma_start3A_196 = tpu.memref_slice %arg3[%dma_start3A_195, %multiple_of3A_191] : memref<16x1000000xf32, #tpu.memory_space<hbm>> -> memref<16x128xf32, #tpu.memory_space<hbm>>
      %dma_start3A_197 = arith.constant 96 : i32
      %dma_start3A_198 = arith.constant 0 : i32
      %dma_start3A_199 = tpu.memref_slice %arg11[%dma_start3A_197, %dma_start3A_198] : memref<256x128xf32, #tpu.memory_space<vmem>> -> memref<16x128xf32, #tpu.memory_space<vmem>>
      %dma_start3A_200 = arith.constant 0 : i32
      %dma_start3A_201 = tpu.memref_slice %arg3[%dma_start3A_200, %multiple_of3A_191] : memref<16x1000000xf32, #tpu.memory_space<hbm>> -> memref<16x128xf32, #tpu.memory_space<hbm>>
      tpu.enqueue_dma source(%dma_start3A_201 : memref<16x128xf32, #tpu.memory_space<hbm>>) target(%dma_start3A_199 : memref<16x128xf32, #tpu.memory_space<vmem>>) target_semaphore(%arg15 : memref<!tpu.dma_semaphore, #tpu.memory_space<semaphore_mem>>)
      %slice3A_202 = vector.extract_strided_slice %and3A_20 {offsets = [7], sizes = [1], strides = [1]} : vector<16xi32> to vector<1xi32>
      %squeeze3A_203 = vector.extract %slice3A_202[0] : i32 from vector<1xi32>
      %multiple_of3A_204 = tpu.assume_multiple %squeeze3A_203, 128 : i32
      %dma_start3A_205 = arith.constant 112 : i32
      %dma_start3A_206 = arith.constant 0 : i32
      %dma_start3A_207 = tpu.memref_slice %arg10[%dma_start3A_205, %dma_start3A_206] : memref<256x128xf32, #tpu.memory_space<vmem>> -> memref<16x128xf32, #tpu.memory_space<vmem>>
      %dma_start3A_208 = arith.constant 0 : i32
      %dma_start3A_209 = tpu.memref_slice %arg2[%dma_start3A_208, %multiple_of3A_204] : memref<16x1000000xf32, #tpu.memory_space<hbm>> -> memref<16x128xf32, #tpu.memory_space<hbm>>
      %dma_start3A_210 = arith.constant 112 : i32
      %dma_start3A_211 = arith.constant 0 : i32
      %dma_start3A_212 = tpu.memref_slice %arg10[%dma_start3A_210, %dma_start3A_211] : memref<256x128xf32, #tpu.memory_space<vmem>> -> memref<16x128xf32, #tpu.memory_space<vmem>>
      %dma_start3A_213 = arith.constant 0 : i32
      %dma_start3A_214 = tpu.memref_slice %arg2[%dma_start3A_213, %multiple_of3A_204] : memref<16x1000000xf32, #tpu.memory_space<hbm>> -> memref<16x128xf32, #tpu.memory_space<hbm>>
      tpu.enqueue_dma source(%dma_start3A_214 : memref<16x128xf32, #tpu.memory_space<hbm>>) target(%dma_start3A_212 : memref<16x128xf32, #tpu.memory_space<vmem>>) target_semaphore(%arg14 : memref<!tpu.dma_semaphore, #tpu.memory_space<semaphore_mem>>)
      %slice3A_215 = vector.extract_strided_slice %and3A_23 {offsets = [7], sizes = [1], strides = [1]} : vector<16xi32> to vector<1xi32>
      %squeeze3A_216 = vector.extract %slice3A_215[0] : i32 from vector<1xi32>
      %multiple_of3A_217 = tpu.assume_multiple %squeeze3A_216, 128 : i32
      %dma_start3A_218 = arith.constant 112 : i32
      %dma_start3A_219 = arith.constant 0 : i32
      %dma_start3A_220 = tpu.memref_slice %arg11[%dma_start3A_218, %dma_start3A_219] : memref<256x128xf32, #tpu.memory_space<vmem>> -> memref<16x128xf32, #tpu.memory_space<vmem>>
      %dma_start3A_221 = arith.constant 0 : i32
      %dma_start3A_222 = tpu.memref_slice %arg3[%dma_start3A_221, %multiple_of3A_217] : memref<16x1000000xf32, #tpu.memory_space<hbm>> -> memref<16x128xf32, #tpu.memory_space<hbm>>
      %dma_start3A_223 = arith.constant 112 : i32
      %dma_start3A_224 = arith.constant 0 : i32
      %dma_start3A_225 = tpu.memref_slice %arg11[%dma_start3A_223, %dma_start3A_224] : memref<256x128xf32, #tpu.memory_space<vmem>> -> memref<16x128xf32, #tpu.memory_space<vmem>>
      %dma_start3A_226 = arith.constant 0 : i32
      %dma_start3A_227 = tpu.memref_slice %arg3[%dma_start3A_226, %multiple_of3A_217] : memref<16x1000000xf32, #tpu.memory_space<hbm>> -> memref<16x128xf32, #tpu.memory_space<hbm>>
      tpu.enqueue_dma source(%dma_start3A_227 : memref<16x128xf32, #tpu.memory_space<hbm>>) target(%dma_start3A_225 : memref<16x128xf32, #tpu.memory_space<vmem>>) target_semaphore(%arg15 : memref<!tpu.dma_semaphore, #tpu.memory_space<semaphore_mem>>)
      %slice3A_228 = vector.extract_strided_slice %and3A_20 {offsets = [8], sizes = [1], strides = [1]} : vector<16xi32> to vector<1xi32>
      %squeeze3A_229 = vector.extract %slice3A_228[0] : i32 from vector<1xi32>
      %multiple_of3A_230 = tpu.assume_multiple %squeeze3A_229, 128 : i32
      %dma_start3A_231 = arith.constant 128 : i32
      %dma_start3A_232 = arith.constant 0 : i32
      %dma_start3A_233 = tpu.memref_slice %arg10[%dma_start3A_231, %dma_start3A_232] : memref<256x128xf32, #tpu.memory_space<vmem>> -> memref<16x128xf32, #tpu.memory_space<vmem>>
      %dma_start3A_234 = arith.constant 0 : i32
      %dma_start3A_235 = tpu.memref_slice %arg2[%dma_start3A_234, %multiple_of3A_230] : memref<16x1000000xf32, #tpu.memory_space<hbm>> -> memref<16x128xf32, #tpu.memory_space<hbm>>
      %dma_start3A_236 = arith.constant 128 : i32
      %dma_start3A_237 = arith.constant 0 : i32
      %dma_start3A_238 = tpu.memref_slice %arg10[%dma_start3A_236, %dma_start3A_237] : memref<256x128xf32, #tpu.memory_space<vmem>> -> memref<16x128xf32, #tpu.memory_space<vmem>>
      %dma_start3A_239 = arith.constant 0 : i32
      %dma_start3A_240 = tpu.memref_slice %arg2[%dma_start3A_239, %multiple_of3A_230] : memref<16x1000000xf32, #tpu.memory_space<hbm>> -> memref<16x128xf32, #tpu.memory_space<hbm>>
      tpu.enqueue_dma source(%dma_start3A_240 : memref<16x128xf32, #tpu.memory_space<hbm>>) target(%dma_start3A_238 : memref<16x128xf32, #tpu.memory_space<vmem>>) target_semaphore(%arg14 : memref<!tpu.dma_semaphore, #tpu.memory_space<semaphore_mem>>)
      %slice3A_241 = vector.extract_strided_slice %and3A_23 {offsets = [8], sizes = [1], strides = [1]} : vector<16xi32> to vector<1xi32>
      %squeeze3A_242 = vector.extract %slice3A_241[0] : i32 from vector<1xi32>
      %multiple_of3A_243 = tpu.assume_multiple %squeeze3A_242, 128 : i32
      %dma_start3A_244 = arith.constant 128 : i32
      %dma_start3A_245 = arith.constant 0 : i32
      %dma_start3A_246 = tpu.memref_slice %arg11[%dma_start3A_244, %dma_start3A_245] : memref<256x128xf32, #tpu.memory_space<vmem>> -> memref<16x128xf32, #tpu.memory_space<vmem>>
      %dma_start3A_247 = arith.constant 0 : i32
      %dma_start3A_248 = tpu.memref_slice %arg3[%dma_start3A_247, %multiple_of3A_243] : memref<16x1000000xf32, #tpu.memory_space<hbm>> -> memref<16x128xf32, #tpu.memory_space<hbm>>
      %dma_start3A_249 = arith.constant 128 : i32
      %dma_start3A_250 = arith.constant 0 : i32
      %dma_start3A_251 = tpu.memref_slice %arg11[%dma_start3A_249, %dma_start3A_250] : memref<256x128xf32, #tpu.memory_space<vmem>> -> memref<16x128xf32, #tpu.memory_space<vmem>>
      %dma_start3A_252 = arith.constant 0 : i32
      %dma_start3A_253 = tpu.memref_slice %arg3[%dma_start3A_252, %multiple_of3A_243] : memref<16x1000000xf32, #tpu.memory_space<hbm>> -> memref<16x128xf32, #tpu.memory_space<hbm>>
      tpu.enqueue_dma source(%dma_start3A_253 : memref<16x128xf32, #tpu.memory_space<hbm>>) target(%dma_start3A_251 : memref<16x128xf32, #tpu.memory_space<vmem>>) target_semaphore(%arg15 : memref<!tpu.dma_semaphore, #tpu.memory_space<semaphore_mem>>)
      %slice3A_254 = vector.extract_strided_slice %and3A_20 {offsets = [9], sizes = [1], strides = [1]} : vector<16xi32> to vector<1xi32>
      %squeeze3A_255 = vector.extract %slice3A_254[0] : i32 from vector<1xi32>
      %multiple_of3A_256 = tpu.assume_multiple %squeeze3A_255, 128 : i32
      %dma_start3A_257 = arith.constant 144 : i32
      %dma_start3A_258 = arith.constant 0 : i32
      %dma_start3A_259 = tpu.memref_slice %arg10[%dma_start3A_257, %dma_start3A_258] : memref<256x128xf32, #tpu.memory_space<vmem>> -> memref<16x128xf32, #tpu.memory_space<vmem>>
      %dma_start3A_260 = arith.constant 0 : i32
      %dma_start3A_261 = tpu.memref_slice %arg2[%dma_start3A_260, %multiple_of3A_256] : memref<16x1000000xf32, #tpu.memory_space<hbm>> -> memref<16x128xf32, #tpu.memory_space<hbm>>
      %dma_start3A_262 = arith.constant 144 : i32
      %dma_start3A_263 = arith.constant 0 : i32
      %dma_start3A_264 = tpu.memref_slice %arg10[%dma_start3A_262, %dma_start3A_263] : memref<256x128xf32, #tpu.memory_space<vmem>> -> memref<16x128xf32, #tpu.memory_space<vmem>>
      %dma_start3A_265 = arith.constant 0 : i32
      %dma_start3A_266 = tpu.memref_slice %arg2[%dma_start3A_265, %multiple_of3A_256] : memref<16x1000000xf32, #tpu.memory_space<hbm>> -> memref<16x128xf32, #tpu.memory_space<hbm>>
      tpu.enqueue_dma source(%dma_start3A_266 : memref<16x128xf32, #tpu.memory_space<hbm>>) target(%dma_start3A_264 : memref<16x128xf32, #tpu.memory_space<vmem>>) target_semaphore(%arg14 : memref<!tpu.dma_semaphore, #tpu.memory_space<semaphore_mem>>)
      %slice3A_267 = vector.extract_strided_slice %and3A_23 {offsets = [9], sizes = [1], strides = [1]} : vector<16xi32> to vector<1xi32>
      %squeeze3A_268 = vector.extract %slice3A_267[0] : i32 from vector<1xi32>
      %multiple_of3A_269 = tpu.assume_multiple %squeeze3A_268, 128 : i32
      %dma_start3A_270 = arith.constant 144 : i32
      %dma_start3A_271 = arith.constant 0 : i32
      %dma_start3A_272 = tpu.memref_slice %arg11[%dma_start3A_270, %dma_start3A_271] : memref<256x128xf32, #tpu.memory_space<vmem>> -> memref<16x128xf32, #tpu.memory_space<vmem>>
      %dma_start3A_273 = arith.constant 0 : i32
      %dma_start3A_274 = tpu.memref_slice %arg3[%dma_start3A_273, %multiple_of3A_269] : memref<16x1000000xf32, #tpu.memory_space<hbm>> -> memref<16x128xf32, #tpu.memory_space<hbm>>
      %dma_start3A_275 = arith.constant 144 : i32
      %dma_start3A_276 = arith.constant 0 : i32
      %dma_start3A_277 = tpu.memref_slice %arg11[%dma_start3A_275, %dma_start3A_276] : memref<256x128xf32, #tpu.memory_space<vmem>> -> memref<16x128xf32, #tpu.memory_space<vmem>>
      %dma_start3A_278 = arith.constant 0 : i32
      %dma_start3A_279 = tpu.memref_slice %arg3[%dma_start3A_278, %multiple_of3A_269] : memref<16x1000000xf32, #tpu.memory_space<hbm>> -> memref<16x128xf32, #tpu.memory_space<hbm>>
      tpu.enqueue_dma source(%dma_start3A_279 : memref<16x128xf32, #tpu.memory_space<hbm>>) target(%dma_start3A_277 : memref<16x128xf32, #tpu.memory_space<vmem>>) target_semaphore(%arg15 : memref<!tpu.dma_semaphore, #tpu.memory_space<semaphore_mem>>)
      %slice3A_280 = vector.extract_strided_slice %and3A_20 {offsets = [10], sizes = [1], strides = [1]} : vector<16xi32> to vector<1xi32>
      %squeeze3A_281 = vector.extract %slice3A_280[0] : i32 from vector<1xi32>
      %multiple_of3A_282 = tpu.assume_multiple %squeeze3A_281, 128 : i32
      %dma_start3A_283 = arith.constant 160 : i32
      %dma_start3A_284 = arith.constant 0 : i32
      %dma_start3A_285 = tpu.memref_slice %arg10[%dma_start3A_283, %dma_start3A_284] : memref<256x128xf32, #tpu.memory_space<vmem>> -> memref<16x128xf32, #tpu.memory_space<vmem>>
      %dma_start3A_286 = arith.constant 0 : i32
      %dma_start3A_287 = tpu.memref_slice %arg2[%dma_start3A_286, %multiple_of3A_282] : memref<16x1000000xf32, #tpu.memory_space<hbm>> -> memref<16x128xf32, #tpu.memory_space<hbm>>
      %dma_start3A_288 = arith.constant 160 : i32
      %dma_start3A_289 = arith.constant 0 : i32
      %dma_start3A_290 = tpu.memref_slice %arg10[%dma_start3A_288, %dma_start3A_289] : memref<256x128xf32, #tpu.memory_space<vmem>> -> memref<16x128xf32, #tpu.memory_space<vmem>>
      %dma_start3A_291 = arith.constant 0 : i32
      %dma_start3A_292 = tpu.memref_slice %arg2[%dma_start3A_291, %multiple_of3A_282] : memref<16x1000000xf32, #tpu.memory_space<hbm>> -> memref<16x128xf32, #tpu.memory_space<hbm>>
      tpu.enqueue_dma source(%dma_start3A_292 : memref<16x128xf32, #tpu.memory_space<hbm>>) target(%dma_start3A_290 : memref<16x128xf32, #tpu.memory_space<vmem>>) target_semaphore(%arg14 : memref<!tpu.dma_semaphore, #tpu.memory_space<semaphore_mem>>)
      %slice3A_293 = vector.extract_strided_slice %and3A_23 {offsets = [10], sizes = [1], strides = [1]} : vector<16xi32> to vector<1xi32>
      %squeeze3A_294 = vector.extract %slice3A_293[0] : i32 from vector<1xi32>
      %multiple_of3A_295 = tpu.assume_multiple %squeeze3A_294, 128 : i32
      %dma_start3A_296 = arith.constant 160 : i32
      %dma_start3A_297 = arith.constant 0 : i32
      %dma_start3A_298 = tpu.memref_slice %arg11[%dma_start3A_296, %dma_start3A_297] : memref<256x128xf32, #tpu.memory_space<vmem>> -> memref<16x128xf32, #tpu.memory_space<vmem>>
      %dma_start3A_299 = arith.constant 0 : i32
      %dma_start3A_300 = tpu.memref_slice %arg3[%dma_start3A_299, %multiple_of3A_295] : memref<16x1000000xf32, #tpu.memory_space<hbm>> -> memref<16x128xf32, #tpu.memory_space<hbm>>
      %dma_start3A_301 = arith.constant 160 : i32
      %dma_start3A_302 = arith.constant 0 : i32
      %dma_start3A_303 = tpu.memref_slice %arg11[%dma_start3A_301, %dma_start3A_302] : memref<256x128xf32, #tpu.memory_space<vmem>> -> memref<16x128xf32, #tpu.memory_space<vmem>>
      %dma_start3A_304 = arith.constant 0 : i32
      %dma_start3A_305 = tpu.memref_slice %arg3[%dma_start3A_304, %multiple_of3A_295] : memref<16x1000000xf32, #tpu.memory_space<hbm>> -> memref<16x128xf32, #tpu.memory_space<hbm>>
      tpu.enqueue_dma source(%dma_start3A_305 : memref<16x128xf32, #tpu.memory_space<hbm>>) target(%dma_start3A_303 : memref<16x128xf32, #tpu.memory_space<vmem>>) target_semaphore(%arg15 : memref<!tpu.dma_semaphore, #tpu.memory_space<semaphore_mem>>)
      %slice3A_306 = vector.extract_strided_slice %and3A_20 {offsets = [11], sizes = [1], strides = [1]} : vector<16xi32> to vector<1xi32>
      %squeeze3A_307 = vector.extract %slice3A_306[0] : i32 from vector<1xi32>
      %multiple_of3A_308 = tpu.assume_multiple %squeeze3A_307, 128 : i32
      %dma_start3A_309 = arith.constant 176 : i32
      %dma_start3A_310 = arith.constant 0 : i32
      %dma_start3A_311 = tpu.memref_slice %arg10[%dma_start3A_309, %dma_start3A_310] : memref<256x128xf32, #tpu.memory_space<vmem>> -> memref<16x128xf32, #tpu.memory_space<vmem>>
      %dma_start3A_312 = arith.constant 0 : i32
      %dma_start3A_313 = tpu.memref_slice %arg2[%dma_start3A_312, %multiple_of3A_308] : memref<16x1000000xf32, #tpu.memory_space<hbm>> -> memref<16x128xf32, #tpu.memory_space<hbm>>
      %dma_start3A_314 = arith.constant 176 : i32
      %dma_start3A_315 = arith.constant 0 : i32
      %dma_start3A_316 = tpu.memref_slice %arg10[%dma_start3A_314, %dma_start3A_315] : memref<256x128xf32, #tpu.memory_space<vmem>> -> memref<16x128xf32, #tpu.memory_space<vmem>>
      %dma_start3A_317 = arith.constant 0 : i32
      %dma_start3A_318 = tpu.memref_slice %arg2[%dma_start3A_317, %multiple_of3A_308] : memref<16x1000000xf32, #tpu.memory_space<hbm>> -> memref<16x128xf32, #tpu.memory_space<hbm>>
      tpu.enqueue_dma source(%dma_start3A_318 : memref<16x128xf32, #tpu.memory_space<hbm>>) target(%dma_start3A_316 : memref<16x128xf32, #tpu.memory_space<vmem>>) target_semaphore(%arg14 : memref<!tpu.dma_semaphore, #tpu.memory_space<semaphore_mem>>)
      %slice3A_319 = vector.extract_strided_slice %and3A_23 {offsets = [11], sizes = [1], strides = [1]} : vector<16xi32> to vector<1xi32>
      %squeeze3A_320 = vector.extract %slice3A_319[0] : i32 from vector<1xi32>
      %multiple_of3A_321 = tpu.assume_multiple %squeeze3A_320, 128 : i32
      %dma_start3A_322 = arith.constant 176 : i32
      %dma_start3A_323 = arith.constant 0 : i32
      %dma_start3A_324 = tpu.memref_slice %arg11[%dma_start3A_322, %dma_start3A_323] : memref<256x128xf32, #tpu.memory_space<vmem>> -> memref<16x128xf32, #tpu.memory_space<vmem>>
      %dma_start3A_325 = arith.constant 0 : i32
      %dma_start3A_326 = tpu.memref_slice %arg3[%dma_start3A_325, %multiple_of3A_321] : memref<16x1000000xf32, #tpu.memory_space<hbm>> -> memref<16x128xf32, #tpu.memory_space<hbm>>
      %dma_start3A_327 = arith.constant 176 : i32
      %dma_start3A_328 = arith.constant 0 : i32
      %dma_start3A_329 = tpu.memref_slice %arg11[%dma_start3A_327, %dma_start3A_328] : memref<256x128xf32, #tpu.memory_space<vmem>> -> memref<16x128xf32, #tpu.memory_space<vmem>>
      %dma_start3A_330 = arith.constant 0 : i32
      %dma_start3A_331 = tpu.memref_slice %arg3[%dma_start3A_330, %multiple_of3A_321] : memref<16x1000000xf32, #tpu.memory_space<hbm>> -> memref<16x128xf32, #tpu.memory_space<hbm>>
      tpu.enqueue_dma source(%dma_start3A_331 : memref<16x128xf32, #tpu.memory_space<hbm>>) target(%dma_start3A_329 : memref<16x128xf32, #tpu.memory_space<vmem>>) target_semaphore(%arg15 : memref<!tpu.dma_semaphore, #tpu.memory_space<semaphore_mem>>)
      %slice3A_332 = vector.extract_strided_slice %and3A_20 {offsets = [12], sizes = [1], strides = [1]} : vector<16xi32> to vector<1xi32>
      %squeeze3A_333 = vector.extract %slice3A_332[0] : i32 from vector<1xi32>
      %multiple_of3A_334 = tpu.assume_multiple %squeeze3A_333, 128 : i32
      %dma_start3A_335 = arith.constant 192 : i32
      %dma_start3A_336 = arith.constant 0 : i32
      %dma_start3A_337 = tpu.memref_slice %arg10[%dma_start3A_335, %dma_start3A_336] : memref<256x128xf32, #tpu.memory_space<vmem>> -> memref<16x128xf32, #tpu.memory_space<vmem>>
      %dma_start3A_338 = arith.constant 0 : i32
      %dma_start3A_339 = tpu.memref_slice %arg2[%dma_start3A_338, %multiple_of3A_334] : memref<16x1000000xf32, #tpu.memory_space<hbm>> -> memref<16x128xf32, #tpu.memory_space<hbm>>
      %dma_start3A_340 = arith.constant 192 : i32
      %dma_start3A_341 = arith.constant 0 : i32
      %dma_start3A_342 = tpu.memref_slice %arg10[%dma_start3A_340, %dma_start3A_341] : memref<256x128xf32, #tpu.memory_space<vmem>> -> memref<16x128xf32, #tpu.memory_space<vmem>>
      %dma_start3A_343 = arith.constant 0 : i32
      %dma_start3A_344 = tpu.memref_slice %arg2[%dma_start3A_343, %multiple_of3A_334] : memref<16x1000000xf32, #tpu.memory_space<hbm>> -> memref<16x128xf32, #tpu.memory_space<hbm>>
      tpu.enqueue_dma source(%dma_start3A_344 : memref<16x128xf32, #tpu.memory_space<hbm>>) target(%dma_start3A_342 : memref<16x128xf32, #tpu.memory_space<vmem>>) target_semaphore(%arg14 : memref<!tpu.dma_semaphore, #tpu.memory_space<semaphore_mem>>)
      %slice3A_345 = vector.extract_strided_slice %and3A_23 {offsets = [12], sizes = [1], strides = [1]} : vector<16xi32> to vector<1xi32>
      %squeeze3A_346 = vector.extract %slice3A_345[0] : i32 from vector<1xi32>
      %multiple_of3A_347 = tpu.assume_multiple %squeeze3A_346, 128 : i32
      %dma_start3A_348 = arith.constant 192 : i32
      %dma_start3A_349 = arith.constant 0 : i32
      %dma_start3A_350 = tpu.memref_slice %arg11[%dma_start3A_348, %dma_start3A_349] : memref<256x128xf32, #tpu.memory_space<vmem>> -> memref<16x128xf32, #tpu.memory_space<vmem>>
      %dma_start3A_351 = arith.constant 0 : i32
      %dma_start3A_352 = tpu.memref_slice %arg3[%dma_start3A_351, %multiple_of3A_347] : memref<16x1000000xf32, #tpu.memory_space<hbm>> -> memref<16x128xf32, #tpu.memory_space<hbm>>
      %dma_start3A_353 = arith.constant 192 : i32
      %dma_start3A_354 = arith.constant 0 : i32
      %dma_start3A_355 = tpu.memref_slice %arg11[%dma_start3A_353, %dma_start3A_354] : memref<256x128xf32, #tpu.memory_space<vmem>> -> memref<16x128xf32, #tpu.memory_space<vmem>>
      %dma_start3A_356 = arith.constant 0 : i32
      %dma_start3A_357 = tpu.memref_slice %arg3[%dma_start3A_356, %multiple_of3A_347] : memref<16x1000000xf32, #tpu.memory_space<hbm>> -> memref<16x128xf32, #tpu.memory_space<hbm>>
      tpu.enqueue_dma source(%dma_start3A_357 : memref<16x128xf32, #tpu.memory_space<hbm>>) target(%dma_start3A_355 : memref<16x128xf32, #tpu.memory_space<vmem>>) target_semaphore(%arg15 : memref<!tpu.dma_semaphore, #tpu.memory_space<semaphore_mem>>)
      %slice3A_358 = vector.extract_strided_slice %and3A_20 {offsets = [13], sizes = [1], strides = [1]} : vector<16xi32> to vector<1xi32>
      %squeeze3A_359 = vector.extract %slice3A_358[0] : i32 from vector<1xi32>
      %multiple_of3A_360 = tpu.assume_multiple %squeeze3A_359, 128 : i32
      %dma_start3A_361 = arith.constant 208 : i32
      %dma_start3A_362 = arith.constant 0 : i32
      %dma_start3A_363 = tpu.memref_slice %arg10[%dma_start3A_361, %dma_start3A_362] : memref<256x128xf32, #tpu.memory_space<vmem>> -> memref<16x128xf32, #tpu.memory_space<vmem>>
      %dma_start3A_364 = arith.constant 0 : i32
      %dma_start3A_365 = tpu.memref_slice %arg2[%dma_start3A_364, %multiple_of3A_360] : memref<16x1000000xf32, #tpu.memory_space<hbm>> -> memref<16x128xf32, #tpu.memory_space<hbm>>
      %dma_start3A_366 = arith.constant 208 : i32
      %dma_start3A_367 = arith.constant 0 : i32
      %dma_start3A_368 = tpu.memref_slice %arg10[%dma_start3A_366, %dma_start3A_367] : memref<256x128xf32, #tpu.memory_space<vmem>> -> memref<16x128xf32, #tpu.memory_space<vmem>>
      %dma_start3A_369 = arith.constant 0 : i32
      %dma_start3A_370 = tpu.memref_slice %arg2[%dma_start3A_369, %multiple_of3A_360] : memref<16x1000000xf32, #tpu.memory_space<hbm>> -> memref<16x128xf32, #tpu.memory_space<hbm>>
      tpu.enqueue_dma source(%dma_start3A_370 : memref<16x128xf32, #tpu.memory_space<hbm>>) target(%dma_start3A_368 : memref<16x128xf32, #tpu.memory_space<vmem>>) target_semaphore(%arg14 : memref<!tpu.dma_semaphore, #tpu.memory_space<semaphore_mem>>)
      %slice3A_371 = vector.extract_strided_slice %and3A_23 {offsets = [13], sizes = [1], strides = [1]} : vector<16xi32> to vector<1xi32>
      %squeeze3A_372 = vector.extract %slice3A_371[0] : i32 from vector<1xi32>
      %multiple_of3A_373 = tpu.assume_multiple %squeeze3A_372, 128 : i32
      %dma_start3A_374 = arith.constant 208 : i32
      %dma_start3A_375 = arith.constant 0 : i32
      %dma_start3A_376 = tpu.memref_slice %arg11[%dma_start3A_374, %dma_start3A_375] : memref<256x128xf32, #tpu.memory_space<vmem>> -> memref<16x128xf32, #tpu.memory_space<vmem>>
      %dma_start3A_377 = arith.constant 0 : i32
      %dma_start3A_378 = tpu.memref_slice %arg3[%dma_start3A_377, %multiple_of3A_373] : memref<16x1000000xf32, #tpu.memory_space<hbm>> -> memref<16x128xf32, #tpu.memory_space<hbm>>
      %dma_start3A_379 = arith.constant 208 : i32
      %dma_start3A_380 = arith.constant 0 : i32
      %dma_start3A_381 = tpu.memref_slice %arg11[%dma_start3A_379, %dma_start3A_380] : memref<256x128xf32, #tpu.memory_space<vmem>> -> memref<16x128xf32, #tpu.memory_space<vmem>>
      %dma_start3A_382 = arith.constant 0 : i32
      %dma_start3A_383 = tpu.memref_slice %arg3[%dma_start3A_382, %multiple_of3A_373] : memref<16x1000000xf32, #tpu.memory_space<hbm>> -> memref<16x128xf32, #tpu.memory_space<hbm>>
      tpu.enqueue_dma source(%dma_start3A_383 : memref<16x128xf32, #tpu.memory_space<hbm>>) target(%dma_start3A_381 : memref<16x128xf32, #tpu.memory_space<vmem>>) target_semaphore(%arg15 : memref<!tpu.dma_semaphore, #tpu.memory_space<semaphore_mem>>)
      %slice3A_384 = vector.extract_strided_slice %and3A_20 {offsets = [14], sizes = [1], strides = [1]} : vector<16xi32> to vector<1xi32>
      %squeeze3A_385 = vector.extract %slice3A_384[0] : i32 from vector<1xi32>
      %multiple_of3A_386 = tpu.assume_multiple %squeeze3A_385, 128 : i32
      %dma_start3A_387 = arith.constant 224 : i32
      %dma_start3A_388 = arith.constant 0 : i32
      %dma_start3A_389 = tpu.memref_slice %arg10[%dma_start3A_387, %dma_start3A_388] : memref<256x128xf32, #tpu.memory_space<vmem>> -> memref<16x128xf32, #tpu.memory_space<vmem>>
      %dma_start3A_390 = arith.constant 0 : i32
      %dma_start3A_391 = tpu.memref_slice %arg2[%dma_start3A_390, %multiple_of3A_386] : memref<16x1000000xf32, #tpu.memory_space<hbm>> -> memref<16x128xf32, #tpu.memory_space<hbm>>
      %dma_start3A_392 = arith.constant 224 : i32
      %dma_start3A_393 = arith.constant 0 : i32
      %dma_start3A_394 = tpu.memref_slice %arg10[%dma_start3A_392, %dma_start3A_393] : memref<256x128xf32, #tpu.memory_space<vmem>> -> memref<16x128xf32, #tpu.memory_space<vmem>>
      %dma_start3A_395 = arith.constant 0 : i32
      %dma_start3A_396 = tpu.memref_slice %arg2[%dma_start3A_395, %multiple_of3A_386] : memref<16x1000000xf32, #tpu.memory_space<hbm>> -> memref<16x128xf32, #tpu.memory_space<hbm>>
      tpu.enqueue_dma source(%dma_start3A_396 : memref<16x128xf32, #tpu.memory_space<hbm>>) target(%dma_start3A_394 : memref<16x128xf32, #tpu.memory_space<vmem>>) target_semaphore(%arg14 : memref<!tpu.dma_semaphore, #tpu.memory_space<semaphore_mem>>)
      %slice3A_397 = vector.extract_strided_slice %and3A_23 {offsets = [14], sizes = [1], strides = [1]} : vector<16xi32> to vector<1xi32>
      %squeeze3A_398 = vector.extract %slice3A_397[0] : i32 from vector<1xi32>
      %multiple_of3A_399 = tpu.assume_multiple %squeeze3A_398, 128 : i32
      %dma_start3A_400 = arith.constant 224 : i32
      %dma_start3A_401 = arith.constant 0 : i32
      %dma_start3A_402 = tpu.memref_slice %arg11[%dma_start3A_400, %dma_start3A_401] : memref<256x128xf32, #tpu.memory_space<vmem>> -> memref<16x128xf32, #tpu.memory_space<vmem>>
      %dma_start3A_403 = arith.constant 0 : i32
      %dma_start3A_404 = tpu.memref_slice %arg3[%dma_start3A_403, %multiple_of3A_399] : memref<16x1000000xf32, #tpu.memory_space<hbm>> -> memref<16x128xf32, #tpu.memory_space<hbm>>
      %dma_start3A_405 = arith.constant 224 : i32
      %dma_start3A_406 = arith.constant 0 : i32
      %dma_start3A_407 = tpu.memref_slice %arg11[%dma_start3A_405, %dma_start3A_406] : memref<256x128xf32, #tpu.memory_space<vmem>> -> memref<16x128xf32, #tpu.memory_space<vmem>>
      %dma_start3A_408 = arith.constant 0 : i32
      %dma_start3A_409 = tpu.memref_slice %arg3[%dma_start3A_408, %multiple_of3A_399] : memref<16x1000000xf32, #tpu.memory_space<hbm>> -> memref<16x128xf32, #tpu.memory_space<hbm>>
      tpu.enqueue_dma source(%dma_start3A_409 : memref<16x128xf32, #tpu.memory_space<hbm>>) target(%dma_start3A_407 : memref<16x128xf32, #tpu.memory_space<vmem>>) target_semaphore(%arg15 : memref<!tpu.dma_semaphore, #tpu.memory_space<semaphore_mem>>)
      %slice3A_410 = vector.extract_strided_slice %and3A_20 {offsets = [15], sizes = [1], strides = [1]} : vector<16xi32> to vector<1xi32>
      %squeeze3A_411 = vector.extract %slice3A_410[0] : i32 from vector<1xi32>
      %multiple_of3A_412 = tpu.assume_multiple %squeeze3A_411, 128 : i32
      %dma_start3A_413 = arith.constant 240 : i32
      %dma_start3A_414 = arith.constant 0 : i32
      %dma_start3A_415 = tpu.memref_slice %arg10[%dma_start3A_413, %dma_start3A_414] : memref<256x128xf32, #tpu.memory_space<vmem>> -> memref<16x128xf32, #tpu.memory_space<vmem>>
      %dma_start3A_416 = arith.constant 0 : i32
      %dma_start3A_417 = tpu.memref_slice %arg2[%dma_start3A_416, %multiple_of3A_412] : memref<16x1000000xf32, #tpu.memory_space<hbm>> -> memref<16x128xf32, #tpu.memory_space<hbm>>
      %dma_start3A_418 = arith.constant 240 : i32
      %dma_start3A_419 = arith.constant 0 : i32
      %dma_start3A_420 = tpu.memref_slice %arg10[%dma_start3A_418, %dma_start3A_419] : memref<256x128xf32, #tpu.memory_space<vmem>> -> memref<16x128xf32, #tpu.memory_space<vmem>>
      %dma_start3A_421 = arith.constant 0 : i32
      %dma_start3A_422 = tpu.memref_slice %arg2[%dma_start3A_421, %multiple_of3A_412] : memref<16x1000000xf32, #tpu.memory_space<hbm>> -> memref<16x128xf32, #tpu.memory_space<hbm>>
      tpu.enqueue_dma source(%dma_start3A_422 : memref<16x128xf32, #tpu.memory_space<hbm>>) target(%dma_start3A_420 : memref<16x128xf32, #tpu.memory_space<vmem>>) target_semaphore(%arg14 : memref<!tpu.dma_semaphore, #tpu.memory_space<semaphore_mem>>)
      %slice3A_423 = vector.extract_strided_slice %and3A_23 {offsets = [15], sizes = [1], strides = [1]} : vector<16xi32> to vector<1xi32>
      %squeeze3A_424 = vector.extract %slice3A_423[0] : i32 from vector<1xi32>
      %multiple_of3A_425 = tpu.assume_multiple %squeeze3A_424, 128 : i32
      %dma_start3A_426 = arith.constant 240 : i32
      %dma_start3A_427 = arith.constant 0 : i32
      %dma_start3A_428 = tpu.memref_slice %arg11[%dma_start3A_426, %dma_start3A_427] : memref<256x128xf32, #tpu.memory_space<vmem>> -> memref<16x128xf32, #tpu.memory_space<vmem>>
      %dma_start3A_429 = arith.constant 0 : i32
      %dma_start3A_430 = tpu.memref_slice %arg3[%dma_start3A_429, %multiple_of3A_425] : memref<16x1000000xf32, #tpu.memory_space<hbm>> -> memref<16x128xf32, #tpu.memory_space<hbm>>
      %dma_start3A_431 = arith.constant 240 : i32
      %dma_start3A_432 = arith.constant 0 : i32
      %dma_start3A_433 = tpu.memref_slice %arg11[%dma_start3A_431, %dma_start3A_432] : memref<256x128xf32, #tpu.memory_space<vmem>> -> memref<16x128xf32, #tpu.memory_space<vmem>>
      %dma_start3A_434 = arith.constant 0 : i32
      %dma_start3A_435 = tpu.memref_slice %arg3[%dma_start3A_434, %multiple_of3A_425] : memref<16x1000000xf32, #tpu.memory_space<hbm>> -> memref<16x128xf32, #tpu.memory_space<hbm>>
      tpu.enqueue_dma source(%dma_start3A_435 : memref<16x128xf32, #tpu.memory_space<hbm>>) target(%dma_start3A_433 : memref<16x128xf32, #tpu.memory_space<vmem>>) target_semaphore(%arg15 : memref<!tpu.dma_semaphore, #tpu.memory_space<semaphore_mem>>)
      %and3A_436 = arith.constant 127 : i32
      %and3A_437 = vector.broadcast %and3A_436 : i32 to vector<16xi32>
      %and3A_438 = arith.andi %get3A_14, %and3A_437 : vector<16xi32>
      %and3A_439 = arith.constant 127 : i32
      %and3A_440 = vector.broadcast %and3A_439 : i32 to vector<16xi32>
      %and3A_441 = arith.andi %get3A_18, %and3A_440 : vector<16xi32>
      %mul3A_442 = arith.constant 2 : i32
      %mul3A_443 = arith.muli %scan3A_11, %mul3A_442 : i32
      %dma_wait3A = arith.constant 0 : i32
      %dma_wait3A_444 = arith.constant 0 : i32
      %dma_wait3A_445 = tpu.memref_slice %arg10[%dma_wait3A, %dma_wait3A_444] : memref<256x128xf32, #tpu.memory_space<vmem>> -> memref<16x128xf32, #tpu.memory_space<vmem>>
      %dma_wait3A_446 = arith.constant 0 : i32
      %dma_wait3A_447 = tpu.memref_slice %arg2[%dma_wait3A_446, %multiple_of3A] : memref<16x1000000xf32, #tpu.memory_space<hbm>> -> memref<16x128xf32, #tpu.memory_space<hbm>>
      %dma_wait3A_448 = arith.constant 0 : i32
      %dma_wait3A_449 = arith.constant 0 : i32
      %dma_wait3A_450 = tpu.memref_slice %arg10[%dma_wait3A_448, %dma_wait3A_449] : memref<256x128xf32, #tpu.memory_space<vmem>> -> memref<16x128xf32, #tpu.memory_space<vmem>>
      %dma_wait3A_451 = arith.constant 0 : i32
      %dma_wait3A_452 = tpu.memref_slice %arg2[%dma_wait3A_451, %multiple_of3A] : memref<16x1000000xf32, #tpu.memory_space<hbm>> -> memref<16x128xf32, #tpu.memory_space<hbm>>
      tpu.wait_dma2 semaphore(%arg14 : memref<!tpu.dma_semaphore, #tpu.memory_space<semaphore_mem>>) src(%dma_wait3A_452 : memref<16x128xf32, #tpu.memory_space<hbm>>) dst(%dma_wait3A_450 : memref<16x128xf32, #tpu.memory_space<vmem>>)
      %dma_wait3A_453 = arith.constant 16 : i32
      %dma_wait3A_454 = arith.constant 0 : i32
      %dma_wait3A_455 = tpu.memref_slice %arg10[%dma_wait3A_453, %dma_wait3A_454] : memref<256x128xf32, #tpu.memory_space<vmem>> -> memref<16x128xf32, #tpu.memory_space<vmem>>
      %dma_wait3A_456 = arith.constant 0 : i32
      %dma_wait3A_457 = tpu.memref_slice %arg2[%dma_wait3A_456, %multiple_of3A_48] : memref<16x1000000xf32, #tpu.memory_space<hbm>> -> memref<16x128xf32, #tpu.memory_space<hbm>>
      %dma_wait3A_458 = arith.constant 16 : i32
      %dma_wait3A_459 = arith.constant 0 : i32
      %dma_wait3A_460 = tpu.memref_slice %arg10[%dma_wait3A_458, %dma_wait3A_459] : memref<256x128xf32, #tpu.memory_space<vmem>> -> memref<16x128xf32, #tpu.memory_space<vmem>>
      %dma_wait3A_461 = arith.constant 0 : i32
      %dma_wait3A_462 = tpu.memref_slice %arg2[%dma_wait3A_461, %multiple_of3A_48] : memref<16x1000000xf32, #tpu.memory_space<hbm>> -> memref<16x128xf32, #tpu.memory_space<hbm>>
      tpu.wait_dma2 semaphore(%arg14 : memref<!tpu.dma_semaphore, #tpu.memory_space<semaphore_mem>>) src(%dma_wait3A_462 : memref<16x128xf32, #tpu.memory_space<hbm>>) dst(%dma_wait3A_460 : memref<16x128xf32, #tpu.memory_space<vmem>>)
      %dma_wait3A_463 = arith.constant 32 : i32
      %dma_wait3A_464 = arith.constant 0 : i32
      %dma_wait3A_465 = tpu.memref_slice %arg10[%dma_wait3A_463, %dma_wait3A_464] : memref<256x128xf32, #tpu.memory_space<vmem>> -> memref<16x128xf32, #tpu.memory_space<vmem>>
      %dma_wait3A_466 = arith.constant 0 : i32
      %dma_wait3A_467 = tpu.memref_slice %arg2[%dma_wait3A_466, %multiple_of3A_74] : memref<16x1000000xf32, #tpu.memory_space<hbm>> -> memref<16x128xf32, #tpu.memory_space<hbm>>
      %dma_wait3A_468 = arith.constant 32 : i32
      %dma_wait3A_469 = arith.constant 0 : i32
      %dma_wait3A_470 = tpu.memref_slice %arg10[%dma_wait3A_468, %dma_wait3A_469] : memref<256x128xf32, #tpu.memory_space<vmem>> -> memref<16x128xf32, #tpu.memory_space<vmem>>
      %dma_wait3A_471 = arith.constant 0 : i32
      %dma_wait3A_472 = tpu.memref_slice %arg2[%dma_wait3A_471, %multiple_of3A_74] : memref<16x1000000xf32, #tpu.memory_space<hbm>> -> memref<16x128xf32, #tpu.memory_space<hbm>>
      tpu.wait_dma2 semaphore(%arg14 : memref<!tpu.dma_semaphore, #tpu.memory_space<semaphore_mem>>) src(%dma_wait3A_472 : memref<16x128xf32, #tpu.memory_space<hbm>>) dst(%dma_wait3A_470 : memref<16x128xf32, #tpu.memory_space<vmem>>)
      %dma_wait3A_473 = arith.constant 48 : i32
      %dma_wait3A_474 = arith.constant 0 : i32
      %dma_wait3A_475 = tpu.memref_slice %arg10[%dma_wait3A_473, %dma_wait3A_474] : memref<256x128xf32, #tpu.memory_space<vmem>> -> memref<16x128xf32, #tpu.memory_space<vmem>>
      %dma_wait3A_476 = arith.constant 0 : i32
      %dma_wait3A_477 = tpu.memref_slice %arg2[%dma_wait3A_476, %multiple_of3A_100] : memref<16x1000000xf32, #tpu.memory_space<hbm>> -> memref<16x128xf32, #tpu.memory_space<hbm>>
      %dma_wait3A_478 = arith.constant 48 : i32
      %dma_wait3A_479 = arith.constant 0 : i32
      %dma_wait3A_480 = tpu.memref_slice %arg10[%dma_wait3A_478, %dma_wait3A_479] : memref<256x128xf32, #tpu.memory_space<vmem>> -> memref<16x128xf32, #tpu.memory_space<vmem>>
      %dma_wait3A_481 = arith.constant 0 : i32
      %dma_wait3A_482 = tpu.memref_slice %arg2[%dma_wait3A_481, %multiple_of3A_100] : memref<16x1000000xf32, #tpu.memory_space<hbm>> -> memref<16x128xf32, #tpu.memory_space<hbm>>
      tpu.wait_dma2 semaphore(%arg14 : memref<!tpu.dma_semaphore, #tpu.memory_space<semaphore_mem>>) src(%dma_wait3A_482 : memref<16x128xf32, #tpu.memory_space<hbm>>) dst(%dma_wait3A_480 : memref<16x128xf32, #tpu.memory_space<vmem>>)
      %dma_wait3A_483 = arith.constant 64 : i32
      %dma_wait3A_484 = arith.constant 0 : i32
      %dma_wait3A_485 = tpu.memref_slice %arg10[%dma_wait3A_483, %dma_wait3A_484] : memref<256x128xf32, #tpu.memory_space<vmem>> -> memref<16x128xf32, #tpu.memory_space<vmem>>
      %dma_wait3A_486 = arith.constant 0 : i32
      %dma_wait3A_487 = tpu.memref_slice %arg2[%dma_wait3A_486, %multiple_of3A_126] : memref<16x1000000xf32, #tpu.memory_space<hbm>> -> memref<16x128xf32, #tpu.memory_space<hbm>>
      %dma_wait3A_488 = arith.constant 64 : i32
      %dma_wait3A_489 = arith.constant 0 : i32
      %dma_wait3A_490 = tpu.memref_slice %arg10[%dma_wait3A_488, %dma_wait3A_489] : memref<256x128xf32, #tpu.memory_space<vmem>> -> memref<16x128xf32, #tpu.memory_space<vmem>>
      %dma_wait3A_491 = arith.constant 0 : i32
      %dma_wait3A_492 = tpu.memref_slice %arg2[%dma_wait3A_491, %multiple_of3A_126] : memref<16x1000000xf32, #tpu.memory_space<hbm>> -> memref<16x128xf32, #tpu.memory_space<hbm>>
      tpu.wait_dma2 semaphore(%arg14 : memref<!tpu.dma_semaphore, #tpu.memory_space<semaphore_mem>>) src(%dma_wait3A_492 : memref<16x128xf32, #tpu.memory_space<hbm>>) dst(%dma_wait3A_490 : memref<16x128xf32, #tpu.memory_space<vmem>>)
      %dma_wait3A_493 = arith.constant 80 : i32
      %dma_wait3A_494 = arith.constant 0 : i32
      %dma_wait3A_495 = tpu.memref_slice %arg10[%dma_wait3A_493, %dma_wait3A_494] : memref<256x128xf32, #tpu.memory_space<vmem>> -> memref<16x128xf32, #tpu.memory_space<vmem>>
      %dma_wait3A_496 = arith.constant 0 : i32
      %dma_wait3A_497 = tpu.memref_slice %arg2[%dma_wait3A_496, %multiple_of3A_152] : memref<16x1000000xf32, #tpu.memory_space<hbm>> -> memref<16x128xf32, #tpu.memory_space<hbm>>
      %dma_wait3A_498 = arith.constant 80 : i32
      %dma_wait3A_499 = arith.constant 0 : i32
      %dma_wait3A_500 = tpu.memref_slice %arg10[%dma_wait3A_498, %dma_wait3A_499] : memref<256x128xf32, #tpu.memory_space<vmem>> -> memref<16x128xf32, #tpu.memory_space<vmem>>
      %dma_wait3A_501 = arith.constant 0 : i32
      %dma_wait3A_502 = tpu.memref_slice %arg2[%dma_wait3A_501, %multiple_of3A_152] : memref<16x1000000xf32, #tpu.memory_space<hbm>> -> memref<16x128xf32, #tpu.memory_space<hbm>>
      tpu.wait_dma2 semaphore(%arg14 : memref<!tpu.dma_semaphore, #tpu.memory_space<semaphore_mem>>) src(%dma_wait3A_502 : memref<16x128xf32, #tpu.memory_space<hbm>>) dst(%dma_wait3A_500 : memref<16x128xf32, #tpu.memory_space<vmem>>)
      %dma_wait3A_503 = arith.constant 96 : i32
      %dma_wait3A_504 = arith.constant 0 : i32
      %dma_wait3A_505 = tpu.memref_slice %arg10[%dma_wait3A_503, %dma_wait3A_504] : memref<256x128xf32, #tpu.memory_space<vmem>> -> memref<16x128xf32, #tpu.memory_space<vmem>>
      %dma_wait3A_506 = arith.constant 0 : i32
      %dma_wait3A_507 = tpu.memref_slice %arg2[%dma_wait3A_506, %multiple_of3A_178] : memref<16x1000000xf32, #tpu.memory_space<hbm>> -> memref<16x128xf32, #tpu.memory_space<hbm>>
      %dma_wait3A_508 = arith.constant 96 : i32
      %dma_wait3A_509 = arith.constant 0 : i32
      %dma_wait3A_510 = tpu.memref_slice %arg10[%dma_wait3A_508, %dma_wait3A_509] : memref<256x128xf32, #tpu.memory_space<vmem>> -> memref<16x128xf32, #tpu.memory_space<vmem>>
      %dma_wait3A_511 = arith.constant 0 : i32
      %dma_wait3A_512 = tpu.memref_slice %arg2[%dma_wait3A_511, %multiple_of3A_178] : memref<16x1000000xf32, #tpu.memory_space<hbm>> -> memref<16x128xf32, #tpu.memory_space<hbm>>
      tpu.wait_dma2 semaphore(%arg14 : memref<!tpu.dma_semaphore, #tpu.memory_space<semaphore_mem>>) src(%dma_wait3A_512 : memref<16x128xf32, #tpu.memory_space<hbm>>) dst(%dma_wait3A_510 : memref<16x128xf32, #tpu.memory_space<vmem>>)
      %dma_wait3A_513 = arith.constant 112 : i32
      %dma_wait3A_514 = arith.constant 0 : i32
      %dma_wait3A_515 = tpu.memref_slice %arg10[%dma_wait3A_513, %dma_wait3A_514] : memref<256x128xf32, #tpu.memory_space<vmem>> -> memref<16x128xf32, #tpu.memory_space<vmem>>
      %dma_wait3A_516 = arith.constant 0 : i32
      %dma_wait3A_517 = tpu.memref_slice %arg2[%dma_wait3A_516, %multiple_of3A_204] : memref<16x1000000xf32, #tpu.memory_space<hbm>> -> memref<16x128xf32, #tpu.memory_space<hbm>>
      %dma_wait3A_518 = arith.constant 112 : i32
      %dma_wait3A_519 = arith.constant 0 : i32
      %dma_wait3A_520 = tpu.memref_slice %arg10[%dma_wait3A_518, %dma_wait3A_519] : memref<256x128xf32, #tpu.memory_space<vmem>> -> memref<16x128xf32, #tpu.memory_space<vmem>>
      %dma_wait3A_521 = arith.constant 0 : i32
      %dma_wait3A_522 = tpu.memref_slice %arg2[%dma_wait3A_521, %multiple_of3A_204] : memref<16x1000000xf32, #tpu.memory_space<hbm>> -> memref<16x128xf32, #tpu.memory_space<hbm>>
      tpu.wait_dma2 semaphore(%arg14 : memref<!tpu.dma_semaphore, #tpu.memory_space<semaphore_mem>>) src(%dma_wait3A_522 : memref<16x128xf32, #tpu.memory_space<hbm>>) dst(%dma_wait3A_520 : memref<16x128xf32, #tpu.memory_space<vmem>>)
      %dma_wait3A_523 = arith.constant 128 : i32
      %dma_wait3A_524 = arith.constant 0 : i32
      %dma_wait3A_525 = tpu.memref_slice %arg10[%dma_wait3A_523, %dma_wait3A_524] : memref<256x128xf32, #tpu.memory_space<vmem>> -> memref<16x128xf32, #tpu.memory_space<vmem>>
      %dma_wait3A_526 = arith.constant 0 : i32
      %dma_wait3A_527 = tpu.memref_slice %arg2[%dma_wait3A_526, %multiple_of3A_230] : memref<16x1000000xf32, #tpu.memory_space<hbm>> -> memref<16x128xf32, #tpu.memory_space<hbm>>
      %dma_wait3A_528 = arith.constant 128 : i32
      %dma_wait3A_529 = arith.constant 0 : i32
      %dma_wait3A_530 = tpu.memref_slice %arg10[%dma_wait3A_528, %dma_wait3A_529] : memref<256x128xf32, #tpu.memory_space<vmem>> -> memref<16x128xf32, #tpu.memory_space<vmem>>
      %dma_wait3A_531 = arith.constant 0 : i32
      %dma_wait3A_532 = tpu.memref_slice %arg2[%dma_wait3A_531, %multiple_of3A_230] : memref<16x1000000xf32, #tpu.memory_space<hbm>> -> memref<16x128xf32, #tpu.memory_space<hbm>>
      tpu.wait_dma2 semaphore(%arg14 : memref<!tpu.dma_semaphore, #tpu.memory_space<semaphore_mem>>) src(%dma_wait3A_532 : memref<16x128xf32, #tpu.memory_space<hbm>>) dst(%dma_wait3A_530 : memref<16x128xf32, #tpu.memory_space<vmem>>)
      %dma_wait3A_533 = arith.constant 144 : i32
      %dma_wait3A_534 = arith.constant 0 : i32
      %dma_wait3A_535 = tpu.memref_slice %arg10[%dma_wait3A_533, %dma_wait3A_534] : memref<256x128xf32, #tpu.memory_space<vmem>> -> memref<16x128xf32, #tpu.memory_space<vmem>>
      %dma_wait3A_536 = arith.constant 0 : i32
      %dma_wait3A_537 = tpu.memref_slice %arg2[%dma_wait3A_536, %multiple_of3A_256] : memref<16x1000000xf32, #tpu.memory_space<hbm>> -> memref<16x128xf32, #tpu.memory_space<hbm>>
      %dma_wait3A_538 = arith.constant 144 : i32
      %dma_wait3A_539 = arith.constant 0 : i32
      %dma_wait3A_540 = tpu.memref_slice %arg10[%dma_wait3A_538, %dma_wait3A_539] : memref<256x128xf32, #tpu.memory_space<vmem>> -> memref<16x128xf32, #tpu.memory_space<vmem>>
      %dma_wait3A_541 = arith.constant 0 : i32
      %dma_wait3A_542 = tpu.memref_slice %arg2[%dma_wait3A_541, %multiple_of3A_256] : memref<16x1000000xf32, #tpu.memory_space<hbm>> -> memref<16x128xf32, #tpu.memory_space<hbm>>
      tpu.wait_dma2 semaphore(%arg14 : memref<!tpu.dma_semaphore, #tpu.memory_space<semaphore_mem>>) src(%dma_wait3A_542 : memref<16x128xf32, #tpu.memory_space<hbm>>) dst(%dma_wait3A_540 : memref<16x128xf32, #tpu.memory_space<vmem>>)
      %dma_wait3A_543 = arith.constant 160 : i32
      %dma_wait3A_544 = arith.constant 0 : i32
      %dma_wait3A_545 = tpu.memref_slice %arg10[%dma_wait3A_543, %dma_wait3A_544] : memref<256x128xf32, #tpu.memory_space<vmem>> -> memref<16x128xf32, #tpu.memory_space<vmem>>
      %dma_wait3A_546 = arith.constant 0 : i32
      %dma_wait3A_547 = tpu.memref_slice %arg2[%dma_wait3A_546, %multiple_of3A_282] : memref<16x1000000xf32, #tpu.memory_space<hbm>> -> memref<16x128xf32, #tpu.memory_space<hbm>>
      %dma_wait3A_548 = arith.constant 160 : i32
      %dma_wait3A_549 = arith.constant 0 : i32
      %dma_wait3A_550 = tpu.memref_slice %arg10[%dma_wait3A_548, %dma_wait3A_549] : memref<256x128xf32, #tpu.memory_space<vmem>> -> memref<16x128xf32, #tpu.memory_space<vmem>>
      %dma_wait3A_551 = arith.constant 0 : i32
      %dma_wait3A_552 = tpu.memref_slice %arg2[%dma_wait3A_551, %multiple_of3A_282] : memref<16x1000000xf32, #tpu.memory_space<hbm>> -> memref<16x128xf32, #tpu.memory_space<hbm>>
      tpu.wait_dma2 semaphore(%arg14 : memref<!tpu.dma_semaphore, #tpu.memory_space<semaphore_mem>>) src(%dma_wait3A_552 : memref<16x128xf32, #tpu.memory_space<hbm>>) dst(%dma_wait3A_550 : memref<16x128xf32, #tpu.memory_space<vmem>>)
      %dma_wait3A_553 = arith.constant 176 : i32
      %dma_wait3A_554 = arith.constant 0 : i32
      %dma_wait3A_555 = tpu.memref_slice %arg10[%dma_wait3A_553, %dma_wait3A_554] : memref<256x128xf32, #tpu.memory_space<vmem>> -> memref<16x128xf32, #tpu.memory_space<vmem>>
      %dma_wait3A_556 = arith.constant 0 : i32
      %dma_wait3A_557 = tpu.memref_slice %arg2[%dma_wait3A_556, %multiple_of3A_308] : memref<16x1000000xf32, #tpu.memory_space<hbm>> -> memref<16x128xf32, #tpu.memory_space<hbm>>
      %dma_wait3A_558 = arith.constant 176 : i32
      %dma_wait3A_559 = arith.constant 0 : i32
      %dma_wait3A_560 = tpu.memref_slice %arg10[%dma_wait3A_558, %dma_wait3A_559] : memref<256x128xf32, #tpu.memory_space<vmem>> -> memref<16x128xf32, #tpu.memory_space<vmem>>
      %dma_wait3A_561 = arith.constant 0 : i32
      %dma_wait3A_562 = tpu.memref_slice %arg2[%dma_wait3A_561, %multiple_of3A_308] : memref<16x1000000xf32, #tpu.memory_space<hbm>> -> memref<16x128xf32, #tpu.memory_space<hbm>>
      tpu.wait_dma2 semaphore(%arg14 : memref<!tpu.dma_semaphore, #tpu.memory_space<semaphore_mem>>) src(%dma_wait3A_562 : memref<16x128xf32, #tpu.memory_space<hbm>>) dst(%dma_wait3A_560 : memref<16x128xf32, #tpu.memory_space<vmem>>)
      %dma_wait3A_563 = arith.constant 192 : i32
      %dma_wait3A_564 = arith.constant 0 : i32
      %dma_wait3A_565 = tpu.memref_slice %arg10[%dma_wait3A_563, %dma_wait3A_564] : memref<256x128xf32, #tpu.memory_space<vmem>> -> memref<16x128xf32, #tpu.memory_space<vmem>>
      %dma_wait3A_566 = arith.constant 0 : i32
      %dma_wait3A_567 = tpu.memref_slice %arg2[%dma_wait3A_566, %multiple_of3A_334] : memref<16x1000000xf32, #tpu.memory_space<hbm>> -> memref<16x128xf32, #tpu.memory_space<hbm>>
      %dma_wait3A_568 = arith.constant 192 : i32
      %dma_wait3A_569 = arith.constant 0 : i32
      %dma_wait3A_570 = tpu.memref_slice %arg10[%dma_wait3A_568, %dma_wait3A_569] : memref<256x128xf32, #tpu.memory_space<vmem>> -> memref<16x128xf32, #tpu.memory_space<vmem>>
      %dma_wait3A_571 = arith.constant 0 : i32
      %dma_wait3A_572 = tpu.memref_slice %arg2[%dma_wait3A_571, %multiple_of3A_334] : memref<16x1000000xf32, #tpu.memory_space<hbm>> -> memref<16x128xf32, #tpu.memory_space<hbm>>
      tpu.wait_dma2 semaphore(%arg14 : memref<!tpu.dma_semaphore, #tpu.memory_space<semaphore_mem>>) src(%dma_wait3A_572 : memref<16x128xf32, #tpu.memory_space<hbm>>) dst(%dma_wait3A_570 : memref<16x128xf32, #tpu.memory_space<vmem>>)
      %dma_wait3A_573 = arith.constant 208 : i32
      %dma_wait3A_574 = arith.constant 0 : i32
      %dma_wait3A_575 = tpu.memref_slice %arg10[%dma_wait3A_573, %dma_wait3A_574] : memref<256x128xf32, #tpu.memory_space<vmem>> -> memref<16x128xf32, #tpu.memory_space<vmem>>
      %dma_wait3A_576 = arith.constant 0 : i32
      %dma_wait3A_577 = tpu.memref_slice %arg2[%dma_wait3A_576, %multiple_of3A_360] : memref<16x1000000xf32, #tpu.memory_space<hbm>> -> memref<16x128xf32, #tpu.memory_space<hbm>>
      %dma_wait3A_578 = arith.constant 208 : i32
      %dma_wait3A_579 = arith.constant 0 : i32
      %dma_wait3A_580 = tpu.memref_slice %arg10[%dma_wait3A_578, %dma_wait3A_579] : memref<256x128xf32, #tpu.memory_space<vmem>> -> memref<16x128xf32, #tpu.memory_space<vmem>>
      %dma_wait3A_581 = arith.constant 0 : i32
      %dma_wait3A_582 = tpu.memref_slice %arg2[%dma_wait3A_581, %multiple_of3A_360] : memref<16x1000000xf32, #tpu.memory_space<hbm>> -> memref<16x128xf32, #tpu.memory_space<hbm>>
      tpu.wait_dma2 semaphore(%arg14 : memref<!tpu.dma_semaphore, #tpu.memory_space<semaphore_mem>>) src(%dma_wait3A_582 : memref<16x128xf32, #tpu.memory_space<hbm>>) dst(%dma_wait3A_580 : memref<16x128xf32, #tpu.memory_space<vmem>>)
      %dma_wait3A_583 = arith.constant 224 : i32
      %dma_wait3A_584 = arith.constant 0 : i32
      %dma_wait3A_585 = tpu.memref_slice %arg10[%dma_wait3A_583, %dma_wait3A_584] : memref<256x128xf32, #tpu.memory_space<vmem>> -> memref<16x128xf32, #tpu.memory_space<vmem>>
      %dma_wait3A_586 = arith.constant 0 : i32
      %dma_wait3A_587 = tpu.memref_slice %arg2[%dma_wait3A_586, %multiple_of3A_386] : memref<16x1000000xf32, #tpu.memory_space<hbm>> -> memref<16x128xf32, #tpu.memory_space<hbm>>
      %dma_wait3A_588 = arith.constant 224 : i32
      %dma_wait3A_589 = arith.constant 0 : i32
      %dma_wait3A_590 = tpu.memref_slice %arg10[%dma_wait3A_588, %dma_wait3A_589] : memref<256x128xf32, #tpu.memory_space<vmem>> -> memref<16x128xf32, #tpu.memory_space<vmem>>
      %dma_wait3A_591 = arith.constant 0 : i32
      %dma_wait3A_592 = tpu.memref_slice %arg2[%dma_wait3A_591, %multiple_of3A_386] : memref<16x1000000xf32, #tpu.memory_space<hbm>> -> memref<16x128xf32, #tpu.memory_space<hbm>>
      tpu.wait_dma2 semaphore(%arg14 : memref<!tpu.dma_semaphore, #tpu.memory_space<semaphore_mem>>) src(%dma_wait3A_592 : memref<16x128xf32, #tpu.memory_space<hbm>>) dst(%dma_wait3A_590 : memref<16x128xf32, #tpu.memory_space<vmem>>)
      %dma_wait3A_593 = arith.constant 240 : i32
      %dma_wait3A_594 = arith.constant 0 : i32
      %dma_wait3A_595 = tpu.memref_slice %arg10[%dma_wait3A_593, %dma_wait3A_594] : memref<256x128xf32, #tpu.memory_space<vmem>> -> memref<16x128xf32, #tpu.memory_space<vmem>>
      %dma_wait3A_596 = arith.constant 0 : i32
      %dma_wait3A_597 = tpu.memref_slice %arg2[%dma_wait3A_596, %multiple_of3A_412] : memref<16x1000000xf32, #tpu.memory_space<hbm>> -> memref<16x128xf32, #tpu.memory_space<hbm>>
      %dma_wait3A_598 = arith.constant 240 : i32
      %dma_wait3A_599 = arith.constant 0 : i32
      %dma_wait3A_600 = tpu.memref_slice %arg10[%dma_wait3A_598, %dma_wait3A_599] : memref<256x128xf32, #tpu.memory_space<vmem>> -> memref<16x128xf32, #tpu.memory_space<vmem>>
      %dma_wait3A_601 = arith.constant 0 : i32
      %dma_wait3A_602 = tpu.memref_slice %arg2[%dma_wait3A_601, %multiple_of3A_412] : memref<16x1000000xf32, #tpu.memory_space<hbm>> -> memref<16x128xf32, #tpu.memory_space<hbm>>
      tpu.wait_dma2 semaphore(%arg14 : memref<!tpu.dma_semaphore, #tpu.memory_space<semaphore_mem>>) src(%dma_wait3A_602 : memref<16x128xf32, #tpu.memory_space<hbm>>) dst(%dma_wait3A_600 : memref<16x128xf32, #tpu.memory_space<vmem>>)
      %dma_wait3A_603 = arith.constant 0 : i32
      %dma_wait3A_604 = arith.constant 0 : i32
      %dma_wait3A_605 = tpu.memref_slice %arg11[%dma_wait3A_603, %dma_wait3A_604] : memref<256x128xf32, #tpu.memory_space<vmem>> -> memref<16x128xf32, #tpu.memory_space<vmem>>
      %dma_wait3A_606 = arith.constant 0 : i32
      %dma_wait3A_607 = tpu.memref_slice %arg3[%dma_wait3A_606, %multiple_of3A_35] : memref<16x1000000xf32, #tpu.memory_space<hbm>> -> memref<16x128xf32, #tpu.memory_space<hbm>>
      %dma_wait3A_608 = arith.constant 0 : i32
      %dma_wait3A_609 = arith.constant 0 : i32
      %dma_wait3A_610 = tpu.memref_slice %arg11[%dma_wait3A_608, %dma_wait3A_609] : memref<256x128xf32, #tpu.memory_space<vmem>> -> memref<16x128xf32, #tpu.memory_space<vmem>>
      %dma_wait3A_611 = arith.constant 0 : i32
      %dma_wait3A_612 = tpu.memref_slice %arg3[%dma_wait3A_611, %multiple_of3A_35] : memref<16x1000000xf32, #tpu.memory_space<hbm>> -> memref<16x128xf32, #tpu.memory_space<hbm>>
      tpu.wait_dma2 semaphore(%arg15 : memref<!tpu.dma_semaphore, #tpu.memory_space<semaphore_mem>>) src(%dma_wait3A_612 : memref<16x128xf32, #tpu.memory_space<hbm>>) dst(%dma_wait3A_610 : memref<16x128xf32, #tpu.memory_space<vmem>>)
      %dma_wait3A_613 = arith.constant 16 : i32
      %dma_wait3A_614 = arith.constant 0 : i32
      %dma_wait3A_615 = tpu.memref_slice %arg11[%dma_wait3A_613, %dma_wait3A_614] : memref<256x128xf32, #tpu.memory_space<vmem>> -> memref<16x128xf32, #tpu.memory_space<vmem>>
      %dma_wait3A_616 = arith.constant 0 : i32
      %dma_wait3A_617 = tpu.memref_slice %arg3[%dma_wait3A_616, %multiple_of3A_61] : memref<16x1000000xf32, #tpu.memory_space<hbm>> -> memref<16x128xf32, #tpu.memory_space<hbm>>
      %dma_wait3A_618 = arith.constant 16 : i32
      %dma_wait3A_619 = arith.constant 0 : i32
      %dma_wait3A_620 = tpu.memref_slice %arg11[%dma_wait3A_618, %dma_wait3A_619] : memref<256x128xf32, #tpu.memory_space<vmem>> -> memref<16x128xf32, #tpu.memory_space<vmem>>
      %dma_wait3A_621 = arith.constant 0 : i32
      %dma_wait3A_622 = tpu.memref_slice %arg3[%dma_wait3A_621, %multiple_of3A_61] : memref<16x1000000xf32, #tpu.memory_space<hbm>> -> memref<16x128xf32, #tpu.memory_space<hbm>>
      tpu.wait_dma2 semaphore(%arg15 : memref<!tpu.dma_semaphore, #tpu.memory_space<semaphore_mem>>) src(%dma_wait3A_622 : memref<16x128xf32, #tpu.memory_space<hbm>>) dst(%dma_wait3A_620 : memref<16x128xf32, #tpu.memory_space<vmem>>)
      %dma_wait3A_623 = arith.constant 32 : i32
      %dma_wait3A_624 = arith.constant 0 : i32
      %dma_wait3A_625 = tpu.memref_slice %arg11[%dma_wait3A_623, %dma_wait3A_624] : memref<256x128xf32, #tpu.memory_space<vmem>> -> memref<16x128xf32, #tpu.memory_space<vmem>>
      %dma_wait3A_626 = arith.constant 0 : i32
      %dma_wait3A_627 = tpu.memref_slice %arg3[%dma_wait3A_626, %multiple_of3A_87] : memref<16x1000000xf32, #tpu.memory_space<hbm>> -> memref<16x128xf32, #tpu.memory_space<hbm>>
      %dma_wait3A_628 = arith.constant 32 : i32
      %dma_wait3A_629 = arith.constant 0 : i32
      %dma_wait3A_630 = tpu.memref_slice %arg11[%dma_wait3A_628, %dma_wait3A_629] : memref<256x128xf32, #tpu.memory_space<vmem>> -> memref<16x128xf32, #tpu.memory_space<vmem>>
      %dma_wait3A_631 = arith.constant 0 : i32
      %dma_wait3A_632 = tpu.memref_slice %arg3[%dma_wait3A_631, %multiple_of3A_87] : memref<16x1000000xf32, #tpu.memory_space<hbm>> -> memref<16x128xf32, #tpu.memory_space<hbm>>
      tpu.wait_dma2 semaphore(%arg15 : memref<!tpu.dma_semaphore, #tpu.memory_space<semaphore_mem>>) src(%dma_wait3A_632 : memref<16x128xf32, #tpu.memory_space<hbm>>) dst(%dma_wait3A_630 : memref<16x128xf32, #tpu.memory_space<vmem>>)
      %dma_wait3A_633 = arith.constant 48 : i32
      %dma_wait3A_634 = arith.constant 0 : i32
      %dma_wait3A_635 = tpu.memref_slice %arg11[%dma_wait3A_633, %dma_wait3A_634] : memref<256x128xf32, #tpu.memory_space<vmem>> -> memref<16x128xf32, #tpu.memory_space<vmem>>
      %dma_wait3A_636 = arith.constant 0 : i32
      %dma_wait3A_637 = tpu.memref_slice %arg3[%dma_wait3A_636, %multiple_of3A_113] : memref<16x1000000xf32, #tpu.memory_space<hbm>> -> memref<16x128xf32, #tpu.memory_space<hbm>>
      %dma_wait3A_638 = arith.constant 48 : i32
      %dma_wait3A_639 = arith.constant 0 : i32
      %dma_wait3A_640 = tpu.memref_slice %arg11[%dma_wait3A_638, %dma_wait3A_639] : memref<256x128xf32, #tpu.memory_space<vmem>> -> memref<16x128xf32, #tpu.memory_space<vmem>>
      %dma_wait3A_641 = arith.constant 0 : i32
      %dma_wait3A_642 = tpu.memref_slice %arg3[%dma_wait3A_641, %multiple_of3A_113] : memref<16x1000000xf32, #tpu.memory_space<hbm>> -> memref<16x128xf32, #tpu.memory_space<hbm>>
      tpu.wait_dma2 semaphore(%arg15 : memref<!tpu.dma_semaphore, #tpu.memory_space<semaphore_mem>>) src(%dma_wait3A_642 : memref<16x128xf32, #tpu.memory_space<hbm>>) dst(%dma_wait3A_640 : memref<16x128xf32, #tpu.memory_space<vmem>>)
      %dma_wait3A_643 = arith.constant 64 : i32
      %dma_wait3A_644 = arith.constant 0 : i32
      %dma_wait3A_645 = tpu.memref_slice %arg11[%dma_wait3A_643, %dma_wait3A_644] : memref<256x128xf32, #tpu.memory_space<vmem>> -> memref<16x128xf32, #tpu.memory_space<vmem>>
      %dma_wait3A_646 = arith.constant 0 : i32
      %dma_wait3A_647 = tpu.memref_slice %arg3[%dma_wait3A_646, %multiple_of3A_139] : memref<16x1000000xf32, #tpu.memory_space<hbm>> -> memref<16x128xf32, #tpu.memory_space<hbm>>
      %dma_wait3A_648 = arith.constant 64 : i32
      %dma_wait3A_649 = arith.constant 0 : i32
      %dma_wait3A_650 = tpu.memref_slice %arg11[%dma_wait3A_648, %dma_wait3A_649] : memref<256x128xf32, #tpu.memory_space<vmem>> -> memref<16x128xf32, #tpu.memory_space<vmem>>
      %dma_wait3A_651 = arith.constant 0 : i32
      %dma_wait3A_652 = tpu.memref_slice %arg3[%dma_wait3A_651, %multiple_of3A_139] : memref<16x1000000xf32, #tpu.memory_space<hbm>> -> memref<16x128xf32, #tpu.memory_space<hbm>>
      tpu.wait_dma2 semaphore(%arg15 : memref<!tpu.dma_semaphore, #tpu.memory_space<semaphore_mem>>) src(%dma_wait3A_652 : memref<16x128xf32, #tpu.memory_space<hbm>>) dst(%dma_wait3A_650 : memref<16x128xf32, #tpu.memory_space<vmem>>)
      %dma_wait3A_653 = arith.constant 80 : i32
      %dma_wait3A_654 = arith.constant 0 : i32
      %dma_wait3A_655 = tpu.memref_slice %arg11[%dma_wait3A_653, %dma_wait3A_654] : memref<256x128xf32, #tpu.memory_space<vmem>> -> memref<16x128xf32, #tpu.memory_space<vmem>>
      %dma_wait3A_656 = arith.constant 0 : i32
      %dma_wait3A_657 = tpu.memref_slice %arg3[%dma_wait3A_656, %multiple_of3A_165] : memref<16x1000000xf32, #tpu.memory_space<hbm>> -> memref<16x128xf32, #tpu.memory_space<hbm>>
      %dma_wait3A_658 = arith.constant 80 : i32
      %dma_wait3A_659 = arith.constant 0 : i32
      %dma_wait3A_660 = tpu.memref_slice %arg11[%dma_wait3A_658, %dma_wait3A_659] : memref<256x128xf32, #tpu.memory_space<vmem>> -> memref<16x128xf32, #tpu.memory_space<vmem>>
      %dma_wait3A_661 = arith.constant 0 : i32
      %dma_wait3A_662 = tpu.memref_slice %arg3[%dma_wait3A_661, %multiple_of3A_165] : memref<16x1000000xf32, #tpu.memory_space<hbm>> -> memref<16x128xf32, #tpu.memory_space<hbm>>
      tpu.wait_dma2 semaphore(%arg15 : memref<!tpu.dma_semaphore, #tpu.memory_space<semaphore_mem>>) src(%dma_wait3A_662 : memref<16x128xf32, #tpu.memory_space<hbm>>) dst(%dma_wait3A_660 : memref<16x128xf32, #tpu.memory_space<vmem>>)
      %dma_wait3A_663 = arith.constant 96 : i32
      %dma_wait3A_664 = arith.constant 0 : i32
      %dma_wait3A_665 = tpu.memref_slice %arg11[%dma_wait3A_663, %dma_wait3A_664] : memref<256x128xf32, #tpu.memory_space<vmem>> -> memref<16x128xf32, #tpu.memory_space<vmem>>
      %dma_wait3A_666 = arith.constant 0 : i32
      %dma_wait3A_667 = tpu.memref_slice %arg3[%dma_wait3A_666, %multiple_of3A_191] : memref<16x1000000xf32, #tpu.memory_space<hbm>> -> memref<16x128xf32, #tpu.memory_space<hbm>>
      %dma_wait3A_668 = arith.constant 96 : i32
      %dma_wait3A_669 = arith.constant 0 : i32
      %dma_wait3A_670 = tpu.memref_slice %arg11[%dma_wait3A_668, %dma_wait3A_669] : memref<256x128xf32, #tpu.memory_space<vmem>> -> memref<16x128xf32, #tpu.memory_space<vmem>>
      %dma_wait3A_671 = arith.constant 0 : i32
      %dma_wait3A_672 = tpu.memref_slice %arg3[%dma_wait3A_671, %multiple_of3A_191] : memref<16x1000000xf32, #tpu.memory_space<hbm>> -> memref<16x128xf32, #tpu.memory_space<hbm>>
      tpu.wait_dma2 semaphore(%arg15 : memref<!tpu.dma_semaphore, #tpu.memory_space<semaphore_mem>>) src(%dma_wait3A_672 : memref<16x128xf32, #tpu.memory_space<hbm>>) dst(%dma_wait3A_670 : memref<16x128xf32, #tpu.memory_space<vmem>>)
      %dma_wait3A_673 = arith.constant 112 : i32
      %dma_wait3A_674 = arith.constant 0 : i32
      %dma_wait3A_675 = tpu.memref_slice %arg11[%dma_wait3A_673, %dma_wait3A_674] : memref<256x128xf32, #tpu.memory_space<vmem>> -> memref<16x128xf32, #tpu.memory_space<vmem>>
      %dma_wait3A_676 = arith.constant 0 : i32
      %dma_wait3A_677 = tpu.memref_slice %arg3[%dma_wait3A_676, %multiple_of3A_217] : memref<16x1000000xf32, #tpu.memory_space<hbm>> -> memref<16x128xf32, #tpu.memory_space<hbm>>
      %dma_wait3A_678 = arith.constant 112 : i32
      %dma_wait3A_679 = arith.constant 0 : i32
      %dma_wait3A_680 = tpu.memref_slice %arg11[%dma_wait3A_678, %dma_wait3A_679] : memref<256x128xf32, #tpu.memory_space<vmem>> -> memref<16x128xf32, #tpu.memory_space<vmem>>
      %dma_wait3A_681 = arith.constant 0 : i32
      %dma_wait3A_682 = tpu.memref_slice %arg3[%dma_wait3A_681, %multiple_of3A_217] : memref<16x1000000xf32, #tpu.memory_space<hbm>> -> memref<16x128xf32, #tpu.memory_space<hbm>>
      tpu.wait_dma2 semaphore(%arg15 : memref<!tpu.dma_semaphore, #tpu.memory_space<semaphore_mem>>) src(%dma_wait3A_682 : memref<16x128xf32, #tpu.memory_space<hbm>>) dst(%dma_wait3A_680 : memref<16x128xf32, #tpu.memory_space<vmem>>)
      %dma_wait3A_683 = arith.constant 128 : i32
      %dma_wait3A_684 = arith.constant 0 : i32
      %dma_wait3A_685 = tpu.memref_slice %arg11[%dma_wait3A_683, %dma_wait3A_684] : memref<256x128xf32, #tpu.memory_space<vmem>> -> memref<16x128xf32, #tpu.memory_space<vmem>>
      %dma_wait3A_686 = arith.constant 0 : i32
      %dma_wait3A_687 = tpu.memref_slice %arg3[%dma_wait3A_686, %multiple_of3A_243] : memref<16x1000000xf32, #tpu.memory_space<hbm>> -> memref<16x128xf32, #tpu.memory_space<hbm>>
      %dma_wait3A_688 = arith.constant 128 : i32
      %dma_wait3A_689 = arith.constant 0 : i32
      %dma_wait3A_690 = tpu.memref_slice %arg11[%dma_wait3A_688, %dma_wait3A_689] : memref<256x128xf32, #tpu.memory_space<vmem>> -> memref<16x128xf32, #tpu.memory_space<vmem>>
      %dma_wait3A_691 = arith.constant 0 : i32
      %dma_wait3A_692 = tpu.memref_slice %arg3[%dma_wait3A_691, %multiple_of3A_243] : memref<16x1000000xf32, #tpu.memory_space<hbm>> -> memref<16x128xf32, #tpu.memory_space<hbm>>
      tpu.wait_dma2 semaphore(%arg15 : memref<!tpu.dma_semaphore, #tpu.memory_space<semaphore_mem>>) src(%dma_wait3A_692 : memref<16x128xf32, #tpu.memory_space<hbm>>) dst(%dma_wait3A_690 : memref<16x128xf32, #tpu.memory_space<vmem>>)
      %dma_wait3A_693 = arith.constant 144 : i32
      %dma_wait3A_694 = arith.constant 0 : i32
      %dma_wait3A_695 = tpu.memref_slice %arg11[%dma_wait3A_693, %dma_wait3A_694] : memref<256x128xf32, #tpu.memory_space<vmem>> -> memref<16x128xf32, #tpu.memory_space<vmem>>
      %dma_wait3A_696 = arith.constant 0 : i32
      %dma_wait3A_697 = tpu.memref_slice %arg3[%dma_wait3A_696, %multiple_of3A_269] : memref<16x1000000xf32, #tpu.memory_space<hbm>> -> memref<16x128xf32, #tpu.memory_space<hbm>>
      %dma_wait3A_698 = arith.constant 144 : i32
      %dma_wait3A_699 = arith.constant 0 : i32
      %dma_wait3A_700 = tpu.memref_slice %arg11[%dma_wait3A_698, %dma_wait3A_699] : memref<256x128xf32, #tpu.memory_space<vmem>> -> memref<16x128xf32, #tpu.memory_space<vmem>>
      %dma_wait3A_701 = arith.constant 0 : i32
      %dma_wait3A_702 = tpu.memref_slice %arg3[%dma_wait3A_701, %multiple_of3A_269] : memref<16x1000000xf32, #tpu.memory_space<hbm>> -> memref<16x128xf32, #tpu.memory_space<hbm>>
      tpu.wait_dma2 semaphore(%arg15 : memref<!tpu.dma_semaphore, #tpu.memory_space<semaphore_mem>>) src(%dma_wait3A_702 : memref<16x128xf32, #tpu.memory_space<hbm>>) dst(%dma_wait3A_700 : memref<16x128xf32, #tpu.memory_space<vmem>>)
      %dma_wait3A_703 = arith.constant 160 : i32
      %dma_wait3A_704 = arith.constant 0 : i32
      %dma_wait3A_705 = tpu.memref_slice %arg11[%dma_wait3A_703, %dma_wait3A_704] : memref<256x128xf32, #tpu.memory_space<vmem>> -> memref<16x128xf32, #tpu.memory_space<vmem>>
      %dma_wait3A_706 = arith.constant 0 : i32
      %dma_wait3A_707 = tpu.memref_slice %arg3[%dma_wait3A_706, %multiple_of3A_295] : memref<16x1000000xf32, #tpu.memory_space<hbm>> -> memref<16x128xf32, #tpu.memory_space<hbm>>
      %dma_wait3A_708 = arith.constant 160 : i32
      %dma_wait3A_709 = arith.constant 0 : i32
      %dma_wait3A_710 = tpu.memref_slice %arg11[%dma_wait3A_708, %dma_wait3A_709] : memref<256x128xf32, #tpu.memory_space<vmem>> -> memref<16x128xf32, #tpu.memory_space<vmem>>
      %dma_wait3A_711 = arith.constant 0 : i32
      %dma_wait3A_712 = tpu.memref_slice %arg3[%dma_wait3A_711, %multiple_of3A_295] : memref<16x1000000xf32, #tpu.memory_space<hbm>> -> memref<16x128xf32, #tpu.memory_space<hbm>>
      tpu.wait_dma2 semaphore(%arg15 : memref<!tpu.dma_semaphore, #tpu.memory_space<semaphore_mem>>) src(%dma_wait3A_712 : memref<16x128xf32, #tpu.memory_space<hbm>>) dst(%dma_wait3A_710 : memref<16x128xf32, #tpu.memory_space<vmem>>)
      %dma_wait3A_713 = arith.constant 176 : i32
      %dma_wait3A_714 = arith.constant 0 : i32
      %dma_wait3A_715 = tpu.memref_slice %arg11[%dma_wait3A_713, %dma_wait3A_714] : memref<256x128xf32, #tpu.memory_space<vmem>> -> memref<16x128xf32, #tpu.memory_space<vmem>>
      %dma_wait3A_716 = arith.constant 0 : i32
      %dma_wait3A_717 = tpu.memref_slice %arg3[%dma_wait3A_716, %multiple_of3A_321] : memref<16x1000000xf32, #tpu.memory_space<hbm>> -> memref<16x128xf32, #tpu.memory_space<hbm>>
      %dma_wait3A_718 = arith.constant 176 : i32
      %dma_wait3A_719 = arith.constant 0 : i32
      %dma_wait3A_720 = tpu.memref_slice %arg11[%dma_wait3A_718, %dma_wait3A_719] : memref<256x128xf32, #tpu.memory_space<vmem>> -> memref<16x128xf32, #tpu.memory_space<vmem>>
      %dma_wait3A_721 = arith.constant 0 : i32
      %dma_wait3A_722 = tpu.memref_slice %arg3[%dma_wait3A_721, %multiple_of3A_321] : memref<16x1000000xf32, #tpu.memory_space<hbm>> -> memref<16x128xf32, #tpu.memory_space<hbm>>
      tpu.wait_dma2 semaphore(%arg15 : memref<!tpu.dma_semaphore, #tpu.memory_space<semaphore_mem>>) src(%dma_wait3A_722 : memref<16x128xf32, #tpu.memory_space<hbm>>) dst(%dma_wait3A_720 : memref<16x128xf32, #tpu.memory_space<vmem>>)
      %dma_wait3A_723 = arith.constant 192 : i32
      %dma_wait3A_724 = arith.constant 0 : i32
      %dma_wait3A_725 = tpu.memref_slice %arg11[%dma_wait3A_723, %dma_wait3A_724] : memref<256x128xf32, #tpu.memory_space<vmem>> -> memref<16x128xf32, #tpu.memory_space<vmem>>
      %dma_wait3A_726 = arith.constant 0 : i32
      %dma_wait3A_727 = tpu.memref_slice %arg3[%dma_wait3A_726, %multiple_of3A_347] : memref<16x1000000xf32, #tpu.memory_space<hbm>> -> memref<16x128xf32, #tpu.memory_space<hbm>>
      %dma_wait3A_728 = arith.constant 192 : i32
      %dma_wait3A_729 = arith.constant 0 : i32
      %dma_wait3A_730 = tpu.memref_slice %arg11[%dma_wait3A_728, %dma_wait3A_729] : memref<256x128xf32, #tpu.memory_space<vmem>> -> memref<16x128xf32, #tpu.memory_space<vmem>>
      %dma_wait3A_731 = arith.constant 0 : i32
      %dma_wait3A_732 = tpu.memref_slice %arg3[%dma_wait3A_731, %multiple_of3A_347] : memref<16x1000000xf32, #tpu.memory_space<hbm>> -> memref<16x128xf32, #tpu.memory_space<hbm>>
      tpu.wait_dma2 semaphore(%arg15 : memref<!tpu.dma_semaphore, #tpu.memory_space<semaphore_mem>>) src(%dma_wait3A_732 : memref<16x128xf32, #tpu.memory_space<hbm>>) dst(%dma_wait3A_730 : memref<16x128xf32, #tpu.memory_space<vmem>>)
      %dma_wait3A_733 = arith.constant 208 : i32
      %dma_wait3A_734 = arith.constant 0 : i32
      %dma_wait3A_735 = tpu.memref_slice %arg11[%dma_wait3A_733, %dma_wait3A_734] : memref<256x128xf32, #tpu.memory_space<vmem>> -> memref<16x128xf32, #tpu.memory_space<vmem>>
      %dma_wait3A_736 = arith.constant 0 : i32
      %dma_wait3A_737 = tpu.memref_slice %arg3[%dma_wait3A_736, %multiple_of3A_373] : memref<16x1000000xf32, #tpu.memory_space<hbm>> -> memref<16x128xf32, #tpu.memory_space<hbm>>
      %dma_wait3A_738 = arith.constant 208 : i32
      %dma_wait3A_739 = arith.constant 0 : i32
      %dma_wait3A_740 = tpu.memref_slice %arg11[%dma_wait3A_738, %dma_wait3A_739] : memref<256x128xf32, #tpu.memory_space<vmem>> -> memref<16x128xf32, #tpu.memory_space<vmem>>
      %dma_wait3A_741 = arith.constant 0 : i32
      %dma_wait3A_742 = tpu.memref_slice %arg3[%dma_wait3A_741, %multiple_of3A_373] : memref<16x1000000xf32, #tpu.memory_space<hbm>> -> memref<16x128xf32, #tpu.memory_space<hbm>>
      tpu.wait_dma2 semaphore(%arg15 : memref<!tpu.dma_semaphore, #tpu.memory_space<semaphore_mem>>) src(%dma_wait3A_742 : memref<16x128xf32, #tpu.memory_space<hbm>>) dst(%dma_wait3A_740 : memref<16x128xf32, #tpu.memory_space<vmem>>)
      %dma_wait3A_743 = arith.constant 224 : i32
      %dma_wait3A_744 = arith.constant 0 : i32
      %dma_wait3A_745 = tpu.memref_slice %arg11[%dma_wait3A_743, %dma_wait3A_744] : memref<256x128xf32, #tpu.memory_space<vmem>> -> memref<16x128xf32, #tpu.memory_space<vmem>>
      %dma_wait3A_746 = arith.constant 0 : i32
      %dma_wait3A_747 = tpu.memref_slice %arg3[%dma_wait3A_746, %multiple_of3A_399] : memref<16x1000000xf32, #tpu.memory_space<hbm>> -> memref<16x128xf32, #tpu.memory_space<hbm>>
      %dma_wait3A_748 = arith.constant 224 : i32
      %dma_wait3A_749 = arith.constant 0 : i32
      %dma_wait3A_750 = tpu.memref_slice %arg11[%dma_wait3A_748, %dma_wait3A_749] : memref<256x128xf32, #tpu.memory_space<vmem>> -> memref<16x128xf32, #tpu.memory_space<vmem>>
      %dma_wait3A_751 = arith.constant 0 : i32
      %dma_wait3A_752 = tpu.memref_slice %arg3[%dma_wait3A_751, %multiple_of3A_399] : memref<16x1000000xf32, #tpu.memory_space<hbm>> -> memref<16x128xf32, #tpu.memory_space<hbm>>
      tpu.wait_dma2 semaphore(%arg15 : memref<!tpu.dma_semaphore, #tpu.memory_space<semaphore_mem>>) src(%dma_wait3A_752 : memref<16x128xf32, #tpu.memory_space<hbm>>) dst(%dma_wait3A_750 : memref<16x128xf32, #tpu.memory_space<vmem>>)
      %dma_wait3A_753 = arith.constant 240 : i32
      %dma_wait3A_754 = arith.constant 0 : i32
      %dma_wait3A_755 = tpu.memref_slice %arg11[%dma_wait3A_753, %dma_wait3A_754] : memref<256x128xf32, #tpu.memory_space<vmem>> -> memref<16x128xf32, #tpu.memory_space<vmem>>
      %dma_wait3A_756 = arith.constant 0 : i32
      %dma_wait3A_757 = tpu.memref_slice %arg3[%dma_wait3A_756, %multiple_of3A_425] : memref<16x1000000xf32, #tpu.memory_space<hbm>> -> memref<16x128xf32, #tpu.memory_space<hbm>>
      %dma_wait3A_758 = arith.constant 240 : i32
      %dma_wait3A_759 = arith.constant 0 : i32
      %dma_wait3A_760 = tpu.memref_slice %arg11[%dma_wait3A_758, %dma_wait3A_759] : memref<256x128xf32, #tpu.memory_space<vmem>> -> memref<16x128xf32, #tpu.memory_space<vmem>>
      %dma_wait3A_761 = arith.constant 0 : i32
      %dma_wait3A_762 = tpu.memref_slice %arg3[%dma_wait3A_761, %multiple_of3A_425] : memref<16x1000000xf32, #tpu.memory_space<hbm>> -> memref<16x128xf32, #tpu.memory_space<hbm>>
      tpu.wait_dma2 semaphore(%arg15 : memref<!tpu.dma_semaphore, #tpu.memory_space<semaphore_mem>>) src(%dma_wait3A_762 : memref<16x128xf32, #tpu.memory_space<hbm>>) dst(%dma_wait3A_760 : memref<16x128xf32, #tpu.memory_space<vmem>>)
      %add3A_763 = arith.constant 0 : i32
      %add3A_764 = vector.broadcast %add3A_763 : i32 to vector<16xi32>
      %add3A_765 = arith.addi %iota3A, %add3A_764 : vector<16xi32>
      %broadcast_in_dim3A = arith.constant 1 : i32
      %broadcast_in_dim3A_766 = vector.broadcast %broadcast_in_dim3A : i32 to vector<16xi32>
      %slice3A_767 = vector.extract_strided_slice %and3A_438 {offsets = [0], sizes = [1], strides = [1]} : vector<16xi32> to vector<1xi32>
      %squeeze3A_768 = vector.extract %slice3A_767[0] : i32 from vector<1xi32>
      %mul3A_769 = vector.broadcast %squeeze3A_768 : i32 to vector<16xi32>
      %mul3A_770 = arith.muli %broadcast_in_dim3A_766, %mul3A_769 : vector<16xi32>
      %gather3A = tpu.vector_load_idx %arg10[%add3A_765, %mul3A_770] : memref<256x128xf32, #tpu.memory_space<vmem>>[vector<16xi32>, vector<16xi32>], vector<16xf32>,
      %broadcast_in_dim3A_771 = arith.constant 1 : i32
      %broadcast_in_dim3A_772 = vector.broadcast %broadcast_in_dim3A_771 : i32 to vector<16xi32>
      %slice3A_773 = vector.extract_strided_slice %and3A_441 {offsets = [0], sizes = [1], strides = [1]} : vector<16xi32> to vector<1xi32>
      %squeeze3A_774 = vector.extract %slice3A_773[0] : i32 from vector<1xi32>
      %mul3A_775 = vector.broadcast %squeeze3A_774 : i32 to vector<16xi32>
      %mul3A_776 = arith.muli %broadcast_in_dim3A_772, %mul3A_775 : vector<16xi32>
      %gather3A_777 = tpu.vector_load_idx %arg11[%add3A_765, %mul3A_776] : memref<256x128xf32, #tpu.memory_space<vmem>>[vector<16xi32>, vector<16xi32>], vector<16xf32>,
      %add3A_778 = arith.constant 0 : i32
      %add3A_779 = arith.addi %mul3A_443, %add3A_778 : i32
      %swap3A = arith.index_cast %add3A_779 : i32 to index
      %swap3A_780 = arith.constant 0 : index
      %swap3A_781 = tpu.vector_load %arg12[%swap3A, %swap3A_780] {strides = array<i32>} : memref<64x128xf32, #tpu.memory_space<vmem>>, vector<16xf32>,
      tpu.vector_store %arg12[%swap3A, %swap3A_780], %gather3A {strides = array<i32>} : memref<64x128xf32, #tpu.memory_space<vmem>>, vector<16xf32>,
      %add3A_782 = arith.constant 0 : i32
      %add3A_783 = arith.addi %mul3A_443, %add3A_782 : i32
      %swap3A_784 = arith.index_cast %add3A_783 : i32 to index
      %swap3A_785 = arith.constant 0 : index
      %swap3A_786 = tpu.vector_load %arg13[%swap3A_784, %swap3A_785] {strides = array<i32>} : memref<64x128xf32, #tpu.memory_space<vmem>>, vector<16xf32>,
      tpu.vector_store %arg13[%swap3A_784, %swap3A_785], %gather3A_777 {strides = array<i32>} : memref<64x128xf32, #tpu.memory_space<vmem>>, vector<16xf32>,
      %add3A_787 = arith.constant 16 : i32
      %add3A_788 = vector.broadcast %add3A_787 : i32 to vector<16xi32>
      %add3A_789 = arith.addi %iota3A, %add3A_788 : vector<16xi32>
      %broadcast_in_dim3A_790 = arith.constant 1 : i32
      %broadcast_in_dim3A_791 = vector.broadcast %broadcast_in_dim3A_790 : i32 to vector<16xi32>
      %slice3A_792 = vector.extract_strided_slice %and3A_438 {offsets = [1], sizes = [1], strides = [1]} : vector<16xi32> to vector<1xi32>
      %squeeze3A_793 = vector.extract %slice3A_792[0] : i32 from vector<1xi32>
      %mul3A_794 = vector.broadcast %squeeze3A_793 : i32 to vector<16xi32>
      %mul3A_795 = arith.muli %broadcast_in_dim3A_791, %mul3A_794 : vector<16xi32>
      %gather3A_796 = tpu.vector_load_idx %arg10[%add3A_789, %mul3A_795] : memref<256x128xf32, #tpu.memory_space<vmem>>[vector<16xi32>, vector<16xi32>], vector<16xf32>,
      %broadcast_in_dim3A_797 = arith.constant 1 : i32
      %broadcast_in_dim3A_798 = vector.broadcast %broadcast_in_dim3A_797 : i32 to vector<16xi32>
      %slice3A_799 = vector.extract_strided_slice %and3A_441 {offsets = [1], sizes = [1], strides = [1]} : vector<16xi32> to vector<1xi32>
      %squeeze3A_800 = vector.extract %slice3A_799[0] : i32 from vector<1xi32>
      %mul3A_801 = vector.broadcast %squeeze3A_800 : i32 to vector<16xi32>
      %mul3A_802 = arith.muli %broadcast_in_dim3A_798, %mul3A_801 : vector<16xi32>
      %gather3A_803 = tpu.vector_load_idx %arg11[%add3A_789, %mul3A_802] : memref<256x128xf32, #tpu.memory_space<vmem>>[vector<16xi32>, vector<16xi32>], vector<16xf32>,
      %add3A_804 = arith.constant 0 : i32
      %add3A_805 = arith.addi %mul3A_443, %add3A_804 : i32
      %swap3A_806 = arith.index_cast %add3A_805 : i32 to index
      %swap3A_807 = arith.constant 16 : index
      %swap3A_808 = tpu.vector_load %arg12[%swap3A_806, %swap3A_807] {strides = array<i32>} : memref<64x128xf32, #tpu.memory_space<vmem>>, vector<16xf32>,
      tpu.vector_store %arg12[%swap3A_806, %swap3A_807], %gather3A_796 {strides = array<i32>} : memref<64x128xf32, #tpu.memory_space<vmem>>, vector<16xf32>,
      %add3A_809 = arith.constant 0 : i32
      %add3A_810 = arith.addi %mul3A_443, %add3A_809 : i32
      %swap3A_811 = arith.index_cast %add3A_810 : i32 to index
      %swap3A_812 = arith.constant 16 : index
      %swap3A_813 = tpu.vector_load %arg13[%swap3A_811, %swap3A_812] {strides = array<i32>} : memref<64x128xf32, #tpu.memory_space<vmem>>, vector<16xf32>,
      tpu.vector_store %arg13[%swap3A_811, %swap3A_812], %gather3A_803 {strides = array<i32>} : memref<64x128xf32, #tpu.memory_space<vmem>>, vector<16xf32>,
      %add3A_814 = arith.constant 32 : i32
      %add3A_815 = vector.broadcast %add3A_814 : i32 to vector<16xi32>
      %add3A_816 = arith.addi %iota3A, %add3A_815 : vector<16xi32>
      %broadcast_in_dim3A_817 = arith.constant 1 : i32
      %broadcast_in_dim3A_818 = vector.broadcast %broadcast_in_dim3A_817 : i32 to vector<16xi32>
      %slice3A_819 = vector.extract_strided_slice %and3A_438 {offsets = [2], sizes = [1], strides = [1]} : vector<16xi32> to vector<1xi32>
      %squeeze3A_820 = vector.extract %slice3A_819[0] : i32 from vector<1xi32>
      %mul3A_821 = vector.broadcast %squeeze3A_820 : i32 to vector<16xi32>
      %mul3A_822 = arith.muli %broadcast_in_dim3A_818, %mul3A_821 : vector<16xi32>
      %gather3A_823 = tpu.vector_load_idx %arg10[%add3A_816, %mul3A_822] : memref<256x128xf32, #tpu.memory_space<vmem>>[vector<16xi32>, vector<16xi32>], vector<16xf32>,
      %broadcast_in_dim3A_824 = arith.constant 1 : i32
      %broadcast_in_dim3A_825 = vector.broadcast %broadcast_in_dim3A_824 : i32 to vector<16xi32>
      %slice3A_826 = vector.extract_strided_slice %and3A_441 {offsets = [2], sizes = [1], strides = [1]} : vector<16xi32> to vector<1xi32>
      %squeeze3A_827 = vector.extract %slice3A_826[0] : i32 from vector<1xi32>
      %mul3A_828 = vector.broadcast %squeeze3A_827 : i32 to vector<16xi32>
      %mul3A_829 = arith.muli %broadcast_in_dim3A_825, %mul3A_828 : vector<16xi32>
      %gather3A_830 = tpu.vector_load_idx %arg11[%add3A_816, %mul3A_829] : memref<256x128xf32, #tpu.memory_space<vmem>>[vector<16xi32>, vector<16xi32>], vector<16xf32>,
      %add3A_831 = arith.constant 0 : i32
      %add3A_832 = arith.addi %mul3A_443, %add3A_831 : i32
      %swap3A_833 = arith.index_cast %add3A_832 : i32 to index
      %swap3A_834 = arith.constant 32 : index
      %swap3A_835 = tpu.vector_load %arg12[%swap3A_833, %swap3A_834] {strides = array<i32>} : memref<64x128xf32, #tpu.memory_space<vmem>>, vector<16xf32>,
      tpu.vector_store %arg12[%swap3A_833, %swap3A_834], %gather3A_823 {strides = array<i32>} : memref<64x128xf32, #tpu.memory_space<vmem>>, vector<16xf32>,
      %add3A_836 = arith.constant 0 : i32
      %add3A_837 = arith.addi %mul3A_443, %add3A_836 : i32
      %swap3A_838 = arith.index_cast %add3A_837 : i32 to index
      %swap3A_839 = arith.constant 32 : index
      %swap3A_840 = tpu.vector_load %arg13[%swap3A_838, %swap3A_839] {strides = array<i32>} : memref<64x128xf32, #tpu.memory_space<vmem>>, vector<16xf32>,
      tpu.vector_store %arg13[%swap3A_838, %swap3A_839], %gather3A_830 {strides = array<i32>} : memref<64x128xf32, #tpu.memory_space<vmem>>, vector<16xf32>,
      %add3A_841 = arith.constant 48 : i32
      %add3A_842 = vector.broadcast %add3A_841 : i32 to vector<16xi32>
      %add3A_843 = arith.addi %iota3A, %add3A_842 : vector<16xi32>
      %broadcast_in_dim3A_844 = arith.constant 1 : i32
      %broadcast_in_dim3A_845 = vector.broadcast %broadcast_in_dim3A_844 : i32 to vector<16xi32>
      %slice3A_846 = vector.extract_strided_slice %and3A_438 {offsets = [3], sizes = [1], strides = [1]} : vector<16xi32> to vector<1xi32>
      %squeeze3A_847 = vector.extract %slice3A_846[0] : i32 from vector<1xi32>
      %mul3A_848 = vector.broadcast %squeeze3A_847 : i32 to vector<16xi32>
      %mul3A_849 = arith.muli %broadcast_in_dim3A_845, %mul3A_848 : vector<16xi32>
      %gather3A_850 = tpu.vector_load_idx %arg10[%add3A_843, %mul3A_849] : memref<256x128xf32, #tpu.memory_space<vmem>>[vector<16xi32>, vector<16xi32>], vector<16xf32>,
      %broadcast_in_dim3A_851 = arith.constant 1 : i32
      %broadcast_in_dim3A_852 = vector.broadcast %broadcast_in_dim3A_851 : i32 to vector<16xi32>
      %slice3A_853 = vector.extract_strided_slice %and3A_441 {offsets = [3], sizes = [1], strides = [1]} : vector<16xi32> to vector<1xi32>
      %squeeze3A_854 = vector.extract %slice3A_853[0] : i32 from vector<1xi32>
      %mul3A_855 = vector.broadcast %squeeze3A_854 : i32 to vector<16xi32>
      %mul3A_856 = arith.muli %broadcast_in_dim3A_852, %mul3A_855 : vector<16xi32>
      %gather3A_857 = tpu.vector_load_idx %arg11[%add3A_843, %mul3A_856] : memref<256x128xf32, #tpu.memory_space<vmem>>[vector<16xi32>, vector<16xi32>], vector<16xf32>,
      %add3A_858 = arith.constant 0 : i32
      %add3A_859 = arith.addi %mul3A_443, %add3A_858 : i32
      %swap3A_860 = arith.index_cast %add3A_859 : i32 to index
      %swap3A_861 = arith.constant 48 : index
      %swap3A_862 = tpu.vector_load %arg12[%swap3A_860, %swap3A_861] {strides = array<i32>} : memref<64x128xf32, #tpu.memory_space<vmem>>, vector<16xf32>,
      tpu.vector_store %arg12[%swap3A_860, %swap3A_861], %gather3A_850 {strides = array<i32>} : memref<64x128xf32, #tpu.memory_space<vmem>>, vector<16xf32>,
      %add3A_863 = arith.constant 0 : i32
      %add3A_864 = arith.addi %mul3A_443, %add3A_863 : i32
      %swap3A_865 = arith.index_cast %add3A_864 : i32 to index
      %swap3A_866 = arith.constant 48 : index
      %swap3A_867 = tpu.vector_load %arg13[%swap3A_865, %swap3A_866] {strides = array<i32>} : memref<64x128xf32, #tpu.memory_space<vmem>>, vector<16xf32>,
      tpu.vector_store %arg13[%swap3A_865, %swap3A_866], %gather3A_857 {strides = array<i32>} : memref<64x128xf32, #tpu.memory_space<vmem>>, vector<16xf32>,
      %add3A_868 = arith.constant 64 : i32
      %add3A_869 = vector.broadcast %add3A_868 : i32 to vector<16xi32>
      %add3A_870 = arith.addi %iota3A, %add3A_869 : vector<16xi32>
      %broadcast_in_dim3A_871 = arith.constant 1 : i32
      %broadcast_in_dim3A_872 = vector.broadcast %broadcast_in_dim3A_871 : i32 to vector<16xi32>
      %slice3A_873 = vector.extract_strided_slice %and3A_438 {offsets = [4], sizes = [1], strides = [1]} : vector<16xi32> to vector<1xi32>
      %squeeze3A_874 = vector.extract %slice3A_873[0] : i32 from vector<1xi32>
      %mul3A_875 = vector.broadcast %squeeze3A_874 : i32 to vector<16xi32>
      %mul3A_876 = arith.muli %broadcast_in_dim3A_872, %mul3A_875 : vector<16xi32>
      %gather3A_877 = tpu.vector_load_idx %arg10[%add3A_870, %mul3A_876] : memref<256x128xf32, #tpu.memory_space<vmem>>[vector<16xi32>, vector<16xi32>], vector<16xf32>,
      %broadcast_in_dim3A_878 = arith.constant 1 : i32
      %broadcast_in_dim3A_879 = vector.broadcast %broadcast_in_dim3A_878 : i32 to vector<16xi32>
      %slice3A_880 = vector.extract_strided_slice %and3A_441 {offsets = [4], sizes = [1], strides = [1]} : vector<16xi32> to vector<1xi32>
      %squeeze3A_881 = vector.extract %slice3A_880[0] : i32 from vector<1xi32>
      %mul3A_882 = vector.broadcast %squeeze3A_881 : i32 to vector<16xi32>
      %mul3A_883 = arith.muli %broadcast_in_dim3A_879, %mul3A_882 : vector<16xi32>
      %gather3A_884 = tpu.vector_load_idx %arg11[%add3A_870, %mul3A_883] : memref<256x128xf32, #tpu.memory_space<vmem>>[vector<16xi32>, vector<16xi32>], vector<16xf32>,
      %add3A_885 = arith.constant 0 : i32
      %add3A_886 = arith.addi %mul3A_443, %add3A_885 : i32
      %swap3A_887 = arith.index_cast %add3A_886 : i32 to index
      %swap3A_888 = arith.constant 64 : index
      %swap3A_889 = tpu.vector_load %arg12[%swap3A_887, %swap3A_888] {strides = array<i32>} : memref<64x128xf32, #tpu.memory_space<vmem>>, vector<16xf32>,
      tpu.vector_store %arg12[%swap3A_887, %swap3A_888], %gather3A_877 {strides = array<i32>} : memref<64x128xf32, #tpu.memory_space<vmem>>, vector<16xf32>,
      %add3A_890 = arith.constant 0 : i32
      %add3A_891 = arith.addi %mul3A_443, %add3A_890 : i32
      %swap3A_892 = arith.index_cast %add3A_891 : i32 to index
      %swap3A_893 = arith.constant 64 : index
      %swap3A_894 = tpu.vector_load %arg13[%swap3A_892, %swap3A_893] {strides = array<i32>} : memref<64x128xf32, #tpu.memory_space<vmem>>, vector<16xf32>,
      tpu.vector_store %arg13[%swap3A_892, %swap3A_893], %gather3A_884 {strides = array<i32>} : memref<64x128xf32, #tpu.memory_space<vmem>>, vector<16xf32>,
      %add3A_895 = arith.constant 80 : i32
      %add3A_896 = vector.broadcast %add3A_895 : i32 to vector<16xi32>
      %add3A_897 = arith.addi %iota3A, %add3A_896 : vector<16xi32>
      %broadcast_in_dim3A_898 = arith.constant 1 : i32
      %broadcast_in_dim3A_899 = vector.broadcast %broadcast_in_dim3A_898 : i32 to vector<16xi32>
      %slice3A_900 = vector.extract_strided_slice %and3A_438 {offsets = [5], sizes = [1], strides = [1]} : vector<16xi32> to vector<1xi32>
      %squeeze3A_901 = vector.extract %slice3A_900[0] : i32 from vector<1xi32>
      %mul3A_902 = vector.broadcast %squeeze3A_901 : i32 to vector<16xi32>
      %mul3A_903 = arith.muli %broadcast_in_dim3A_899, %mul3A_902 : vector<16xi32>
      %gather3A_904 = tpu.vector_load_idx %arg10[%add3A_897, %mul3A_903] : memref<256x128xf32, #tpu.memory_space<vmem>>[vector<16xi32>, vector<16xi32>], vector<16xf32>,
      %broadcast_in_dim3A_905 = arith.constant 1 : i32
      %broadcast_in_dim3A_906 = vector.broadcast %broadcast_in_dim3A_905 : i32 to vector<16xi32>
      %slice3A_907 = vector.extract_strided_slice %and3A_441 {offsets = [5], sizes = [1], strides = [1]} : vector<16xi32> to vector<1xi32>
      %squeeze3A_908 = vector.extract %slice3A_907[0] : i32 from vector<1xi32>
      %mul3A_909 = vector.broadcast %squeeze3A_908 : i32 to vector<16xi32>
      %mul3A_910 = arith.muli %broadcast_in_dim3A_906, %mul3A_909 : vector<16xi32>
      %gather3A_911 = tpu.vector_load_idx %arg11[%add3A_897, %mul3A_910] : memref<256x128xf32, #tpu.memory_space<vmem>>[vector<16xi32>, vector<16xi32>], vector<16xf32>,
      %add3A_912 = arith.constant 0 : i32
      %add3A_913 = arith.addi %mul3A_443, %add3A_912 : i32
      %swap3A_914 = arith.index_cast %add3A_913 : i32 to index
      %swap3A_915 = arith.constant 80 : index
      %swap3A_916 = tpu.vector_load %arg12[%swap3A_914, %swap3A_915] {strides = array<i32>} : memref<64x128xf32, #tpu.memory_space<vmem>>, vector<16xf32>,
      tpu.vector_store %arg12[%swap3A_914, %swap3A_915], %gather3A_904 {strides = array<i32>} : memref<64x128xf32, #tpu.memory_space<vmem>>, vector<16xf32>,
      %add3A_917 = arith.constant 0 : i32
      %add3A_918 = arith.addi %mul3A_443, %add3A_917 : i32
      %swap3A_919 = arith.index_cast %add3A_918 : i32 to index
      %swap3A_920 = arith.constant 80 : index
      %swap3A_921 = tpu.vector_load %arg13[%swap3A_919, %swap3A_920] {strides = array<i32>} : memref<64x128xf32, #tpu.memory_space<vmem>>, vector<16xf32>,
      tpu.vector_store %arg13[%swap3A_919, %swap3A_920], %gather3A_911 {strides = array<i32>} : memref<64x128xf32, #tpu.memory_space<vmem>>, vector<16xf32>,
      %add3A_922 = arith.constant 96 : i32
      %add3A_923 = vector.broadcast %add3A_922 : i32 to vector<16xi32>
      %add3A_924 = arith.addi %iota3A, %add3A_923 : vector<16xi32>
      %broadcast_in_dim3A_925 = arith.constant 1 : i32
      %broadcast_in_dim3A_926 = vector.broadcast %broadcast_in_dim3A_925 : i32 to vector<16xi32>
      %slice3A_927 = vector.extract_strided_slice %and3A_438 {offsets = [6], sizes = [1], strides = [1]} : vector<16xi32> to vector<1xi32>
      %squeeze3A_928 = vector.extract %slice3A_927[0] : i32 from vector<1xi32>
      %mul3A_929 = vector.broadcast %squeeze3A_928 : i32 to vector<16xi32>
      %mul3A_930 = arith.muli %broadcast_in_dim3A_926, %mul3A_929 : vector<16xi32>
      %gather3A_931 = tpu.vector_load_idx %arg10[%add3A_924, %mul3A_930] : memref<256x128xf32, #tpu.memory_space<vmem>>[vector<16xi32>, vector<16xi32>], vector<16xf32>,
      %broadcast_in_dim3A_932 = arith.constant 1 : i32
      %broadcast_in_dim3A_933 = vector.broadcast %broadcast_in_dim3A_932 : i32 to vector<16xi32>
      %slice3A_934 = vector.extract_strided_slice %and3A_441 {offsets = [6], sizes = [1], strides = [1]} : vector<16xi32> to vector<1xi32>
      %squeeze3A_935 = vector.extract %slice3A_934[0] : i32 from vector<1xi32>
      %mul3A_936 = vector.broadcast %squeeze3A_935 : i32 to vector<16xi32>
      %mul3A_937 = arith.muli %broadcast_in_dim3A_933, %mul3A_936 : vector<16xi32>
      %gather3A_938 = tpu.vector_load_idx %arg11[%add3A_924, %mul3A_937] : memref<256x128xf32, #tpu.memory_space<vmem>>[vector<16xi32>, vector<16xi32>], vector<16xf32>,
      %add3A_939 = arith.constant 0 : i32
      %add3A_940 = arith.addi %mul3A_443, %add3A_939 : i32
      %swap3A_941 = arith.index_cast %add3A_940 : i32 to index
      %swap3A_942 = arith.constant 96 : index
      %swap3A_943 = tpu.vector_load %arg12[%swap3A_941, %swap3A_942] {strides = array<i32>} : memref<64x128xf32, #tpu.memory_space<vmem>>, vector<16xf32>,
      tpu.vector_store %arg12[%swap3A_941, %swap3A_942], %gather3A_931 {strides = array<i32>} : memref<64x128xf32, #tpu.memory_space<vmem>>, vector<16xf32>,
      %add3A_944 = arith.constant 0 : i32
      %add3A_945 = arith.addi %mul3A_443, %add3A_944 : i32
      %swap3A_946 = arith.index_cast %add3A_945 : i32 to index
      %swap3A_947 = arith.constant 96 : index
      %swap3A_948 = tpu.vector_load %arg13[%swap3A_946, %swap3A_947] {strides = array<i32>} : memref<64x128xf32, #tpu.memory_space<vmem>>, vector<16xf32>,
      tpu.vector_store %arg13[%swap3A_946, %swap3A_947], %gather3A_938 {strides = array<i32>} : memref<64x128xf32, #tpu.memory_space<vmem>>, vector<16xf32>,
      %add3A_949 = arith.constant 112 : i32
      %add3A_950 = vector.broadcast %add3A_949 : i32 to vector<16xi32>
      %add3A_951 = arith.addi %iota3A, %add3A_950 : vector<16xi32>
      %broadcast_in_dim3A_952 = arith.constant 1 : i32
      %broadcast_in_dim3A_953 = vector.broadcast %broadcast_in_dim3A_952 : i32 to vector<16xi32>
      %slice3A_954 = vector.extract_strided_slice %and3A_438 {offsets = [7], sizes = [1], strides = [1]} : vector<16xi32> to vector<1xi32>
      %squeeze3A_955 = vector.extract %slice3A_954[0] : i32 from vector<1xi32>
      %mul3A_956 = vector.broadcast %squeeze3A_955 : i32 to vector<16xi32>
      %mul3A_957 = arith.muli %broadcast_in_dim3A_953, %mul3A_956 : vector<16xi32>
      %gather3A_958 = tpu.vector_load_idx %arg10[%add3A_951, %mul3A_957] : memref<256x128xf32, #tpu.memory_space<vmem>>[vector<16xi32>, vector<16xi32>], vector<16xf32>,
      %broadcast_in_dim3A_959 = arith.constant 1 : i32
      %broadcast_in_dim3A_960 = vector.broadcast %broadcast_in_dim3A_959 : i32 to vector<16xi32>
      %slice3A_961 = vector.extract_strided_slice %and3A_441 {offsets = [7], sizes = [1], strides = [1]} : vector<16xi32> to vector<1xi32>
      %squeeze3A_962 = vector.extract %slice3A_961[0] : i32 from vector<1xi32>
      %mul3A_963 = vector.broadcast %squeeze3A_962 : i32 to vector<16xi32>
      %mul3A_964 = arith.muli %broadcast_in_dim3A_960, %mul3A_963 : vector<16xi32>
      %gather3A_965 = tpu.vector_load_idx %arg11[%add3A_951, %mul3A_964] : memref<256x128xf32, #tpu.memory_space<vmem>>[vector<16xi32>, vector<16xi32>], vector<16xf32>,
      %add3A_966 = arith.constant 0 : i32
      %add3A_967 = arith.addi %mul3A_443, %add3A_966 : i32
      %swap3A_968 = arith.index_cast %add3A_967 : i32 to index
      %swap3A_969 = arith.constant 112 : index
      %swap3A_970 = tpu.vector_load %arg12[%swap3A_968, %swap3A_969] {strides = array<i32>} : memref<64x128xf32, #tpu.memory_space<vmem>>, vector<16xf32>,
      tpu.vector_store %arg12[%swap3A_968, %swap3A_969], %gather3A_958 {strides = array<i32>} : memref<64x128xf32, #tpu.memory_space<vmem>>, vector<16xf32>,
      %add3A_971 = arith.constant 0 : i32
      %add3A_972 = arith.addi %mul3A_443, %add3A_971 : i32
      %swap3A_973 = arith.index_cast %add3A_972 : i32 to index
      %swap3A_974 = arith.constant 112 : index
      %swap3A_975 = tpu.vector_load %arg13[%swap3A_973, %swap3A_974] {strides = array<i32>} : memref<64x128xf32, #tpu.memory_space<vmem>>, vector<16xf32>,
      tpu.vector_store %arg13[%swap3A_973, %swap3A_974], %gather3A_965 {strides = array<i32>} : memref<64x128xf32, #tpu.memory_space<vmem>>, vector<16xf32>,
      %add3A_976 = arith.constant 128 : i32
      %add3A_977 = vector.broadcast %add3A_976 : i32 to vector<16xi32>
      %add3A_978 = arith.addi %iota3A, %add3A_977 : vector<16xi32>
      %broadcast_in_dim3A_979 = arith.constant 1 : i32
      %broadcast_in_dim3A_980 = vector.broadcast %broadcast_in_dim3A_979 : i32 to vector<16xi32>
      %slice3A_981 = vector.extract_strided_slice %and3A_438 {offsets = [8], sizes = [1], strides = [1]} : vector<16xi32> to vector<1xi32>
      %squeeze3A_982 = vector.extract %slice3A_981[0] : i32 from vector<1xi32>
      %mul3A_983 = vector.broadcast %squeeze3A_982 : i32 to vector<16xi32>
      %mul3A_984 = arith.muli %broadcast_in_dim3A_980, %mul3A_983 : vector<16xi32>
      %gather3A_985 = tpu.vector_load_idx %arg10[%add3A_978, %mul3A_984] : memref<256x128xf32, #tpu.memory_space<vmem>>[vector<16xi32>, vector<16xi32>], vector<16xf32>,
      %broadcast_in_dim3A_986 = arith.constant 1 : i32
      %broadcast_in_dim3A_987 = vector.broadcast %broadcast_in_dim3A_986 : i32 to vector<16xi32>
      %slice3A_988 = vector.extract_strided_slice %and3A_441 {offsets = [8], sizes = [1], strides = [1]} : vector<16xi32> to vector<1xi32>
      %squeeze3A_989 = vector.extract %slice3A_988[0] : i32 from vector<1xi32>
      %mul3A_990 = vector.broadcast %squeeze3A_989 : i32 to vector<16xi32>
      %mul3A_991 = arith.muli %broadcast_in_dim3A_987, %mul3A_990 : vector<16xi32>
      %gather3A_992 = tpu.vector_load_idx %arg11[%add3A_978, %mul3A_991] : memref<256x128xf32, #tpu.memory_space<vmem>>[vector<16xi32>, vector<16xi32>], vector<16xf32>,
      %add3A_993 = arith.constant 1 : i32
      %add3A_994 = arith.addi %mul3A_443, %add3A_993 : i32
      %swap3A_995 = arith.index_cast %add3A_994 : i32 to index
      %swap3A_996 = arith.constant 0 : index
      %swap3A_997 = tpu.vector_load %arg12[%swap3A_995, %swap3A_996] {strides = array<i32>} : memref<64x128xf32, #tpu.memory_space<vmem>>, vector<16xf32>,
      tpu.vector_store %arg12[%swap3A_995, %swap3A_996], %gather3A_985 {strides = array<i32>} : memref<64x128xf32, #tpu.memory_space<vmem>>, vector<16xf32>,
      %add3A_998 = arith.constant 1 : i32
      %add3A_999 = arith.addi %mul3A_443, %add3A_998 : i32
      %swap3A_1000 = arith.index_cast %add3A_999 : i32 to index
      %swap3A_1001 = arith.constant 0 : index
      %swap3A_1002 = tpu.vector_load %arg13[%swap3A_1000, %swap3A_1001] {strides = array<i32>} : memref<64x128xf32, #tpu.memory_space<vmem>>, vector<16xf32>,
      tpu.vector_store %arg13[%swap3A_1000, %swap3A_1001], %gather3A_992 {strides = array<i32>} : memref<64x128xf32, #tpu.memory_space<vmem>>, vector<16xf32>,
      %add3A_1003 = arith.constant 144 : i32
      %add3A_1004 = vector.broadcast %add3A_1003 : i32 to vector<16xi32>
      %add3A_1005 = arith.addi %iota3A, %add3A_1004 : vector<16xi32>
      %broadcast_in_dim3A_1006 = arith.constant 1 : i32
      %broadcast_in_dim3A_1007 = vector.broadcast %broadcast_in_dim3A_1006 : i32 to vector<16xi32>
      %slice3A_1008 = vector.extract_strided_slice %and3A_438 {offsets = [9], sizes = [1], strides = [1]} : vector<16xi32> to vector<1xi32>
      %squeeze3A_1009 = vector.extract %slice3A_1008[0] : i32 from vector<1xi32>
      %mul3A_1010 = vector.broadcast %squeeze3A_1009 : i32 to vector<16xi32>
      %mul3A_1011 = arith.muli %broadcast_in_dim3A_1007, %mul3A_1010 : vector<16xi32>
      %gather3A_1012 = tpu.vector_load_idx %arg10[%add3A_1005, %mul3A_1011] : memref<256x128xf32, #tpu.memory_space<vmem>>[vector<16xi32>, vector<16xi32>], vector<16xf32>,
      %broadcast_in_dim3A_1013 = arith.constant 1 : i32
      %broadcast_in_dim3A_1014 = vector.broadcast %broadcast_in_dim3A_1013 : i32 to vector<16xi32>
      %slice3A_1015 = vector.extract_strided_slice %and3A_441 {offsets = [9], sizes = [1], strides = [1]} : vector<16xi32> to vector<1xi32>
      %squeeze3A_1016 = vector.extract %slice3A_1015[0] : i32 from vector<1xi32>
      %mul3A_1017 = vector.broadcast %squeeze3A_1016 : i32 to vector<16xi32>
      %mul3A_1018 = arith.muli %broadcast_in_dim3A_1014, %mul3A_1017 : vector<16xi32>
      %gather3A_1019 = tpu.vector_load_idx %arg11[%add3A_1005, %mul3A_1018] : memref<256x128xf32, #tpu.memory_space<vmem>>[vector<16xi32>, vector<16xi32>], vector<16xf32>,
      %add3A_1020 = arith.constant 1 : i32
      %add3A_1021 = arith.addi %mul3A_443, %add3A_1020 : i32
      %swap3A_1022 = arith.index_cast %add3A_1021 : i32 to index
      %swap3A_1023 = arith.constant 16 : index
      %swap3A_1024 = tpu.vector_load %arg12[%swap3A_1022, %swap3A_1023] {strides = array<i32>} : memref<64x128xf32, #tpu.memory_space<vmem>>, vector<16xf32>,
      tpu.vector_store %arg12[%swap3A_1022, %swap3A_1023], %gather3A_1012 {strides = array<i32>} : memref<64x128xf32, #tpu.memory_space<vmem>>, vector<16xf32>,
      %add3A_1025 = arith.constant 1 : i32
      %add3A_1026 = arith.addi %mul3A_443, %add3A_1025 : i32
      %swap3A_1027 = arith.index_cast %add3A_1026 : i32 to index
      %swap3A_1028 = arith.constant 16 : index
      %swap3A_1029 = tpu.vector_load %arg13[%swap3A_1027, %swap3A_1028] {strides = array<i32>} : memref<64x128xf32, #tpu.memory_space<vmem>>, vector<16xf32>,
      tpu.vector_store %arg13[%swap3A_1027, %swap3A_1028], %gather3A_1019 {strides = array<i32>} : memref<64x128xf32, #tpu.memory_space<vmem>>, vector<16xf32>,
      %add3A_1030 = arith.constant 160 : i32
      %add3A_1031 = vector.broadcast %add3A_1030 : i32 to vector<16xi32>
      %add3A_1032 = arith.addi %iota3A, %add3A_1031 : vector<16xi32>
      %broadcast_in_dim3A_1033 = arith.constant 1 : i32
      %broadcast_in_dim3A_1034 = vector.broadcast %broadcast_in_dim3A_1033 : i32 to vector<16xi32>
      %slice3A_1035 = vector.extract_strided_slice %and3A_438 {offsets = [10], sizes = [1], strides = [1]} : vector<16xi32> to vector<1xi32>
      %squeeze3A_1036 = vector.extract %slice3A_1035[0] : i32 from vector<1xi32>
      %mul3A_1037 = vector.broadcast %squeeze3A_1036 : i32 to vector<16xi32>
      %mul3A_1038 = arith.muli %broadcast_in_dim3A_1034, %mul3A_1037 : vector<16xi32>
      %gather3A_1039 = tpu.vector_load_idx %arg10[%add3A_1032, %mul3A_1038] : memref<256x128xf32, #tpu.memory_space<vmem>>[vector<16xi32>, vector<16xi32>], vector<16xf32>,
      %broadcast_in_dim3A_1040 = arith.constant 1 : i32
      %broadcast_in_dim3A_1041 = vector.broadcast %broadcast_in_dim3A_1040 : i32 to vector<16xi32>
      %slice3A_1042 = vector.extract_strided_slice %and3A_441 {offsets = [10], sizes = [1], strides = [1]} : vector<16xi32> to vector<1xi32>
      %squeeze3A_1043 = vector.extract %slice3A_1042[0] : i32 from vector<1xi32>
      %mul3A_1044 = vector.broadcast %squeeze3A_1043 : i32 to vector<16xi32>
      %mul3A_1045 = arith.muli %broadcast_in_dim3A_1041, %mul3A_1044 : vector<16xi32>
      %gather3A_1046 = tpu.vector_load_idx %arg11[%add3A_1032, %mul3A_1045] : memref<256x128xf32, #tpu.memory_space<vmem>>[vector<16xi32>, vector<16xi32>], vector<16xf32>,
      %add3A_1047 = arith.constant 1 : i32
      %add3A_1048 = arith.addi %mul3A_443, %add3A_1047 : i32
      %swap3A_1049 = arith.index_cast %add3A_1048 : i32 to index
      %swap3A_1050 = arith.constant 32 : index
      %swap3A_1051 = tpu.vector_load %arg12[%swap3A_1049, %swap3A_1050] {strides = array<i32>} : memref<64x128xf32, #tpu.memory_space<vmem>>, vector<16xf32>,
      tpu.vector_store %arg12[%swap3A_1049, %swap3A_1050], %gather3A_1039 {strides = array<i32>} : memref<64x128xf32, #tpu.memory_space<vmem>>, vector<16xf32>,
      %add3A_1052 = arith.constant 1 : i32
      %add3A_1053 = arith.addi %mul3A_443, %add3A_1052 : i32
      %swap3A_1054 = arith.index_cast %add3A_1053 : i32 to index
      %swap3A_1055 = arith.constant 32 : index
      %swap3A_1056 = tpu.vector_load %arg13[%swap3A_1054, %swap3A_1055] {strides = array<i32>} : memref<64x128xf32, #tpu.memory_space<vmem>>, vector<16xf32>,
      tpu.vector_store %arg13[%swap3A_1054, %swap3A_1055], %gather3A_1046 {strides = array<i32>} : memref<64x128xf32, #tpu.memory_space<vmem>>, vector<16xf32>,
      %add3A_1057 = arith.constant 176 : i32
      %add3A_1058 = vector.broadcast %add3A_1057 : i32 to vector<16xi32>
      %add3A_1059 = arith.addi %iota3A, %add3A_1058 : vector<16xi32>
      %broadcast_in_dim3A_1060 = arith.constant 1 : i32
      %broadcast_in_dim3A_1061 = vector.broadcast %broadcast_in_dim3A_1060 : i32 to vector<16xi32>
      %slice3A_1062 = vector.extract_strided_slice %and3A_438 {offsets = [11], sizes = [1], strides = [1]} : vector<16xi32> to vector<1xi32>
      %squeeze3A_1063 = vector.extract %slice3A_1062[0] : i32 from vector<1xi32>
      %mul3A_1064 = vector.broadcast %squeeze3A_1063 : i32 to vector<16xi32>
      %mul3A_1065 = arith.muli %broadcast_in_dim3A_1061, %mul3A_1064 : vector<16xi32>
      %gather3A_1066 = tpu.vector_load_idx %arg10[%add3A_1059, %mul3A_1065] : memref<256x128xf32, #tpu.memory_space<vmem>>[vector<16xi32>, vector<16xi32>], vector<16xf32>,
      %broadcast_in_dim3A_1067 = arith.constant 1 : i32
      %broadcast_in_dim3A_1068 = vector.broadcast %broadcast_in_dim3A_1067 : i32 to vector<16xi32>
      %slice3A_1069 = vector.extract_strided_slice %and3A_441 {offsets = [11], sizes = [1], strides = [1]} : vector<16xi32> to vector<1xi32>
      %squeeze3A_1070 = vector.extract %slice3A_1069[0] : i32 from vector<1xi32>
      %mul3A_1071 = vector.broadcast %squeeze3A_1070 : i32 to vector<16xi32>
      %mul3A_1072 = arith.muli %broadcast_in_dim3A_1068, %mul3A_1071 : vector<16xi32>
      %gather3A_1073 = tpu.vector_load_idx %arg11[%add3A_1059, %mul3A_1072] : memref<256x128xf32, #tpu.memory_space<vmem>>[vector<16xi32>, vector<16xi32>], vector<16xf32>,
      %add3A_1074 = arith.constant 1 : i32
      %add3A_1075 = arith.addi %mul3A_443, %add3A_1074 : i32
      %swap3A_1076 = arith.index_cast %add3A_1075 : i32 to index
      %swap3A_1077 = arith.constant 48 : index
      %swap3A_1078 = tpu.vector_load %arg12[%swap3A_1076, %swap3A_1077] {strides = array<i32>} : memref<64x128xf32, #tpu.memory_space<vmem>>, vector<16xf32>,
      tpu.vector_store %arg12[%swap3A_1076, %swap3A_1077], %gather3A_1066 {strides = array<i32>} : memref<64x128xf32, #tpu.memory_space<vmem>>, vector<16xf32>,
      %add3A_1079 = arith.constant 1 : i32
      %add3A_1080 = arith.addi %mul3A_443, %add3A_1079 : i32
      %swap3A_1081 = arith.index_cast %add3A_1080 : i32 to index
      %swap3A_1082 = arith.constant 48 : index
      %swap3A_1083 = tpu.vector_load %arg13[%swap3A_1081, %swap3A_1082] {strides = array<i32>} : memref<64x128xf32, #tpu.memory_space<vmem>>, vector<16xf32>,
      tpu.vector_store %arg13[%swap3A_1081, %swap3A_1082], %gather3A_1073 {strides = array<i32>} : memref<64x128xf32, #tpu.memory_space<vmem>>, vector<16xf32>,
      %add3A_1084 = arith.constant 192 : i32
      %add3A_1085 = vector.broadcast %add3A_1084 : i32 to vector<16xi32>
      %add3A_1086 = arith.addi %iota3A, %add3A_1085 : vector<16xi32>
      %broadcast_in_dim3A_1087 = arith.constant 1 : i32
      %broadcast_in_dim3A_1088 = vector.broadcast %broadcast_in_dim3A_1087 : i32 to vector<16xi32>
      %slice3A_1089 = vector.extract_strided_slice %and3A_438 {offsets = [12], sizes = [1], strides = [1]} : vector<16xi32> to vector<1xi32>
      %squeeze3A_1090 = vector.extract %slice3A_1089[0] : i32 from vector<1xi32>
      %mul3A_1091 = vector.broadcast %squeeze3A_1090 : i32 to vector<16xi32>
      %mul3A_1092 = arith.muli %broadcast_in_dim3A_1088, %mul3A_1091 : vector<16xi32>
      %gather3A_1093 = tpu.vector_load_idx %arg10[%add3A_1086, %mul3A_1092] : memref<256x128xf32, #tpu.memory_space<vmem>>[vector<16xi32>, vector<16xi32>], vector<16xf32>,
      %broadcast_in_dim3A_1094 = arith.constant 1 : i32
      %broadcast_in_dim3A_1095 = vector.broadcast %broadcast_in_dim3A_1094 : i32 to vector<16xi32>
      %slice3A_1096 = vector.extract_strided_slice %and3A_441 {offsets = [12], sizes = [1], strides = [1]} : vector<16xi32> to vector<1xi32>
      %squeeze3A_1097 = vector.extract %slice3A_1096[0] : i32 from vector<1xi32>
      %mul3A_1098 = vector.broadcast %squeeze3A_1097 : i32 to vector<16xi32>
      %mul3A_1099 = arith.muli %broadcast_in_dim3A_1095, %mul3A_1098 : vector<16xi32>
      %gather3A_1100 = tpu.vector_load_idx %arg11[%add3A_1086, %mul3A_1099] : memref<256x128xf32, #tpu.memory_space<vmem>>[vector<16xi32>, vector<16xi32>], vector<16xf32>,
      %add3A_1101 = arith.constant 1 : i32
      %add3A_1102 = arith.addi %mul3A_443, %add3A_1101 : i32
      %swap3A_1103 = arith.index_cast %add3A_1102 : i32 to index
      %swap3A_1104 = arith.constant 64 : index
      %swap3A_1105 = tpu.vector_load %arg12[%swap3A_1103, %swap3A_1104] {strides = array<i32>} : memref<64x128xf32, #tpu.memory_space<vmem>>, vector<16xf32>,
      tpu.vector_store %arg12[%swap3A_1103, %swap3A_1104], %gather3A_1093 {strides = array<i32>} : memref<64x128xf32, #tpu.memory_space<vmem>>, vector<16xf32>,
      %add3A_1106 = arith.constant 1 : i32
      %add3A_1107 = arith.addi %mul3A_443, %add3A_1106 : i32
      %swap3A_1108 = arith.index_cast %add3A_1107 : i32 to index
      %swap3A_1109 = arith.constant 64 : index
      %swap3A_1110 = tpu.vector_load %arg13[%swap3A_1108, %swap3A_1109] {strides = array<i32>} : memref<64x128xf32, #tpu.memory_space<vmem>>, vector<16xf32>,
      tpu.vector_store %arg13[%swap3A_1108, %swap3A_1109], %gather3A_1100 {strides = array<i32>} : memref<64x128xf32, #tpu.memory_space<vmem>>, vector<16xf32>,
      %add3A_1111 = arith.constant 208 : i32
      %add3A_1112 = vector.broadcast %add3A_1111 : i32 to vector<16xi32>
      %add3A_1113 = arith.addi %iota3A, %add3A_1112 : vector<16xi32>
      %broadcast_in_dim3A_1114 = arith.constant 1 : i32
      %broadcast_in_dim3A_1115 = vector.broadcast %broadcast_in_dim3A_1114 : i32 to vector<16xi32>
      %slice3A_1116 = vector.extract_strided_slice %and3A_438 {offsets = [13], sizes = [1], strides = [1]} : vector<16xi32> to vector<1xi32>
      %squeeze3A_1117 = vector.extract %slice3A_1116[0] : i32 from vector<1xi32>
      %mul3A_1118 = vector.broadcast %squeeze3A_1117 : i32 to vector<16xi32>
      %mul3A_1119 = arith.muli %broadcast_in_dim3A_1115, %mul3A_1118 : vector<16xi32>
      %gather3A_1120 = tpu.vector_load_idx %arg10[%add3A_1113, %mul3A_1119] : memref<256x128xf32, #tpu.memory_space<vmem>>[vector<16xi32>, vector<16xi32>], vector<16xf32>,
      %broadcast_in_dim3A_1121 = arith.constant 1 : i32
      %broadcast_in_dim3A_1122 = vector.broadcast %broadcast_in_dim3A_1121 : i32 to vector<16xi32>
      %slice3A_1123 = vector.extract_strided_slice %and3A_441 {offsets = [13], sizes = [1], strides = [1]} : vector<16xi32> to vector<1xi32>
      %squeeze3A_1124 = vector.extract %slice3A_1123[0] : i32 from vector<1xi32>
      %mul3A_1125 = vector.broadcast %squeeze3A_1124 : i32 to vector<16xi32>
      %mul3A_1126 = arith.muli %broadcast_in_dim3A_1122, %mul3A_1125 : vector<16xi32>
      %gather3A_1127 = tpu.vector_load_idx %arg11[%add3A_1113, %mul3A_1126] : memref<256x128xf32, #tpu.memory_space<vmem>>[vector<16xi32>, vector<16xi32>], vector<16xf32>,
      %add3A_1128 = arith.constant 1 : i32
      %add3A_1129 = arith.addi %mul3A_443, %add3A_1128 : i32
      %swap3A_1130 = arith.index_cast %add3A_1129 : i32 to index
      %swap3A_1131 = arith.constant 80 : index
      %swap3A_1132 = tpu.vector_load %arg12[%swap3A_1130, %swap3A_1131] {strides = array<i32>} : memref<64x128xf32, #tpu.memory_space<vmem>>, vector<16xf32>,
      tpu.vector_store %arg12[%swap3A_1130, %swap3A_1131], %gather3A_1120 {strides = array<i32>} : memref<64x128xf32, #tpu.memory_space<vmem>>, vector<16xf32>,
      %add3A_1133 = arith.constant 1 : i32
      %add3A_1134 = arith.addi %mul3A_443, %add3A_1133 : i32
      %swap3A_1135 = arith.index_cast %add3A_1134 : i32 to index
      %swap3A_1136 = arith.constant 80 : index
      %swap3A_1137 = tpu.vector_load %arg13[%swap3A_1135, %swap3A_1136] {strides = array<i32>} : memref<64x128xf32, #tpu.memory_space<vmem>>, vector<16xf32>,
      tpu.vector_store %arg13[%swap3A_1135, %swap3A_1136], %gather3A_1127 {strides = array<i32>} : memref<64x128xf32, #tpu.memory_space<vmem>>, vector<16xf32>,
      %add3A_1138 = arith.constant 224 : i32
      %add3A_1139 = vector.broadcast %add3A_1138 : i32 to vector<16xi32>
      %add3A_1140 = arith.addi %iota3A, %add3A_1139 : vector<16xi32>
      %broadcast_in_dim3A_1141 = arith.constant 1 : i32
      %broadcast_in_dim3A_1142 = vector.broadcast %broadcast_in_dim3A_1141 : i32 to vector<16xi32>
      %slice3A_1143 = vector.extract_strided_slice %and3A_438 {offsets = [14], sizes = [1], strides = [1]} : vector<16xi32> to vector<1xi32>
      %squeeze3A_1144 = vector.extract %slice3A_1143[0] : i32 from vector<1xi32>
      %mul3A_1145 = vector.broadcast %squeeze3A_1144 : i32 to vector<16xi32>
      %mul3A_1146 = arith.muli %broadcast_in_dim3A_1142, %mul3A_1145 : vector<16xi32>
      %gather3A_1147 = tpu.vector_load_idx %arg10[%add3A_1140, %mul3A_1146] : memref<256x128xf32, #tpu.memory_space<vmem>>[vector<16xi32>, vector<16xi32>], vector<16xf32>,
      %broadcast_in_dim3A_1148 = arith.constant 1 : i32
      %broadcast_in_dim3A_1149 = vector.broadcast %broadcast_in_dim3A_1148 : i32 to vector<16xi32>
      %slice3A_1150 = vector.extract_strided_slice %and3A_441 {offsets = [14], sizes = [1], strides = [1]} : vector<16xi32> to vector<1xi32>
      %squeeze3A_1151 = vector.extract %slice3A_1150[0] : i32 from vector<1xi32>
      %mul3A_1152 = vector.broadcast %squeeze3A_1151 : i32 to vector<16xi32>
      %mul3A_1153 = arith.muli %broadcast_in_dim3A_1149, %mul3A_1152 : vector<16xi32>
      %gather3A_1154 = tpu.vector_load_idx %arg11[%add3A_1140, %mul3A_1153] : memref<256x128xf32, #tpu.memory_space<vmem>>[vector<16xi32>, vector<16xi32>], vector<16xf32>,
      %add3A_1155 = arith.constant 1 : i32
      %add3A_1156 = arith.addi %mul3A_443, %add3A_1155 : i32
      %swap3A_1157 = arith.index_cast %add3A_1156 : i32 to index
      %swap3A_1158 = arith.constant 96 : index
      %swap3A_1159 = tpu.vector_load %arg12[%swap3A_1157, %swap3A_1158] {strides = array<i32>} : memref<64x128xf32, #tpu.memory_space<vmem>>, vector<16xf32>,
      tpu.vector_store %arg12[%swap3A_1157, %swap3A_1158], %gather3A_1147 {strides = array<i32>} : memref<64x128xf32, #tpu.memory_space<vmem>>, vector<16xf32>,
      %add3A_1160 = arith.constant 1 : i32
      %add3A_1161 = arith.addi %mul3A_443, %add3A_1160 : i32
      %swap3A_1162 = arith.index_cast %add3A_1161 : i32 to index
      %swap3A_1163 = arith.constant 96 : index
      %swap3A_1164 = tpu.vector_load %arg13[%swap3A_1162, %swap3A_1163] {strides = array<i32>} : memref<64x128xf32, #tpu.memory_space<vmem>>, vector<16xf32>,
      tpu.vector_store %arg13[%swap3A_1162, %swap3A_1163], %gather3A_1154 {strides = array<i32>} : memref<64x128xf32, #tpu.memory_space<vmem>>, vector<16xf32>,
      %add3A_1165 = arith.constant 240 : i32
      %add3A_1166 = vector.broadcast %add3A_1165 : i32 to vector<16xi32>
      %add3A_1167 = arith.addi %iota3A, %add3A_1166 : vector<16xi32>
      %broadcast_in_dim3A_1168 = arith.constant 1 : i32
      %broadcast_in_dim3A_1169 = vector.broadcast %broadcast_in_dim3A_1168 : i32 to vector<16xi32>
      %slice3A_1170 = vector.extract_strided_slice %and3A_438 {offsets = [15], sizes = [1], strides = [1]} : vector<16xi32> to vector<1xi32>
      %squeeze3A_1171 = vector.extract %slice3A_1170[0] : i32 from vector<1xi32>
      %mul3A_1172 = vector.broadcast %squeeze3A_1171 : i32 to vector<16xi32>
      %mul3A_1173 = arith.muli %broadcast_in_dim3A_1169, %mul3A_1172 : vector<16xi32>
      %gather3A_1174 = tpu.vector_load_idx %arg10[%add3A_1167, %mul3A_1173] : memref<256x128xf32, #tpu.memory_space<vmem>>[vector<16xi32>, vector<16xi32>], vector<16xf32>,
      %broadcast_in_dim3A_1175 = arith.constant 1 : i32
      %broadcast_in_dim3A_1176 = vector.broadcast %broadcast_in_dim3A_1175 : i32 to vector<16xi32>
      %slice3A_1177 = vector.extract_strided_slice %and3A_441 {offsets = [15], sizes = [1], strides = [1]} : vector<16xi32> to vector<1xi32>
      %squeeze3A_1178 = vector.extract %slice3A_1177[0] : i32 from vector<1xi32>
      %mul3A_1179 = vector.broadcast %squeeze3A_1178 : i32 to vector<16xi32>
      %mul3A_1180 = arith.muli %broadcast_in_dim3A_1176, %mul3A_1179 : vector<16xi32>
      %gather3A_1181 = tpu.vector_load_idx %arg11[%add3A_1167, %mul3A_1180] : memref<256x128xf32, #tpu.memory_space<vmem>>[vector<16xi32>, vector<16xi32>], vector<16xf32>,
      %add3A_1182 = arith.constant 1 : i32
      %add3A_1183 = arith.addi %mul3A_443, %add3A_1182 : i32
      %swap3A_1184 = arith.index_cast %add3A_1183 : i32 to index
      %swap3A_1185 = arith.constant 112 : index
      %swap3A_1186 = tpu.vector_load %arg12[%swap3A_1184, %swap3A_1185] {strides = array<i32>} : memref<64x128xf32, #tpu.memory_space<vmem>>, vector<16xf32>,
      tpu.vector_store %arg12[%swap3A_1184, %swap3A_1185], %gather3A_1174 {strides = array<i32>} : memref<64x128xf32, #tpu.memory_space<vmem>>, vector<16xf32>,
      %add3A_1187 = arith.constant 1 : i32
      %add3A_1188 = arith.addi %mul3A_443, %add3A_1187 : i32
      %swap3A_1189 = arith.index_cast %add3A_1188 : i32 to index
      %swap3A_1190 = arith.constant 112 : index
      %swap3A_1191 = tpu.vector_load %arg13[%swap3A_1189, %swap3A_1190] {strides = array<i32>} : memref<64x128xf32, #tpu.memory_space<vmem>>, vector<16xf32>,
      tpu.vector_store %arg13[%swap3A_1189, %swap3A_1190], %gather3A_1181 {strides = array<i32>} : memref<64x128xf32, #tpu.memory_space<vmem>>, vector<16xf32>,
    }
    %scan3A_6 = arith.constant 32 : i32
    %mul3A_7 = arith.constant 64 : i32
    %mul3A_8 = arith.muli %add3A, %mul3A_7 : i32
    "tpu.region"() ({
      %run_scoped3A = tpu.sem_alloc : memref<!tpu.dma_semaphore, #tpu.memory_space<semaphore_mem>>
      %dma_start3A = arith.constant 0 : i32
      %dma_start3A_11 = tpu.memref_slice %arg6[%mul3A_8, %dma_start3A] : memref<2048x128xf32, #tpu.memory_space<hbm>> -> memref<64x128xf32, #tpu.memory_space<hbm>>
      %dma_start3A_12 = arith.constant 0 : i32
      %dma_start3A_13 = tpu.memref_slice %arg6[%mul3A_8, %dma_start3A_12] : memref<2048x128xf32, #tpu.memory_space<hbm>> -> memref<64x128xf32, #tpu.memory_space<hbm>>
      tpu.enqueue_dma source(%arg12 : memref<64x128xf32, #tpu.memory_space<vmem>>) target(%dma_start3A_13 : memref<64x128xf32, #tpu.memory_space<hbm>>) target_semaphore(%run_scoped3A : memref<!tpu.dma_semaphore, #tpu.memory_space<semaphore_mem>>)
      %dma_wait3A = arith.constant 0 : i32
      %dma_wait3A_14 = tpu.memref_slice %arg6[%mul3A_8, %dma_wait3A] : memref<2048x128xf32, #tpu.memory_space<hbm>> -> memref<64x128xf32, #tpu.memory_space<hbm>>
      %dma_wait3A_15 = arith.constant 0 : i32
      %dma_wait3A_16 = tpu.memref_slice %arg6[%mul3A_8, %dma_wait3A_15] : memref<2048x128xf32, #tpu.memory_space<hbm>> -> memref<64x128xf32, #tpu.memory_space<hbm>>
      tpu.wait_dma2 semaphore(%run_scoped3A : memref<!tpu.dma_semaphore, #tpu.memory_space<semaphore_mem>>) src(%arg12 : memref<64x128xf32, #tpu.memory_space<vmem>>) dst(%dma_wait3A_16 : memref<64x128xf32, #tpu.memory_space<hbm>>)
      tpu.yield
    }) : () -> ()
    %mul3A_9 = arith.constant 64 : i32
    %mul3A_10 = arith.muli %add3A, %mul3A_9 : i32
    "tpu.region"() ({
      %run_scoped3A = tpu.sem_alloc : memref<!tpu.dma_semaphore, #tpu.memory_space<semaphore_mem>>
      %dma_start3A = arith.constant 0 : i32
      %dma_start3A_11 = tpu.memref_slice %arg7[%mul3A_10, %dma_start3A] : memref<2048x128xf32, #tpu.memory_space<hbm>> -> memref<64x128xf32, #tpu.memory_space<hbm>>
      %dma_start3A_12 = arith.constant 0 : i32
      %dma_start3A_13 = tpu.memref_slice %arg7[%mul3A_10, %dma_start3A_12] : memref<2048x128xf32, #tpu.memory_space<hbm>> -> memref<64x128xf32, #tpu.memory_space<hbm>>
      tpu.enqueue_dma source(%arg13 : memref<64x128xf32, #tpu.memory_space<vmem>>) target(%dma_start3A_13 : memref<64x128xf32, #tpu.memory_space<hbm>>) target_semaphore(%run_scoped3A : memref<!tpu.dma_semaphore, #tpu.memory_space<semaphore_mem>>)
      %dma_wait3A = arith.constant 0 : i32
      %dma_wait3A_14 = tpu.memref_slice %arg7[%mul3A_10, %dma_wait3A] : memref<2048x128xf32, #tpu.memory_space<hbm>> -> memref<64x128xf32, #tpu.memory_space<hbm>>
      %dma_wait3A_15 = arith.constant 0 : i32
      %dma_wait3A_16 = tpu.memref_slice %arg7[%mul3A_10, %dma_wait3A_15] : memref<2048x128xf32, #tpu.memory_space<hbm>> -> memref<64x128xf32, #tpu.memory_space<hbm>>
      tpu.wait_dma2 semaphore(%run_scoped3A : memref<!tpu.dma_semaphore, #tpu.memory_space<semaphore_mem>>) src(%arg13 : memref<64x128xf32, #tpu.memory_space<vmem>>) dst(%dma_wait3A_16 : memref<64x128xf32, #tpu.memory_space<hbm>>)
      tpu.yield
    }) : () -> ()
    return
  }
}

module attributes {stable_mosaic.version = 14 : i64} {
  func.func @_mlp_body(%arg0: memref<2048x128xf32, #tpu.memory_space<vmem>>, %arg1: memref<2048x128xf32, #tpu.memory_space<vmem>>, %arg2: memref<128x128xf32, #tpu.memory_space<vmem>>, %arg3: memref<128x128xf32, #tpu.memory_space<vmem>>, %arg4: memref<1x128xf32, #tpu.memory_space<vmem>>, %arg5: memref<128x8xf32, #tpu.memory_space<vmem>>, %arg6: memref<1x1xf32, #tpu.memory_space<vmem>>, %arg7: memref<2048x8xf32, #tpu.memory_space<vmem>>) attributes {dimension_semantics = [], scalar_prefetch = 0 : i64, scratch_operands = 0 : i64, tpu.core_type = #tpu.core_type<tc>} {
    %get3A = arith.constant 0 : index
    %get3A_0 = arith.constant 0 : index
    %get3A_1 = vector.load %arg0[%get3A, %get3A_0] : memref<2048x128xf32, #tpu.memory_space<vmem>>, vector<2048x128xf32>
    %get3A_2 = arith.constant 0 : index
    %get3A_3 = arith.constant 0 : index
    %get3A_4 = vector.load %arg2[%get3A_2, %get3A_3] : memref<128x128xf32, #tpu.memory_space<vmem>>, vector<128x128xf32>
    %dot_general3A = arith.constant dense<0.000000e+00> : vector<2048x128xf32>
    %dot_general3A_5 = tpu.matmul %get3A_1, %get3A_4, %dot_general3A {dimension_numbers = #tpu.dot_dimension_numbers<[1], [0], [0], [1], [0, 0, 1, 1], [], []>, transpose_lhs_hint = false} : vector<2048x128xf32>, vector<128x128xf32>, vector<2048x128xf32> -> vector<2048x128xf32>
    %get3A_6 = arith.constant 0 : index
    %get3A_7 = arith.constant 0 : index
    %get3A_8 = vector.load %arg1[%get3A_6, %get3A_7] : memref<2048x128xf32, #tpu.memory_space<vmem>>, vector<2048x128xf32>
    %get3A_9 = arith.constant 0 : index
    %get3A_10 = arith.constant 0 : index
    %get3A_11 = vector.load %arg3[%get3A_9, %get3A_10] : memref<128x128xf32, #tpu.memory_space<vmem>>, vector<128x128xf32>
    %dot_general3A_12 = arith.constant dense<0.000000e+00> : vector<2048x128xf32>
    %dot_general3A_13 = tpu.matmul %get3A_8, %get3A_11, %dot_general3A_12 {dimension_numbers = #tpu.dot_dimension_numbers<[1], [0], [0], [1], [0, 0, 1, 1], [], []>, transpose_lhs_hint = false} : vector<2048x128xf32>, vector<128x128xf32>, vector<2048x128xf32> -> vector<2048x128xf32>
    %add3A = arith.addf %dot_general3A_5, %dot_general3A_13 : vector<2048x128xf32>
    %get3A_14 = arith.constant 0 : index
    %get3A_15 = arith.constant 0 : index
    %get3A_16 = vector.load %arg4[%get3A_14, %get3A_15] : memref<1x128xf32, #tpu.memory_space<vmem>>, vector<1x128xf32>
    %add3A_17 = vector.broadcast %get3A_16 : vector<1x128xf32> to vector<2048x128xf32>
    %add3A_18 = arith.addf %add3A, %add3A_17 : vector<2048x128xf32>
    %max3A = arith.constant 0.000000e+00 : f32
    %max3A_19 = vector.broadcast %max3A : f32 to vector<2048x128xf32>
    %max3A_20 = arith.maximumf %add3A_18, %max3A_19 : vector<2048x128xf32>
    %get3A_21 = arith.constant 0 : index
    %get3A_22 = arith.constant 0 : index
    %get3A_23 = vector.load %arg5[%get3A_21, %get3A_22] : memref<128x8xf32, #tpu.memory_space<vmem>>, vector<128x8xf32>
    %dot_general3A_24 = arith.constant dense<0.000000e+00> : vector<2048x8xf32>
    %dot_general3A_25 = tpu.matmul %max3A_20, %get3A_23, %dot_general3A_24 {dimension_numbers = #tpu.dot_dimension_numbers<[1], [0], [0], [1], [0, 0, 1, 1], [], []>, transpose_lhs_hint = false} : vector<2048x128xf32>, vector<128x8xf32>, vector<2048x8xf32> -> vector<2048x8xf32>
    %get3A_26 = arith.constant 0 : index
    %get3A_27 = arith.constant 0 : index
    %get3A_28 = vector.load %arg6[%get3A_26, %get3A_27] : memref<1x1xf32, #tpu.memory_space<vmem>>, vector<1x1xf32>
    %add3A_29 = vector.broadcast %get3A_28 : vector<1x1xf32> to vector<2048x8xf32>
    %add3A_30 = arith.addf %dot_general3A_25, %add3A_29 : vector<2048x8xf32>
    %logistic3A = arith.negf %add3A_30 : vector<2048x8xf32>
    %logistic3A_31 = math.exp %logistic3A : vector<2048x8xf32>
    %logistic3A_32 = arith.constant 1.000000e+00 : f32
    %logistic3A_33 = vector.broadcast %logistic3A_32 : f32 to vector<2048x8xf32>
    %logistic3A_34 = arith.addf %logistic3A_33, %logistic3A_31 : vector<2048x8xf32>
    %logistic3A_35 = arith.divf %logistic3A_33, %logistic3A_34 : vector<2048x8xf32>
    %swap3A = arith.constant 0 : index
    %swap3A_36 = arith.constant 0 : index
    %swap3A_37 = vector.load %arg7[%swap3A, %swap3A_36] : memref<2048x8xf32, #tpu.memory_space<vmem>>, vector<2048x8xf32>
    tpu.vector_store %arg7[%swap3A, %swap3A_36], %logistic3A_35 {strides = array<i32>} : memref<2048x8xf32, #tpu.memory_space<vmem>>, vector<2048x8xf32>,
    return
  }
}

</mosaic_0001>

<sc_bundles>
// kernel: kernel.4.cloned.1.call-start
scs
__scs_entry_jumppad:
0x0: {  	(pc) =	sbr.rel $0x88, $3  }
0x1: {  	(tag) =	ssettag $0x0;
	lr =	simm.s32 $0x1  }
0x2: {  	[smem:$0x3F99] =	sst lr;
	_ =	strace $0xD0000000  }
0x3: {  	_ = 	snop  }
0x4: {  	_ = 	snop  }
0x5: {  	_ = 	snop  }
0x6: {  	_ = 	snop  }
0x7: {  	_ = 	snop  }
__scs_overlays_trampoline_lowered:
0x8: {  	[smem:$0x3FA8] =	sst s0  }
0x9: {  	[smem:$0x3FA9] =	sst s1  }
0xa: {  	[smem:$0x3FAA] =	sst s2  }
0xb: {  	[smem:$0x3FAB] =	sst s3  }
0xc: {  	[smem:$0x3FAC] =	sst s4  }
0xd: {  	[smem:$0x3FAD] =	sst s5  }
0xe: {  	[smem:$0x3FAE] =	sst s6  }
0xf: {  	[smem:$0x3FAF] =	sst s7  }
0x10: {  	[smem:$0x3FB0] =	sst s8  }
0x11: {  	[smem:$0x3FB1] =	sst s9;
	s0 =	simm.s32 @!p0 $0x0  }
0x12: {  	s1 =	sld [smem:$0x3F97];
	s0 =	simm.s32 @p0 $0x1  }
0x13: {  	[smem:$0x3FB2] =	sst s0;
	s0 =	simm.s32 @!p1 $0x0  }
0x14: {  	s2 =	sld [smem:$0x3F96];
	s0 =	simm.s32 @p1 $0x1  }
0x15: {  	[smem:$0x3FB3] =	sst s0;
	s0 =	simm.s32 @!p2 $0x0  }
0x16: {  	s3 =	sld [smem:$0x3FDB];
	s0 =	simm.s32 @p2 $0x1  }
0x17: {  	s4 =	simm.s32 $0x1BF5;
	[smem:$0x3FB5] =	sst s0  }
0x18: {  	s0 =	sld [smem:$0x3F98];
	_ =	swait.ge [sflag:s4], $0x0  }
0x19: {  	s7 =	sld [smem:$0x3F99]  }
0x1a: {  	s8 =	sadd.s32 $0xFFFFE003, lr  }
0x1b: {  	s9 =	sadd.s32 $0xFFFFFEF7, lr;
	s5 =	simm.s32 $0xFFFFFFFF;
	p2 =	slt.u32 s8, $0xFFFFF086  }
0x1c: {  	p1 =	slt.u32 s9, $0xF7A;
	s5 =	simm.s32 @!p2 $0x0  }
0x1d: {  	s5 =	simm.s32 @p1 $0x1;
	p0 =	seq.s32 s7, s2  }
0x1e: {  	s7 =	smul.u32 @!p0 $0xF7A, s2;
	p2 =	seq.s32 @!p0 s5, $0x0  }
0x1f: {  	s9 =	smul.u32 $0xF7A, s1;
	s8 =	simm.s32 @!p0 $0x1BF5;
	p2 =	por !p2, p0  }
0x20: {  	[sflag:s8] =	ssyncset.s32 @!p0 $0xFFFFF086;
	s6 =	sadd.s32 @!p0 s3, s7;
	s7 =	simm.s32 @!p0 $0x108  }
0x21: {  	s3 =	sadd.s32 s3, s9;
	s6 =	sadd.s32 @!p0 $0x88, s6;
	s7 =	simm.s32 @p2 $0x1082  }
0x22: {  	[simem:s7], [sflag:s8] =	dma.local @!p0 [hbm:s6], $0xF7A  }
0x23: {  	s9 =	sor.u32 $0xD0000000, s2;
	s6 =	simm.s32 $0x108;
	_ =	swait.ge @!p0 [sflag:s8], $0x0  }
0x24: {  	s3 =	sadd.s32 $0x88, s3;
	s6 =	simm.s32 @!p1 $0x1082;
	[sflag:s4] =	ssyncset.s32 $0xFFFFF086  }
0x25: {  	[simem:s6], [sflag:s4] =	dma.local [hbm:s3], $0xF7A  }
0x26: {  	[smem:$0x3F99] =	sst s1;
	(tag) =	ssettag s2;
	_ =	strace s9  }
0x27: {  	s1 =	sld [smem:$0x3FA9]  }
0x28: {  	s2 =	sld [smem:$0x3FAA]  }
0x29: {  	s4 =	sld [smem:$0x3FAC]  }
0x2a: {  	p0 =	seq.s32 s5, $0x0;
	s5 =	sld [smem:$0x3FAD]  }
0x2b: {  	s6 =	sld [smem:$0x3FAE]  }
0x2c: {  	s7 =	sld [smem:$0x3FAF]  }
0x2d: {  	s3 =	simm.s32 $0x108;
	s8 =	sld [smem:$0x3FB0]  }
0x2e: {  	s3 =	simm.s32 @!p0 $0x1082;
	s9 =	sld [smem:$0x3FB1]  }
0x2f: {  	lr =	sadd.s32 s0, s3;
	s0 =	sld [smem:$0x3FA8]  }
0x30: {  	s3 =	sld [smem:$0x3FAB]  }
0x31: {  	[smem:$0x3FB4] =	sst s10  }
0x32: {  	s10 =	sld [smem:$0x3FB2];
	_ =	sdelay $0x3  }
0x33: {  	p0 =	seq.s32 s10, $0x1;
	s10 =	sld [smem:$0x3FB4];
	_ =	sdelay $0x3  }
0x34: {  	[smem:$0x3FB4] =	sst s10  }
0x35: {  	s10 =	sld [smem:$0x3FB3];
	_ =	sdelay $0x3  }
0x36: {  	p1 =	seq.s32 s10, $0x1;
	s10 =	sld [smem:$0x3FB4];
	_ =	sdelay $0x3  }
0x37: {  	[smem:$0x3FB4] =	sst s10  }
0x38: {  	s10 =	sld [smem:$0x3FB5]  }
0x39: {  	_ = 	snop;
	(pc) =	sbr.ind lr, $3  }
0x3a: {  	_ = 	snop  }
0x3b: {  	_ = 	snop  }
0x3c: {  	p2 =	seq.s32 s10, $0x1;
	s10 =	sld [smem:$0x3FB4]  }
0x3d: {  	_ =	shalt  }
0x3e: {  	_ =	shalt  }
0x3f: {  	_ =	shalt  }
0x40: {  	_ =	shalt  }
0x41: {  	_ =	shalt  }
0x42: {  	_ =	shalt  }
0x43: {  	_ =	shalt  }
0x44: {  	_ =	shalt  }
0x45: {  	_ =	shalt  }
0x46: {  	_ =	shalt  }
0x47: {  	_ =	shalt  }
0x48: {  	_ =	shalt  }
0x49: {  	_ =	shalt  }
0x4a: {  	_ =	shalt  }
0x4b: {  	_ =	shalt  }
0x4c: {  	_ =	shalt  }
0x4d: {  	_ =	shalt  }
0x4e: {  	_ =	shalt  }
0x4f: {  	_ =	shalt  }
0x50: {  	_ =	shalt  }
0x51: {  	_ =	shalt  }
0x52: {  	_ =	shalt  }
0x53: {  	_ =	shalt  }
0x54: {  	_ =	shalt  }
0x55: {  	_ =	shalt  }
0x56: {  	_ =	shalt  }
0x57: {  	_ =	shalt  }
0x58: {  	_ =	shalt  }
0x59: {  	_ =	shalt  }
0x5a: {  	_ =	shalt  }
0x5b: {  	_ =	shalt  }
0x5c: {  	_ =	shalt  }
0x5d: {  	_ =	shalt  }
0x5e: {  	_ =	shalt  }
0x5f: {  	_ =	shalt  }
0x60: {  	_ =	shalt  }
0x61: {  	_ =	shalt  }
0x62: {  	_ =	shalt  }
0x63: {  	_ =	shalt  }
0x64: {  	_ =	shalt  }
0x65: {  	_ =	shalt  }
0x66: {  	_ =	shalt  }
0x67: {  	_ =	shalt  }
0x68: {  	_ =	shalt  }
0x69: {  	_ =	shalt  }
0x6a: {  	_ =	shalt  }
0x6b: {  	_ =	shalt  }
0x6c: {  	_ =	shalt  }
0x6d: {  	_ =	shalt  }
0x6e: {  	_ =	shalt  }
0x6f: {  	_ =	shalt  }
0x70: {  	_ =	shalt  }
0x71: {  	_ =	shalt  }
0x72: {  	_ =	shalt  }
0x73: {  	_ =	shalt  }
0x74: {  	_ =	shalt  }
0x75: {  	_ =	shalt  }
0x76: {  	_ =	shalt  }
0x77: {  	_ =	shalt  }
0x78: {  	_ =	shalt  }
0x79: {  	_ =	shalt  }
0x7a: {  	_ =	shalt  }
0x7b: {  	_ =	shalt  }
0x7c: {  	_ =	shalt  }
0x7d: {  	_ =	shalt  }
0x7e: {  	_ =	shalt  }
0x7f: {  	_ =	shalt  }
0x80: {  	_ =	shalt  }
0x81: {  	_ =	shalt  }
0x82: {  	_ =	shalt  }
0x83: {  	_ =	shalt  }
0x84: {  	_ =	shalt  }
0x85: {  	_ =	shalt  }
0x86: {  	_ =	shalt  }
0x87: {  	_ =	shalt  }
.Lfunc_end0:
.L_simem_size_0:
called_computation_lowered:
.L_overlay_start_0:
0x88: {  	s2 =	sld [smem:$0x3FD9]  }
0x89: {  	s3 =	sld [smem:$0x3FFE];
	_ =	sdelay $0x1  }
0x8a: {  	s1 =	srdreg.scid  }
0x8b: {  	s0 =	sand.u32 $0x1, s1  }
0x8c: {  	s17 =	sshll.u32 s0, $0xA;
	s2 =	sadd.s32 s3, s2  }
0x8d: {  	s2 =	sadd.s32 s2, s17  }
0x8e: {  	[smem:$0x3FC0] =	sst s2  }
0x8f: {  	_ = 	snop  }
0x90: {  	s2 =	sld [smem:$0x3FC9]  }
0x91: {  	s18 =	sld [smem:$0x3FC8]  }
0x92: {  	s4 =	sld [smem:$0x3FC7]  }
0x93: {  	s5 =	sld [smem:$0x3FC6];
	(tm) =	ssettm $0x1  }
0x94: {  	s6 =	sld [smem:$0x3FFB];
	_ =	sdelay $0x3  }
0x95: {  	_ =	strace s6  }
0x96: {  	s6 =	sld [smem:$0x3FFC];
	_ =	sdelay $0x3  }
0x97: {  	_ =	strace s6  }
0x98: {  	s6 =	sld [smem:$0x3FFD];
	_ =	sdelay $0x3  }
0x99: {  	_ =	strace s6  }
0x9a: {  	_ =	strace $0x8FFFFFFF  }
0x9b: {  	s19 =	sld [smem:$0x3FDB];
	_ =	sdelay $0x1  }
0x9c: {  	s7 =	simm.s32 $_scs_section_size  }
0x9d: {  	s8 =	simm.s32 $_size__tile_overlayer_lowered;
	s9 =	simm.s32 $_tile_overlayer_lowered  }
0x9e: {  	s22 =	simm.s32 $0x1BFF;
	s21 =	sshll.u32 s9, $0x1;
	s6 =	sadd.s32 s7, s19  }
0x9f: {  	s10 =	simm.s32 $0x0;
	s20 =	sshll.u32 s8, $0x1;
	s8 =	sadd.s32 s21, s6  }
0xa0: {  	[timem:s10], [sflag:s22] =	dma.local [hbm:s8], s20  }
0xa1: {  	_ =	swait.ge [sflag:s22], s20  }
0xa2: {  	s7 =	ssub.s32 $0x0, s20;
	[sflag:s22] =	ssyncset.done $0x0  }
0xa3: {  	[sflag:s22] =	ssyncadd.s32 s7;
	_ =	sdelay $0x1  }
0xa4: {  	s23 =	simm.s32 $0x1B8B  }
0xa5: {  	_ =	swait.ge [sflag:s23], $0x1  }
0xa6: {  	[sflag:s23] =	ssyncset.done $0x0  }
0xa7: {  	s25 =	simm.s32 $0x1B8E;
	s24 =	sld [smem:$0x3FFE];
	[sflag:s23] =	ssyncadd.s32 $0xFFFFFFFF  }
0xa8: {  	s26 =	simm.s32 $execute0_lowered;
	[smem:$0x3FD2] =	sst s25  }
0xa9: {  	s8 =	sshll.u32 s26, $0x1;
	_ =	strace $0x80000046;
	[dreg:$0x1] =	wrdreg $0xFFFFFFFF  }
0xaa: {  	s28 =	simm.s32 $_size_execute0_lowered;
	s6 =	sadd.s32 s6, s8;
	[dreg:$0x0] =	wrdreg $0x0  }
0xab: {  	s8 =	sshll.u32 s28, $0x1;
	[dreg:$0x2] =	wrdreg s6  }
0xac: {  	[dreg:$0x3] =	wrdreg s8  }
0xad: {  	[dreg:$0x4] =	wrdreg $0xC0  }
0xae: {  	_ =	task [dreg:s10], $0x5FFFF  }
0xaf: {  	[dreg:$0x1] =	wrdreg $0xFFFFFFFF  }
0xb0: {  	[dreg:$0x0] =	wrdreg $0x60  }
0xb1: {  	[dreg:$0x2] =	wrdreg s4  }
0xb2: {  	[dreg:$0x3] =	wrdreg s5  }
0xb3: {  	[dreg:$0x4] =	wrdreg s2  }
0xb4: {  	[dreg:$0x5] =	wrdreg s18  }
0xb5: {  	[dreg:$0x6] =	wrdreg s24  }
0xb6: {  	[dreg:$0x7] =	wrdreg $0x9  }
0xb7: {  	_ =	task.clear_ibuf [dreg:s10], $0x8FFFF;
	_ =	strace $0x90000046  }
0xb8: {  	s29 =	simm.s32 $0x9;
	_ =	strace $0x80000048  }
0xb9: {  	_ =	swait.ge [sflag:s29], $0x1  }
0xba: {  	[sflag:s29] =	ssyncadd.s32 $0xFFFFFFFF  }
0xbb: {  	_ =	strace $0x90000048  }
0xbc: {  	_ =	sfence  }
0xbd: {  	s30 =	sld [smem:$0x0];
	_ =	sdelay $0x2  }
0xbe: {  	s31 =	sshll.u32 s1, $0xD;
	s1 =	sshrl.u32 s1, $0x2  }
0xbf: {  	s3 =	sand.u32 $0x4000, s31;
	s1 =	sadd.s32 s1, s30  }
0xc0: {  	s0 =	sor.u32 s3, s0;
	s1 =	sshll.u32 s1, $0x11  }
0xc1: {  	s0 =	sor.u32 s1, s0  }
0xc2: {  	s0 =	sadd.s32 $0x8F2B, s0  }
0xc3: {  	[sflag:s0] =	ssyncadd.remote.s32 $0x1  }
0xc4: {  	_ =	sfence.sel $0xFFFF  }
0xc5: {  	[dreg:$0x0] =	wrdreg $0xFFFFFFFF;
	(pc) =	sbr.abs _section_cstart, $3  }
0xc6: {  	[dreg:$0x1] =	wrdreg $0xFFFFFFFF  }
0xc7: {  	_ =	task.clear_ibuf [dreg:s10], $0x2FFFF;
	_ =	strace $0x9FFFFFFF  }
0xc8: {  	(tm) =	ssettm $0x7FFFFFFF  }
0xc9: {  	_ =	shalt  }
tec
execute0_lowered:
.L_overlay_start_1:
0x0: {  	(tag) =	ssettag $0x1  }
0x1: {  	s0 =	rddreg [dreg:$0x0]  }
0x2: {  	s30 =	rddreg [dreg:$0x1]  }
0x3: {  	s3 =	rddreg [dreg:$0x2]  }
0x4: {  	s4 =	rddreg [dreg:$0x3]  }
0x5: {  	s5 =	rddreg [dreg:$0x4]  }
0x6: {  	[dreg:$0x6] =	wrdreg s0  }
0x7: {  	[dreg:$0x7] =	wrdreg s30  }
0x8: {  	s1 =	simm.s32 $0x0;
	s0 =	rddreg [dreg:$0x5]  }
0x9: {  	s2 =	simm.s32 $0xC00;
	[smem:$0x7FF] =	sst s1  }
0xa: {  	s31 =	simm.s32 $0x8C00;
	_ =	strace $0x80000047;
	[dreg:$0x8] =	wrdreg s2  }
0xb: {  	s6 =	simm.s32 $0x1400;
	[dreg:$0x9] =	wrdreg s31  }
0xc: {  	s7 =	simm.s32 $0x9400;
	[dreg:$0xa] =	wrdreg s6  }
0xd: {  	s8 =	simm.s32 $0x1C00;
	[dreg:$0xb] =	wrdreg s7  }
0xe: {  	s9 =	simm.s32 $0x9C00;
	[dreg:$0xc] =	wrdreg s8  }
0xf: {  	s10 =	simm.s32 $0x2400;
	[dreg:$0xd] =	wrdreg s9  }
0x10: {  	s11 =	simm.s32 $0xA400;
	[dreg:$0xe] =	wrdreg s10  }
0x11: {  	s12 =	simm.s32 $0x2C00;
	[dreg:$0xf] =	wrdreg s11  }
0x12: {  	s13 =	simm.s32 $0x3400;
	[dreg:$0x10] =	wrdreg s12  }
0x13: {  	s14 =	simm.s32 $0xB400;
	[dreg:$0x12] =	wrdreg s13  }
0x14: {  	s15 =	simm.s32 $0x3C00;
	[dreg:$0x13] =	wrdreg s14  }
0x15: {  	s16 =	simm.s32 $0xBC00;
	[dreg:$0x14] =	wrdreg s15  }
0x16: {  	s17 =	simm.s32 $0x4400;
	[dreg:$0x15] =	wrdreg s16  }
0x17: {  	s18 =	simm.s32 $0xC400;
	[dreg:$0x16] =	wrdreg s17  }
0x18: {  	s19 =	simm.s32 $0x4C00;
	[dreg:$0x17] =	wrdreg s18  }
0x19: {  	s21 =	simm.s32 $0xCC00;
	[dreg:$0x18] =	wrdreg s19  }
0x1a: {  	s22 =	simm.s32 $0x5400;
	[dreg:$0x19] =	wrdreg s21  }
0x1b: {  	s24 =	simm.s32 $0xD400;
	[dreg:$0x1a] =	wrdreg s22  }
0x1c: {  	s25 =	simm.s32 $0x5C00;
	[dreg:$0x1b] =	wrdreg s24  }
0x1d: {  	s26 =	simm.s32 $0xDC00;
	[dreg:$0x1c] =	wrdreg s25  }
0x1e: {  	s28 =	simm.s32 $0x6400;
	s29 =	simm.s32 $0xE400;
	[dreg:$0x1d] =	wrdreg s26  }
0x1f: {  	s30 =	simm.s32 $0x6C00;
	s6 =	srdreg.scid;
	[dreg:$0x1e] =	wrdreg s28  }
0x20: {  	s7 =	simm.s32 $0xAC00;
	s2 =	stileid.u32;
	[dreg:$0x1f] =	wrdreg s29  }
0x21: {  	[smem:$0x7F8] =	sst s30;
	s10 =	simm.s32 $0xEC00;
	s11 =	simm.s32 $0x7400  }
0x22: {  	s12 =	simm.s32 $0xF400;
	s13 =	simm.s32 $0x7C00;
	[dreg:$0x11] =	wrdreg s7  }
0x23: {  	s31 =	simm.s32 $0xFC00;
	s14 =	simm.s32 $0x2;
	[smem:$0x7F9] =	sst s10  }
0x24: {  	s15 =	simm.s32 $0x10400;
	s16 =	simm.s32 $0x12400;
	[smem:$0x7FA] =	sst s11  }
0x25: {  	v0 =	vlaneseq.u32;
	s17 =	simm.s32 $0x0;
	s6 =	sand.u32 $0x1, s6;
	[smem:$0x7FB] =	sst s12  }
0x26: {  	v0 =	vmul.u32 $0x80, v0;
	s8 =	sshll.u32 s2, $0x1;
	s10 =	simm.s32 $0x7A1400;
	[smem:$0x7FC] =	sst s13  }
0x27: {  	s11 =	simm.s32 $0x400;
	s12 =	simm.s32 $0x8400;
	[smem:$0x7FD] =	sst s31  }
0x28: {  	v1 =	vor.u32 $0x800, v0;
	v2 =	vor.u32 $0x1000, v0;
	v3 =	vor.u32 $0x1800, v0;
	s13 =	simm.s32 $0x1;
	s8 =	sor.u32 s6, s8;
	s6 =	ssub.s32 $0x2, s6  }
0x29: {  	v4 =	vor.u32 $0x2000, v0;
	v5 =	vor.u32 $0x2800, v0;
	v6 =	vor.u32 $0x3000, v0;
	s9 =	sshll.u32 s8, $0xA;
	s20 =	sshrl.u32 s6, $0x1;
	s23 =	sshll.u32 s8, $0x6  }
0x2a: {  	v7 =	vor.u32 $0x3800, v0;
	v8 =	vor.u32 $0x4000, v0;
	v9 =	vor.u32 $0x4800, v0;
	s8 =	simm.s32 $0x3;
	s9 =	sadd.s32 s9, s5;
	s7 =	ssub.s32 s6, s20  }
0x2b: {  	v10 =	vor.u32 $0x5000, v0;
	v11 =	vor.u32 $0x5800, v0;
	v12 =	vor.u32 $0x6000, v0;
	s3 =	sadd.s32 s3, s23;
	s4 =	sadd.s32 s4, s23;
	s5 =	sadd.s32 $0x1600, s9  }
0x2c: {  	v13 =	vor.u32 $0x6800, v0;
	v14 =	vor.u32 $0x7000, v0;
	v15 =	vor.u32 $0x7800, v0;
	s6 =	sadd.s32 $0x9600, s9;
	s7 =	smax.u32 s7, $0x1;
	s9 =	simm.s32 $0x200  }
.LBB2_1:
0x2d: {  	[tilespmem:s1], [sflag:$0x3] =	stream.linear.gather [hbm4b:s3+s1], $0x200, $0x38;
	[tilespmem:$0x14400] =	vst v63  }
0x2e: {  	_ =	swait.ge [sflag:s8], $0x200  }
0x2f: {  	[sflag:s8] =	ssyncset.done $0x0  }
0x30: {  	[sflag:s8] =	ssyncadd.s32 $0xFFFFFE00  }
0x31: {  	[tilespmem:s9], [sflag:$0x3] =	stream.linear.gather [hbm4b:s4+s1], $0x200, $0x38;
	[tilespmem:$0x14400] =	vst v63  }
0x32: {  	_ =	swait.ge [sflag:s8], $0x200  }
0x33: {  	[sflag:s8] =	ssyncset.done $0x0  }
0x34: {  	s18 =	simm.s32 $0x0;
	[sflag:s8] =	ssyncadd.s32 $0xFFFFFE00  }
0x35: {  	v17 =	vld [tilespmem:s18+$0x0];
	_ =	sdelay $0x1  }
0x36: {  	v16 =	vld [tilespmem:s18+$0x200];
	_ =	sdelay $0x2  }
0x37: {  	s31 =	rddreg [dreg:$0x6];
	v18 =	vand.u32 $0xFFFFFF80, v17  }
0x38: {  	v18 =	vadd.s32 s31, v18  }
0x39: {  	s19 =	rddreg [dreg:$0x7];
	v19 =	vand.u32 $0xFFFFFF80, v16;
	(v2sf) =	vpush v18, $0x0  }
0x3a: {  	v19 =	vadd.s32 s19, v19  }
0x3b: {  	(v2sf) =	vpush v19, $0x0;
	_ =	sdelay $0x1  }
0x3c: {  	(v2sf) =	vpush v18, $0x1;
	_ =	sdelay $0x1  }
0x3d: {  	(v2sf) =	vpush v19, $0x1;
	_ =	sdelay $0x1  }
0x3e: {  	(v2sf) =	vpush v18, $0x2;
	_ =	sdelay $0x1  }
0x3f: {  	(v2sf) =	vpush v19, $0x2;
	_ =	sdelay $0x1  }
0x40: {  	(v2sf) =	vpush v18, $0x3;
	_ =	sdelay $0x1  }
0x41: {  	(v2sf) =	vpush v19, $0x3  }
0x42: {  	s20 =	spop (v2sf)  }
0x43: {  	(v2sf) =	vpush v18, $0x4;
	[tilespmem:s11], [sflag:$0x1] =	stream.strided.gather [hbm4b:s20+s11], $0x800, s10, s11, $0x38;
	[tilespmem:$0x14400] =	vst v63  }
0x44: {  	s21 =	rddreg [dreg:$0x8];
	s22 =	spop (v2sf)  }
0x45: {  	(v2sf) =	vpush v19, $0x4;
	[tilespmem:s12], [sflag:$0x2] =	stream.strided.gather [hbm4b:s22+s11], $0x800, s10, s11, $0x38;
	[tilespmem:$0x14400] =	vst v63  }
0x46: {  	s23 =	rddreg [dreg:$0x9];
	s20 =	spop (v2sf)  }
0x47: {  	(v2sf) =	vpush v18, $0x5;
	[tilespmem:s21], [sflag:$0x1] =	stream.strided.gather [hbm4b:s20+s11], $0x800, s10, s11, $0x38;
	[tilespmem:$0x14400] =	vst v63  }
0x48: {  	s24 =	rddreg [dreg:$0xa];
	s25 =	spop (v2sf)  }
0x49: {  	(v2sf) =	vpush v19, $0x5;
	[tilespmem:s23], [sflag:$0x2] =	stream.strided.gather [hbm4b:s25+s11], $0x800, s10, s11, $0x38;
	[tilespmem:$0x14400] =	vst v63  }
0x4a: {  	s26 =	rddreg [dreg:$0xb];
	s28 =	spop (v2sf)  }
0x4b: {  	(v2sf) =	vpush v18, $0x6;
	[tilespmem:s24], [sflag:$0x1] =	stream.strided.gather [hbm4b:s28+s11], $0x800, s10, s11, $0x38;
	[tilespmem:$0x14400] =	vst v63  }
0x4c: {  	s29 =	rddreg [dreg:$0xc];
	s30 =	spop (v2sf)  }
0x4d: {  	(v2sf) =	vpush v19, $0x6;
	[tilespmem:s26], [sflag:$0x2] =	stream.strided.gather [hbm4b:s30+s11], $0x800, s10, s11, $0x38;
	[tilespmem:$0x14400] =	vst v63  }
0x4e: {  	s31 =	rddreg [dreg:$0xd];
	s21 =	spop (v2sf)  }
0x4f: {  	(v2sf) =	vpush v18, $0x7;
	[tilespmem:s29], [sflag:$0x1] =	stream.strided.gather [hbm4b:s21+s11], $0x800, s10, s11, $0x38;
	[tilespmem:$0x14400] =	vst v63  }
0x50: {  	s22 =	rddreg [dreg:$0xe];
	s23 =	spop (v2sf)  }
0x51: {  	(v2sf) =	vpush v19, $0x7;
	[tilespmem:s31], [sflag:$0x2] =	stream.strided.gather [hbm4b:s23+s11], $0x800, s10, s11, $0x38;
	[tilespmem:$0x14400] =	vst v63  }
0x52: {  	s24 =	rddreg [dreg:$0xf];
	s25 =	spop (v2sf)  }
0x53: {  	(v2sf) =	vpush v18, $0x8;
	[tilespmem:s22], [sflag:$0x1] =	stream.strided.gather [hbm4b:s25+s11], $0x800, s10, s11, $0x38;
	[tilespmem:$0x14400] =	vst v63  }
0x54: {  	s26 =	rddreg [dreg:$0x10];
	s28 =	spop (v2sf)  }
0x55: {  	(v2sf) =	vpush v19, $0x8;
	[tilespmem:s24], [sflag:$0x2] =	stream.strided.gather [hbm4b:s28+s11], $0x800, s10, s11, $0x38;
	[tilespmem:$0x14400] =	vst v63  }
0x56: {  	s29 =	rddreg [dreg:$0x11];
	s30 =	spop (v2sf)  }
0x57: {  	(v2sf) =	vpush v18, $0x9;
	[tilespmem:s26], [sflag:$0x1] =	stream.strided.gather [hbm4b:s30+s11], $0x800, s10, s11, $0x38;
	[tilespmem:$0x14400] =	vst v63  }
0x58: {  	s31 =	rddreg [dreg:$0x12];
	s21 =	spop (v2sf)  }
0x59: {  	(v2sf) =	vpush v19, $0x9;
	[tilespmem:s29], [sflag:$0x2] =	stream.strided.gather [hbm4b:s21+s11], $0x800, s10, s11, $0x38;
	[tilespmem:$0x14400] =	vst v63  }
0x5a: {  	s22 =	rddreg [dreg:$0x13];
	s23 =	spop (v2sf)  }
0x5b: {  	(v2sf) =	vpush v18, $0xA;
	[tilespmem:s31], [sflag:$0x1] =	stream.strided.gather [hbm4b:s23+s11], $0x800, s10, s11, $0x38;
	[tilespmem:$0x14400] =	vst v63  }
0x5c: {  	s24 =	rddreg [dreg:$0x14];
	s25 =	spop (v2sf)  }
0x5d: {  	(v2sf) =	vpush v19, $0xA;
	[tilespmem:s22], [sflag:$0x2] =	stream.strided.gather [hbm4b:s25+s11], $0x800, s10, s11, $0x38;
	[tilespmem:$0x14400] =	vst v63  }
0x5e: {  	s26 =	rddreg [dreg:$0x15];
	s28 =	spop (v2sf)  }
0x5f: {  	(v2sf) =	vpush v18, $0xB;
	[tilespmem:s24], [sflag:$0x1] =	stream.strided.gather [hbm4b:s28+s11], $0x800, s10, s11, $0x38;
	[tilespmem:$0x14400] =	vst v63  }
0x60: {  	s30 =	spop (v2sf);
	s29 =	rddreg [dreg:$0x16]  }
0x61: {  	(v2sf) =	vpush v19, $0xB;
	[tilespmem:s26], [sflag:$0x2] =	stream.strided.gather [hbm4b:s30+s11], $0x800, s10, s11, $0x38;
	[tilespmem:$0x14400] =	vst v63  }
0x62: {  	s31 =	rddreg [dreg:$0x17];
	s21 =	spop (v2sf)  }
0x63: {  	(v2sf) =	vpush v18, $0xC;
	[tilespmem:s29], [sflag:$0x1] =	stream.strided.gather [hbm4b:s21+s11], $0x800, s10, s11, $0x38;
	[tilespmem:$0x14400] =	vst v63  }
0x64: {  	s22 =	rddreg [dreg:$0x18];
	s23 =	spop (v2sf)  }
0x65: {  	(v2sf) =	vpush v19, $0xC;
	[tilespmem:s31], [sflag:$0x2] =	stream.strided.gather [hbm4b:s23+s11], $0x800, s10, s11, $0x38;
	[tilespmem:$0x14400] =	vst v63  }
0x66: {  	s24 =	rddreg [dreg:$0x19];
	s25 =	spop (v2sf)  }
0x67: {  	(v2sf) =	vpush v18, $0xD;
	[tilespmem:s22], [sflag:$0x1] =	stream.strided.gather [hbm4b:s25+s11], $0x800, s10, s11, $0x38;
	[tilespmem:$0x14400] =	vst v63  }
0x68: {  	s26 =	rddreg [dreg:$0x1a];
	s28 =	spop (v2sf)  }
0x69: {  	(v2sf) =	vpush v19, $0xD;
	[tilespmem:s24], [sflag:$0x2] =	stream.strided.gather [hbm4b:s28+s11], $0x800, s10, s11, $0x38;
	[tilespmem:$0x14400] =	vst v63  }
0x6a: {  	s29 =	rddreg [dreg:$0x1b];
	s30 =	spop (v2sf)  }
0x6b: {  	(v2sf) =	vpush v18, $0xE;
	[tilespmem:s26], [sflag:$0x1] =	stream.strided.gather [hbm4b:s30+s11], $0x800, s10, s11, $0x38;
	[tilespmem:$0x14400] =	vst v63  }
0x6c: {  	s31 =	rddreg [dreg:$0x1c];
	s21 =	spop (v2sf)  }
0x6d: {  	(v2sf) =	vpush v19, $0xE;
	[tilespmem:s29], [sflag:$0x2] =	stream.strided.gather [hbm4b:s21+s11], $0x800, s10, s11, $0x38;
	[tilespmem:$0x14400] =	vst v63  }
0x6e: {  	s23 =	spop (v2sf);
	s22 =	rddreg [dreg:$0x1d]  }
0x6f: {  	(v2sf) =	vpush v18, $0xF;
	[tilespmem:s31], [sflag:$0x1] =	stream.strided.gather [hbm4b:s23+s11], $0x800, s10, s11, $0x38;
	[tilespmem:$0x14400] =	vst v63  }
0x70: {  	s25 =	spop (v2sf);
	s24 =	rddreg [dreg:$0x1e]  }
0x71: {  	(v2sf) =	vpush v19, $0xF;
	[tilespmem:s22], [sflag:$0x2] =	stream.strided.gather [hbm4b:s25+s11], $0x800, s10, s11, $0x38;
	[tilespmem:$0x14400] =	vst v63  }
0x72: {  	s26 =	rddreg [dreg:$0x1f];
	s28 =	spop (v2sf)  }
0x73: {  	[tilespmem:s24], [sflag:$0x1] =	stream.strided.gather [hbm4b:s28+s11], $0x800, s10, s11, $0x38;
	[tilespmem:$0x14400] =	vst v63  }
0x74: {  	s29 =	sld [smem:$0x7F8];
	s30 =	spop (v2sf)  }
0x75: {  	[tilespmem:s26], [sflag:$0x2] =	stream.strided.gather [hbm4b:s30+s11], $0x800, s10, s11, $0x38;
	[tilespmem:$0x14400] =	vst v63  }
0x76: {  	s31 =	sld [smem:$0x7F9];
	s21 =	spop (v2sf)  }
0x77: {  	[tilespmem:s29], [sflag:$0x1] =	stream.strided.gather [hbm4b:s21+s11], $0x800, s10, s11, $0x38;
	[tilespmem:$0x14400] =	vst v63  }
0x78: {  	s22 =	sld [smem:$0x7FA];
	s23 =	spop (v2sf)  }
0x79: {  	[tilespmem:s31], [sflag:$0x2] =	stream.strided.gather [hbm4b:s23+s11], $0x800, s10, s11, $0x38;
	[tilespmem:$0x14400] =	vst v63  }
0x7a: {  	s24 =	sld [smem:$0x7FB];
	s25 =	spop (v2sf)  }
0x7b: {  	[tilespmem:s22], [sflag:$0x1] =	stream.strided.gather [hbm4b:s25+s11], $0x800, s10, s11, $0x38;
	[tilespmem:$0x14400] =	vst v63  }
0x7c: {  	s28 =	spop (v2sf);
	s26 =	sld [smem:$0x7FC]  }
0x7d: {  	[tilespmem:s24], [sflag:$0x2] =	stream.strided.gather [hbm4b:s28+s11], $0x800, s10, s11, $0x38;
	[tilespmem:$0x14400] =	vst v63  }
0x7e: {  	s30 =	spop (v2sf);
	s29 =	sld [smem:$0x7FD]  }
0x7f: {  	[tilespmem:s26], [sflag:$0x1] =	stream.strided.gather [hbm4b:s30+s11], $0x800, s10, s11, $0x38;
	[tilespmem:$0x14400] =	vst v63  }
0x80: {  	s31 =	spop (v2sf)  }
0x81: {  	[tilespmem:s29], [sflag:$0x2] =	stream.strided.gather [hbm4b:s31+s11], $0x800, s10, s11, $0x38;
	[tilespmem:$0x14400] =	vst v63  }
0x82: {  	_ =	swait.ge [sflag:s13], $0x800  }
0x83: {  	[sflag:s13] =	ssyncset.done $0x0  }
0x84: {  	[sflag:s13] =	ssyncadd.s32 $0xFFFFF800  }
0x85: {  	_ =	swait.ge [sflag:s13], $0x800  }
0x86: {  	[sflag:s13] =	ssyncset.done $0x0  }
0x87: {  	[sflag:s13] =	ssyncadd.s32 $0xFFFFF800  }
0x88: {  	_ =	swait.ge [sflag:s13], $0x800  }
0x89: {  	[sflag:s13] =	ssyncset.done $0x0  }
0x8a: {  	[sflag:s13] =	ssyncadd.s32 $0xFFFFF800  }
0x8b: {  	_ =	swait.ge [sflag:s13], $0x800  }
0x8c: {  	[sflag:s13] =	ssyncset.done $0x0  }
0x8d: {  	[sflag:s13] =	ssyncadd.s32 $0xFFFFF800  }
0x8e: {  	_ =	swait.ge [sflag:s13], $0x800  }
0x8f: {  	[sflag:s13] =	ssyncset.done $0x0  }
0x90: {  	[sflag:s13] =	ssyncadd.s32 $0xFFFFF800  }
0x91: {  	_ =	swait.ge [sflag:s13], $0x800  }
0x92: {  	[sflag:s13] =	ssyncset.done $0x0  }
0x93: {  	[sflag:s13] =	ssyncadd.s32 $0xFFFFF800  }
0x94: {  	_ =	swait.ge [sflag:s13], $0x800  }
0x95: {  	[sflag:s13] =	ssyncset.done $0x0  }
0x96: {  	[sflag:s13] =	ssyncadd.s32 $0xFFFFF800  }
0x97: {  	_ =	swait.ge [sflag:s13], $0x800  }
0x98: {  	[sflag:s13] =	ssyncset.done $0x0  }
0x99: {  	[sflag:s13] =	ssyncadd.s32 $0xFFFFF800  }
0x9a: {  	_ =	swait.ge [sflag:s13], $0x800  }
0x9b: {  	[sflag:s13] =	ssyncset.done $0x0  }
0x9c: {  	[sflag:s13] =	ssyncadd.s32 $0xFFFFF800  }
0x9d: {  	_ =	swait.ge [sflag:s13], $0x800  }
0x9e: {  	[sflag:s13] =	ssyncset.done $0x0  }
0x9f: {  	[sflag:s13] =	ssyncadd.s32 $0xFFFFF800  }
0xa0: {  	_ =	swait.ge [sflag:s13], $0x800  }
0xa1: {  	[sflag:s13] =	ssyncset.done $0x0  }
0xa2: {  	[sflag:s13] =	ssyncadd.s32 $0xFFFFF800  }
0xa3: {  	_ =	swait.ge [sflag:s13], $0x800  }
0xa4: {  	[sflag:s13] =	ssyncset.done $0x0  }
0xa5: {  	[sflag:s13] =	ssyncadd.s32 $0xFFFFF800  }
0xa6: {  	_ =	swait.ge [sflag:s13], $0x800  }
0xa7: {  	[sflag:s13] =	ssyncset.done $0x0  }
0xa8: {  	[sflag:s13] =	ssyncadd.s32 $0xFFFFF800  }
0xa9: {  	_ =	swait.ge [sflag:s13], $0x800  }
0xaa: {  	[sflag:s13] =	ssyncset.done $0x0  }
0xab: {  	[sflag:s13] =	ssyncadd.s32 $0xFFFFF800  }
0xac: {  	_ =	swait.ge [sflag:s13], $0x800  }
0xad: {  	[sflag:s13] =	ssyncset.done $0x0  }
0xae: {  	[sflag:s13] =	ssyncadd.s32 $0xFFFFF800  }
0xaf: {  	_ =	swait.ge [sflag:s13], $0x800  }
0xb0: {  	[sflag:s13] =	ssyncset.done $0x0  }
0xb1: {  	[sflag:s13] =	ssyncadd.s32 $0xFFFFF800  }
0xb2: {  	_ =	swait.ge [sflag:s14], $0x800  }
0xb3: {  	[sflag:s14] =	ssyncset.done $0x0  }
0xb4: {  	[sflag:s14] =	ssyncadd.s32 $0xFFFFF800  }
0xb5: {  	_ =	swait.ge [sflag:s14], $0x800  }
0xb6: {  	[sflag:s14] =	ssyncset.done $0x0  }
0xb7: {  	[sflag:s14] =	ssyncadd.s32 $0xFFFFF800  }
0xb8: {  	_ =	swait.ge [sflag:s14], $0x800  }
0xb9: {  	[sflag:s14] =	ssyncset.done $0x0  }
0xba: {  	[sflag:s14] =	ssyncadd.s32 $0xFFFFF800  }
0xbb: {  	_ =	swait.ge [sflag:s14], $0x800  }
0xbc: {  	[sflag:s14] =	ssyncset.done $0x0  }
0xbd: {  	[sflag:s14] =	ssyncadd.s32 $0xFFFFF800  }
0xbe: {  	_ =	swait.ge [sflag:s14], $0x800  }
0xbf: {  	[sflag:s14] =	ssyncset.done $0x0  }
0xc0: {  	[sflag:s14] =	ssyncadd.s32 $0xFFFFF800  }
0xc1: {  	_ =	swait.ge [sflag:s14], $0x800  }
0xc2: {  	[sflag:s14] =	ssyncset.done $0x0  }
0xc3: {  	[sflag:s14] =	ssyncadd.s32 $0xFFFFF800  }
0xc4: {  	_ =	swait.ge [sflag:s14], $0x800  }
0xc5: {  	[sflag:s14] =	ssyncset.done $0x0  }
0xc6: {  	[sflag:s14] =	ssyncadd.s32 $0xFFFFF800  }
0xc7: {  	_ =	swait.ge [sflag:s14], $0x800  }
0xc8: {  	[sflag:s14] =	ssyncset.done $0x0  }
0xc9: {  	[sflag:s14] =	ssyncadd.s32 $0xFFFFF800  }
0xca: {  	_ =	swait.ge [sflag:s14], $0x800  }
0xcb: {  	[sflag:s14] =	ssyncset.done $0x0  }
0xcc: {  	[sflag:s14] =	ssyncadd.s32 $0xFFFFF800  }
0xcd: {  	_ =	swait.ge [sflag:s14], $0x800  }
0xce: {  	[sflag:s14] =	ssyncset.done $0x0  }
0xcf: {  	[sflag:s14] =	ssyncadd.s32 $0xFFFFF800  }
0xd0: {  	_ =	swait.ge [sflag:s14], $0x800  }
0xd1: {  	[sflag:s14] =	ssyncset.done $0x0  }
0xd2: {  	[sflag:s14] =	ssyncadd.s32 $0xFFFFF800  }
0xd3: {  	_ =	swait.ge [sflag:s14], $0x800  }
0xd4: {  	[sflag:s14] =	ssyncset.done $0x0  }
0xd5: {  	[sflag:s14] =	ssyncadd.s32 $0xFFFFF800  }
0xd6: {  	_ =	swait.ge [sflag:s14], $0x800  }
0xd7: {  	[sflag:s14] =	ssyncset.done $0x0  }
0xd8: {  	[sflag:s14] =	ssyncadd.s32 $0xFFFFF800  }
0xd9: {  	_ =	swait.ge [sflag:s14], $0x800  }
0xda: {  	v17 =	vand.u32 $0x7F, v17;
	[sflag:s14] =	ssyncset.done $0x0  }
0xdb: {  	v16 =	vand.u32 $0x7F, v16;
	v18 =	vbroadcast v17, $0x0;
	[sflag:s14] =	ssyncadd.s32 $0xFFFFF800  }
0xdc: {  	v19 =	vbroadcast v16, $0x0;
	_ =	swait.ge [sflag:s14], $0x800  }
0xdd: {  	v18 =	vor.u32 v0, v18;
	[sflag:s14] =	ssyncset.done $0x0  }
0xde: {  	v19 =	vor.u32 v0, v19;
	[sflag:s14] =	ssyncadd.s32 $0xFFFFF800  }
0xdf: {  	_ =	swait.ge [sflag:s14], $0x800  }
0xe0: {  	[sflag:s14] =	ssyncset.done $0x0  }
0xe1: {  	[sflag:s14] =	ssyncadd.s32 $0xFFFFF800  }
0xe2: {  	v20 =	vbroadcast v17, $0x1;
	v18 =	vld.idx.msk [tilespmem:v18+s11+$0x0], $0xffff  }
0xe3: {  	v21 =	vbroadcast v16, $0x1;
	v19 =	vld.idx.msk [tilespmem:v19+s12+$0x0], $0xffff  }
0xe4: {  	v20 =	vor.u32 v1, v20  }
0xe5: {  	v21 =	vor.u32 v1, v21  }
0xe6: {  	s18 =	simm.s32 $0x10480  }
0xe7: {  	s20 =	simm.s32 $0x12480;
	[tilespmem:s18+$0xFFFFFF80] =	vst v18  }
0xe8: {  	[tilespmem:s20+$0xFFFFFF80] =	vst v19  }
0xe9: {  	v18 =	vbroadcast v17, $0x2;
	v19 =	vld.idx.msk [tilespmem:v20+s11+$0x0], $0xffff  }
0xea: {  	v51 =	vbroadcast v16, $0x2;
	v21 =	vld.idx.msk [tilespmem:v21+s12+$0x0], $0xffff  }
0xeb: {  	v18 =	vor.u32 v2, v18  }
0xec: {  	v20 =	vor.u32 v2, v51;
	_ =	sdelay $0x1  }
0xed: {  	[tilespmem:s18+$0xFFFFFF90] =	vst v19  }
0xee: {  	[tilespmem:s20+$0xFFFFFF90] =	vst v21  }
0xef: {  	v19 =	vbroadcast v17, $0x3;
	v18 =	vld.idx.msk [tilespmem:v18+s11+$0x0], $0xffff  }
0xf0: {  	v52 =	vbroadcast v16, $0x3;
	v20 =	vld.idx.msk [tilespmem:v20+s12+$0x0], $0xffff  }
0xf1: {  	v19 =	vor.u32 v3, v19  }
0xf2: {  	v21 =	vor.u32 v3, v52;
	_ =	sdelay $0x1  }
0xf3: {  	[tilespmem:s18+$0xFFFFFFA0] =	vst v18  }
0xf4: {  	[tilespmem:s20+$0xFFFFFFA0] =	vst v20  }
0xf5: {  	v18 =	vbroadcast v17, $0x4;
	v19 =	vld.idx.msk [tilespmem:v19+s11+$0x0], $0xffff  }
0xf6: {  	v53 =	vbroadcast v16, $0x4;
	v21 =	vld.idx.msk [tilespmem:v21+s12+$0x0], $0xffff  }
0xf7: {  	v18 =	vor.u32 v4, v18  }
0xf8: {  	v20 =	vor.u32 v4, v53;
	_ =	sdelay $0x1  }
0xf9: {  	[tilespmem:s18+$0xFFFFFFB0] =	vst v19  }
0xfa: {  	[tilespmem:s20+$0xFFFFFFB0] =	vst v21  }
0xfb: {  	v19 =	vbroadcast v17, $0x5;
	v18 =	vld.idx.msk [tilespmem:v18+s11+$0x0], $0xffff  }
0xfc: {  	v54 =	vbroadcast v16, $0x5;
	v20 =	vld.idx.msk [tilespmem:v20+s12+$0x0], $0xffff  }
0xfd: {  	v19 =	vor.u32 v5, v19  }
0xfe: {  	v21 =	vor.u32 v5, v54;
	_ =	sdelay $0x1  }
0xff: {  	[tilespmem:s18+$0xFFFFFFC0] =	vst v18  }
0x100: {  	[tilespmem:s20+$0xFFFFFFC0] =	vst v20  }
0x101: {  	v18 =	vbroadcast v17, $0x6;
	v19 =	vld.idx.msk [tilespmem:v19+s11+$0x0], $0xffff  }
0x102: {  	v55 =	vbroadcast v16, $0x6;
	v21 =	vld.idx.msk [tilespmem:v21+s12+$0x0], $0xffff  }
0x103: {  	v18 =	vor.u32 v6, v18  }
0x104: {  	v20 =	vor.u32 v6, v55;
	_ =	sdelay $0x1  }
0x105: {  	[tilespmem:s18+$0xFFFFFFD0] =	vst v19  }
0x106: {  	[tilespmem:s20+$0xFFFFFFD0] =	vst v21  }
0x107: {  	v19 =	vbroadcast v17, $0x7;
	v18 =	vld.idx.msk [tilespmem:v18+s11+$0x0], $0xffff  }
0x108: {  	v56 =	vbroadcast v16, $0x7;
	v20 =	vld.idx.msk [tilespmem:v20+s12+$0x0], $0xffff  }
0x109: {  	v19 =	vor.u32 v7, v19  }
0x10a: {  	v21 =	vor.u32 v7, v56;
	_ =	sdelay $0x1  }
0x10b: {  	[tilespmem:s18+$0xFFFFFFE0] =	vst v18  }
0x10c: {  	[tilespmem:s20+$0xFFFFFFE0] =	vst v20  }
0x10d: {  	v18 =	vbroadcast v17, $0x8;
	v19 =	vld.idx.msk [tilespmem:v19+s11+$0x0], $0xffff  }
0x10e: {  	v57 =	vbroadcast v16, $0x8;
	v21 =	vld.idx.msk [tilespmem:v21+s12+$0x0], $0xffff  }
0x10f: {  	v18 =	vor.u32 v8, v18  }
0x110: {  	v20 =	vor.u32 v8, v57;
	_ =	sdelay $0x1  }
0x111: {  	[tilespmem:s18+$0xFFFFFFF0] =	vst v19  }
0x112: {  	[tilespmem:s20+$0xFFFFFFF0] =	vst v21  }
0x113: {  	v19 =	vbroadcast v17, $0x9;
	v18 =	vld.idx.msk [tilespmem:v18+s11+$0x0], $0xffff  }
0x114: {  	v58 =	vbroadcast v16, $0x9;
	v20 =	vld.idx.msk [tilespmem:v20+s12+$0x0], $0xffff  }
0x115: {  	v19 =	vor.u32 v9, v19  }
0x116: {  	v21 =	vor.u32 v9, v58;
	_ =	sdelay $0x1  }
0x117: {  	[tilespmem:s18+$0x0] =	vst v18  }
0x118: {  	[tilespmem:s20+$0x0] =	vst v20  }
0x119: {  	v18 =	vbroadcast v17, $0xA;
	v19 =	vld.idx.msk [tilespmem:v19+s11+$0x0], $0xffff  }
0x11a: {  	v59 =	vbroadcast v16, $0xA;
	v21 =	vld.idx.msk [tilespmem:v21+s12+$0x0], $0xffff  }
0x11b: {  	v18 =	vor.u32 v10, v18  }
0x11c: {  	v20 =	vor.u32 v10, v59;
	_ =	sdelay $0x1  }
0x11d: {  	[tilespmem:s18+$0x10] =	vst v19  }
0x11e: {  	[tilespmem:s20+$0x10] =	vst v21  }
0x11f: {  	v19 =	vbroadcast v17, $0xB;
	v18 =	vld.idx.msk [tilespmem:v18+s11+$0x0], $0xffff  }
0x120: {  	v60 =	vbroadcast v16, $0xB;
	v20 =	vld.idx.msk [tilespmem:v20+s12+$0x0], $0xffff  }
0x121: {  	v19 =	vor.u32 v11, v19  }
0x122: {  	v21 =	vor.u32 v11, v60;
	_ =	sdelay $0x1  }
0x123: {  	[tilespmem:s18+$0x20] =	vst v18  }
0x124: {  	[tilespmem:s20+$0x20] =	vst v20  }
0x125: {  	v18 =	vbroadcast v17, $0xC;
	v19 =	vld.idx.msk [tilespmem:v19+s11+$0x0], $0xffff  }
0x126: {  	v61 =	vbroadcast v16, $0xC;
	v21 =	vld.idx.msk [tilespmem:v21+s12+$0x0], $0xffff  }
0x127: {  	v18 =	vor.u32 v12, v18  }
0x128: {  	v20 =	vor.u32 v12, v61;
	_ =	sdelay $0x1  }
0x129: {  	[tilespmem:s18+$0x30] =	vst v19  }
0x12a: {  	[tilespmem:s20+$0x30] =	vst v21  }
0x12b: {  	v19 =	vbroadcast v17, $0xD;
	v18 =	vld.idx.msk [tilespmem:v18+s11+$0x0], $0xffff  }
0x12c: {  	v62 =	vbroadcast v16, $0xD;
	v20 =	vld.idx.msk [tilespmem:v20+s12+$0x0], $0xffff  }
0x12d: {  	v19 =	vor.u32 v13, v19  }
0x12e: {  	v21 =	vor.u32 v13, v62;
	_ =	sdelay $0x1  }
0x12f: {  	[tilespmem:s18+$0x40] =	vst v18  }
0x130: {  	[tilespmem:s20+$0x40] =	vst v20  }
0x131: {  	v18 =	vbroadcast v17, $0xE;
	v19 =	vld.idx.msk [tilespmem:v19+s11+$0x0], $0xffff  }
0x132: {  	v63 =	vbroadcast v16, $0xE;
	v21 =	vld.idx.msk [tilespmem:v21+s12+$0x0], $0xffff  }
0x133: {  	v18 =	vor.u32 v14, v18  }
0x134: {  	v20 =	vor.u32 v14, v63;
	_ =	sdelay $0x1  }
0x135: {  	[tilespmem:s18+$0x50] =	vst v19  }
0x136: {  	[tilespmem:s20+$0x50] =	vst v21  }
0x137: {  	v17 =	vbroadcast v17, $0xF;
	v18 =	vld.idx.msk [tilespmem:v18+s11+$0x0], $0xffff  }
0x138: {  	v19 =	vld.idx.msk [tilespmem:v20+s12+$0x0], $0xffff  }
0x139: {  	v17 =	vor.u32 v15, v17;
	_ =	sdelay $0x2  }
0x13a: {  	v16 =	vbroadcast v16, $0xF;
	[tilespmem:s18+$0x60] =	vst v18  }
0x13b: {  	[tilespmem:s20+$0x60] =	vst v19  }
0x13c: {  	v16 =	vor.u32 v15, v16;
	v17 =	vld.idx.msk [tilespmem:v17+s11+$0x0], $0xffff;
	_ =	sdelay $0x4  }
0x13d: {  	s19 =	simm.s32 $0x12580;
	s21 =	simm.s32 $0x40;
	s23 =	simm.s32 $0x80;
	v16 =	vld.idx.msk [tilespmem:v16+s12+$0x0], $0xffff;
	[tilespmem:s18+$0x70] =	vst v17  }
.LBB2_2:
0x13e: {  	_ =	sdelay $0x3  }
0x13f: {  	s24 =	sshra.s32 s21, $0x2;
	[tilespmem:s20+$0x70] =	vst v16  }
0x140: {  	v16 =	vld [tilespmem:s24+$0x0];
	_ =	sdelay $0x1  }
0x141: {  	v17 =	vld [tilespmem:s24+$0x200];
	_ =	sdelay $0x2  }
0x142: {  	s30 =	rddreg [dreg:$0x6];
	v18 =	vand.u32 $0xFFFFFF80, v16  }
0x143: {  	v48 =	vadd.s32 s30, v18  }
0x144: {  	s31 =	rddreg [dreg:$0x7];
	v18 =	vand.u32 $0xFFFFFF80, v17;
	(v2sf) =	vpush v48, $0x0  }
0x145: {  	v49 =	vadd.s32 s31, v18  }
0x146: {  	(v2sf) =	vpush v49, $0x0;
	_ =	sdelay $0x1  }
0x147: {  	(v2sf) =	vpush v48, $0x1;
	_ =	sdelay $0x1  }
0x148: {  	(v2sf) =	vpush v49, $0x1;
	_ =	sdelay $0x1  }
0x149: {  	(v2sf) =	vpush v48, $0x2;
	_ =	sdelay $0x1  }
0x14a: {  	(v2sf) =	vpush v49, $0x2;
	_ =	sdelay $0x1  }
0x14b: {  	(v2sf) =	vpush v48, $0x3;
	_ =	sdelay $0x1  }
0x14c: {  	(v2sf) =	vpush v49, $0x3  }
0x14d: {  	s25 =	spop (v2sf)  }
0x14e: {  	(v2sf) =	vpush v48, $0x4;
	[tilespmem:s11], [sflag:$0x1] =	stream.strided.gather [hbm4b:s25+s11], $0x800, s10, s11, $0x38;
	[tilespmem:$0x14400] =	vst v63  }
0x14f: {  	s26 =	rddreg [dreg:$0x8];
	s28 =	spop (v2sf)  }
0x150: {  	(v2sf) =	vpush v49, $0x4;
	[tilespmem:s12], [sflag:$0x2] =	stream.strided.gather [hbm4b:s28+s11], $0x800, s10, s11, $0x38;
	[tilespmem:$0x14400] =	vst v63  }
0x151: {  	s29 =	rddreg [dreg:$0x9];
	s25 =	spop (v2sf)  }
0x152: {  	(v2sf) =	vpush v48, $0x5;
	[tilespmem:s26], [sflag:$0x1] =	stream.strided.gather [hbm4b:s25+s11], $0x800, s10, s11, $0x38;
	[tilespmem:$0x14400] =	vst v63  }
0x153: {  	s30 =	rddreg [dreg:$0xa];
	s31 =	spop (v2sf)  }
0x154: {  	(v2sf) =	vpush v49, $0x5;
	[tilespmem:s29], [sflag:$0x2] =	stream.strided.gather [hbm4b:s31+s11], $0x800, s10, s11, $0x38;
	[tilespmem:$0x14400] =	vst v63  }
0x155: {  	s28 =	spop (v2sf);
	s26 =	rddreg [dreg:$0xb]  }
0x156: {  	(v2sf) =	vpush v48, $0x6;
	[tilespmem:s30], [sflag:$0x1] =	stream.strided.gather [hbm4b:s28+s11], $0x800, s10, s11, $0x38;
	[tilespmem:$0x14400] =	vst v63  }
0x157: {  	s29 =	rddreg [dreg:$0xc];
	s30 =	spop (v2sf)  }
0x158: {  	(v2sf) =	vpush v49, $0x6;
	[tilespmem:s26], [sflag:$0x2] =	stream.strided.gather [hbm4b:s30+s11], $0x800, s10, s11, $0x38;
	[tilespmem:$0x14400] =	vst v63  }
0x159: {  	s31 =	rddreg [dreg:$0xd];
	s26 =	spop (v2sf)  }
0x15a: {  	(v2sf) =	vpush v48, $0x7;
	[tilespmem:s29], [sflag:$0x1] =	stream.strided.gather [hbm4b:s26+s11], $0x800, s10, s11, $0x38;
	[tilespmem:$0x14400] =	vst v63  }
0x15b: {  	s28 =	rddreg [dreg:$0xe];
	s29 =	spop (v2sf)  }
0x15c: {  	(v2sf) =	vpush v49, $0x7;
	[tilespmem:s31], [sflag:$0x2] =	stream.strided.gather [hbm4b:s29+s11], $0x800, s10, s11, $0x38;
	[tilespmem:$0x14400] =	vst v63  }
0x15d: {  	s30 =	rddreg [dreg:$0xf];
	s31 =	spop (v2sf)  }
0x15e: {  	(v2sf) =	vpush v48, $0x8;
	[tilespmem:s28], [sflag:$0x1] =	stream.strided.gather [hbm4b:s31+s11], $0x800, s10, s11, $0x38;
	[tilespmem:$0x14400] =	vst v63  }
0x15f: {  	s26 =	rddreg [dreg:$0x10];
	s28 =	spop (v2sf)  }
0x160: {  	(v2sf) =	vpush v49, $0x8;
	[tilespmem:s30], [sflag:$0x2] =	stream.strided.gather [hbm4b:s28+s11], $0x800, s10, s11, $0x38;
	[tilespmem:$0x14400] =	vst v63  }
0x161: {  	s29 =	rddreg [dreg:$0x11];
	s30 =	spop (v2sf)  }
0x162: {  	(v2sf) =	vpush v48, $0x9;
	[tilespmem:s26], [sflag:$0x1] =	stream.strided.gather [hbm4b:s30+s11], $0x800, s10, s11, $0x38;
	[tilespmem:$0x14400] =	vst v63  }
0x163: {  	s31 =	rddreg [dreg:$0x12];
	s26 =	spop (v2sf)  }
0x164: {  	(v2sf) =	vpush v49, $0x9;
	[tilespmem:s29], [sflag:$0x2] =	stream.strided.gather [hbm4b:s26+s11], $0x800, s10, s11, $0x38;
	[tilespmem:$0x14400] =	vst v63  }
0x165: {  	s28 =	rddreg [dreg:$0x13];
	s29 =	spop (v2sf)  }
0x166: {  	(v2sf) =	vpush v48, $0xA;
	[tilespmem:s31], [sflag:$0x1] =	stream.strided.gather [hbm4b:s29+s11], $0x800, s10, s11, $0x38;
	[tilespmem:$0x14400] =	vst v63  }
0x167: {  	s30 =	rddreg [dreg:$0x14];
	s31 =	spop (v2sf)  }
0x168: {  	(v2sf) =	vpush v49, $0xA;
	[tilespmem:s28], [sflag:$0x2] =	stream.strided.gather [hbm4b:s31+s11], $0x800, s10, s11, $0x38;
	[tilespmem:$0x14400] =	vst v63  }
0x169: {  	s26 =	rddreg [dreg:$0x15];
	s28 =	spop (v2sf)  }
0x16a: {  	(v2sf) =	vpush v48, $0xB;
	[tilespmem:s30], [sflag:$0x1] =	stream.strided.gather [hbm4b:s28+s11], $0x800, s10, s11, $0x38;
	[tilespmem:$0x14400] =	vst v63  }
0x16b: {  	s29 =	rddreg [dreg:$0x16];
	s30 =	spop (v2sf)  }
0x16c: {  	(v2sf) =	vpush v49, $0xB;
	[tilespmem:s26], [sflag:$0x2] =	stream.strided.gather [hbm4b:s30+s11], $0x800, s10, s11, $0x38;
	[tilespmem:$0x14400] =	vst v63  }
0x16d: {  	s31 =	rddreg [dreg:$0x17];
	s26 =	spop (v2sf)  }
0x16e: {  	(v2sf) =	vpush v48, $0xC;
	[tilespmem:s29], [sflag:$0x1] =	stream.strided.gather [hbm4b:s26+s11], $0x800, s10, s11, $0x38;
	[tilespmem:$0x14400] =	vst v63  }
0x16f: {  	s28 =	rddreg [dreg:$0x18];
	s29 =	spop (v2sf)  }
0x170: {  	(v2sf) =	vpush v49, $0xC;
	[tilespmem:s31], [sflag:$0x2] =	stream.strided.gather [hbm4b:s29+s11], $0x800, s10, s11, $0x38;
	[tilespmem:$0x14400] =	vst v63  }
0x171: {  	s30 =	rddreg [dreg:$0x19];
	s31 =	spop (v2sf)  }
0x172: {  	(v2sf) =	vpush v48, $0xD;
	[tilespmem:s28], [sflag:$0x1] =	stream.strided.gather [hbm4b:s31+s11], $0x800, s10, s11, $0x38;
	[tilespmem:$0x14400] =	vst v63  }
0x173: {  	s26 =	rddreg [dreg:$0x1a];
	s28 =	spop (v2sf)  }
0x174: {  	(v2sf) =	vpush v49, $0xD;
	[tilespmem:s30], [sflag:$0x2] =	stream.strided.gather [hbm4b:s28+s11], $0x800, s10, s11, $0x38;
	[tilespmem:$0x14400] =	vst v63  }
0x175: {  	s29 =	rddreg [dreg:$0x1b];
	s30 =	spop (v2sf)  }
0x176: {  	(v2sf) =	vpush v48, $0xE;
	[tilespmem:s26], [sflag:$0x1] =	stream.strided.gather [hbm4b:s30+s11], $0x800, s10, s11, $0x38;
	[tilespmem:$0x14400] =	vst v63  }
0x177: {  	s31 =	rddreg [dreg:$0x1c];
	s26 =	spop (v2sf)  }
0x178: {  	(v2sf) =	vpush v49, $0xE;
	[tilespmem:s29], [sflag:$0x2] =	stream.strided.gather [hbm4b:s26+s11], $0x800, s10, s11, $0x38;
	[tilespmem:$0x14400] =	vst v63  }
0x179: {  	s28 =	rddreg [dreg:$0x1d];
	s29 =	spop (v2sf)  }
0x17a: {  	(v2sf) =	vpush v48, $0xF;
	[tilespmem:s31], [sflag:$0x1] =	stream.strided.gather [hbm4b:s29+s11], $0x800, s10, s11, $0x38;
	[tilespmem:$0x14400] =	vst v63  }
0x17b: {  	s30 =	rddreg [dreg:$0x1e];
	s31 =	spop (v2sf)  }
0x17c: {  	(v2sf) =	vpush v49, $0xF;
	[tilespmem:s28], [sflag:$0x2] =	stream.strided.gather [hbm4b:s31+s11], $0x800, s10, s11, $0x38;
	[tilespmem:$0x14400] =	vst v63  }
0x17d: {  	s26 =	rddreg [dreg:$0x1f];
	s28 =	spop (v2sf)  }
0x17e: {  	[tilespmem:s30], [sflag:$0x1] =	stream.strided.gather [hbm4b:s28+s11], $0x800, s10, s11, $0x38;
	[tilespmem:$0x14400] =	vst v63  }
0x17f: {  	s29 =	sld [smem:$0x7F8];
	s30 =	spop (v2sf)  }
0x180: {  	[tilespmem:s26], [sflag:$0x2] =	stream.strided.gather [hbm4b:s30+s11], $0x800, s10, s11, $0x38;
	[tilespmem:$0x14400] =	vst v63  }
0x181: {  	s31 =	sld [smem:$0x7F9];
	s26 =	spop (v2sf)  }
0x182: {  	[tilespmem:s29], [sflag:$0x1] =	stream.strided.gather [hbm4b:s26+s11], $0x800, s10, s11, $0x38;
	[tilespmem:$0x14400] =	vst v63  }
0x183: {  	s28 =	sld [smem:$0x7FA];
	s29 =	spop (v2sf)  }
0x184: {  	[tilespmem:s31], [sflag:$0x2] =	stream.strided.gather [hbm4b:s29+s11], $0x800, s10, s11, $0x38;
	[tilespmem:$0x14400] =	vst v63  }
0x185: {  	s30 =	sld [smem:$0x7FB];
	s31 =	spop (v2sf)  }
0x186: {  	[tilespmem:s28], [sflag:$0x1] =	stream.strided.gather [hbm4b:s31+s11], $0x800, s10, s11, $0x38;
	[tilespmem:$0x14400] =	vst v63  }
0x187: {  	s26 =	sld [smem:$0x7FC];
	s28 =	spop (v2sf)  }
0x188: {  	[tilespmem:s30], [sflag:$0x2] =	stream.strided.gather [hbm4b:s28+s11], $0x800, s10, s11, $0x38;
	[tilespmem:$0x14400] =	vst v63  }
0x189: {  	s29 =	sld [smem:$0x7FD];
	s30 =	spop (v2sf)  }
0x18a: {  	[tilespmem:s26], [sflag:$0x1] =	stream.strided.gather [hbm4b:s30+s11], $0x800, s10, s11, $0x38;
	[tilespmem:$0x14400] =	vst v63  }
0x18b: {  	s31 =	spop (v2sf)  }
0x18c: {  	[tilespmem:s29], [sflag:$0x2] =	stream.strided.gather [hbm4b:s31+s11], $0x800, s10, s11, $0x38;
	[tilespmem:$0x14400] =	vst v63  }
0x18d: {  	_ =	swait.ge [sflag:s13], $0x800  }
0x18e: {  	[sflag:s13] =	ssyncset.done $0x0  }
0x18f: {  	[sflag:s13] =	ssyncadd.s32 $0xFFFFF800  }
0x190: {  	_ =	swait.ge [sflag:s13], $0x800  }
0x191: {  	[sflag:s13] =	ssyncset.done $0x0  }
0x192: {  	[sflag:s13] =	ssyncadd.s32 $0xFFFFF800  }
0x193: {  	_ =	swait.ge [sflag:s13], $0x800  }
0x194: {  	[sflag:s13] =	ssyncset.done $0x0  }
0x195: {  	[sflag:s13] =	ssyncadd.s32 $0xFFFFF800  }
0x196: {  	_ =	swait.ge [sflag:s13], $0x800  }
0x197: {  	[sflag:s13] =	ssyncset.done $0x0  }
0x198: {  	[sflag:s13] =	ssyncadd.s32 $0xFFFFF800  }
0x199: {  	_ =	swait.ge [sflag:s13], $0x800  }
0x19a: {  	[sflag:s13] =	ssyncset.done $0x0  }
0x19b: {  	[sflag:s13] =	ssyncadd.s32 $0xFFFFF800  }
0x19c: {  	_ =	swait.ge [sflag:s13], $0x800  }
0x19d: {  	[sflag:s13] =	ssyncset.done $0x0  }
0x19e: {  	[sflag:s13] =	ssyncadd.s32 $0xFFFFF800  }
0x19f: {  	_ =	swait.ge [sflag:s13], $0x800  }
0x1a0: {  	[sflag:s13] =	ssyncset.done $0x0  }
0x1a1: {  	[sflag:s13] =	ssyncadd.s32 $0xFFFFF800  }
0x1a2: {  	_ =	swait.ge [sflag:s13], $0x800  }
0x1a3: {  	[sflag:s13] =	ssyncset.done $0x0  }
0x1a4: {  	[sflag:s13] =	ssyncadd.s32 $0xFFFFF800  }
0x1a5: {  	_ =	swait.ge [sflag:s13], $0x800  }
0x1a6: {  	[sflag:s13] =	ssyncset.done $0x0  }
0x1a7: {  	[sflag:s13] =	ssyncadd.s32 $0xFFFFF800  }
0x1a8: {  	_ =	swait.ge [sflag:s13], $0x800  }
0x1a9: {  	[sflag:s13] =	ssyncset.done $0x0  }
0x1aa: {  	[sflag:s13] =	ssyncadd.s32 $0xFFFFF800  }
0x1ab: {  	_ =	swait.ge [sflag:s13], $0x800  }
0x1ac: {  	[sflag:s13] =	ssyncset.done $0x0  }
0x1ad: {  	[sflag:s13] =	ssyncadd.s32 $0xFFFFF800  }
0x1ae: {  	_ =	swait.ge [sflag:s13], $0x800  }
0x1af: {  	[sflag:s13] =	ssyncset.done $0x0  }
0x1b0: {  	[sflag:s13] =	ssyncadd.s32 $0xFFFFF800  }
0x1b1: {  	_ =	swait.ge [sflag:s13], $0x800  }
0x1b2: {  	[sflag:s13] =	ssyncset.done $0x0  }
0x1b3: {  	[sflag:s13] =	ssyncadd.s32 $0xFFFFF800  }
0x1b4: {  	_ =	swait.ge [sflag:s13], $0x800  }
0x1b5: {  	[sflag:s13] =	ssyncset.done $0x0  }
0x1b6: {  	[sflag:s13] =	ssyncadd.s32 $0xFFFFF800  }
0x1b7: {  	_ =	swait.ge [sflag:s13], $0x800  }
0x1b8: {  	[sflag:s13] =	ssyncset.done $0x0  }
0x1b9: {  	[sflag:s13] =	ssyncadd.s32 $0xFFFFF800  }
0x1ba: {  	_ =	swait.ge [sflag:s13], $0x800  }
0x1bb: {  	[sflag:s13] =	ssyncset.done $0x0  }
0x1bc: {  	[sflag:s13] =	ssyncadd.s32 $0xFFFFF800  }
0x1bd: {  	_ =	swait.ge [sflag:s14], $0x800  }
0x1be: {  	[sflag:s14] =	ssyncset.done $0x0  }
0x1bf: {  	[sflag:s14] =	ssyncadd.s32 $0xFFFFF800  }
0x1c0: {  	_ =	swait.ge [sflag:s14], $0x800  }
0x1c1: {  	[sflag:s14] =	ssyncset.done $0x0  }
0x1c2: {  	[sflag:s14] =	ssyncadd.s32 $0xFFFFF800  }
0x1c3: {  	_ =	swait.ge [sflag:s14], $0x800  }
0x1c4: {  	[sflag:s14] =	ssyncset.done $0x0  }
0x1c5: {  	[sflag:s14] =	ssyncadd.s32 $0xFFFFF800  }
0x1c6: {  	_ =	swait.ge [sflag:s14], $0x800  }
0x1c7: {  	[sflag:s14] =	ssyncset.done $0x0  }
0x1c8: {  	[sflag:s14] =	ssyncadd.s32 $0xFFFFF800  }
0x1c9: {  	_ =	swait.ge [sflag:s14], $0x800  }
0x1ca: {  	[sflag:s14] =	ssyncset.done $0x0  }
0x1cb: {  	[sflag:s14] =	ssyncadd.s32 $0xFFFFF800  }
0x1cc: {  	_ =	swait.ge [sflag:s14], $0x800  }
0x1cd: {  	[sflag:s14] =	ssyncset.done $0x0  }
0x1ce: {  	[sflag:s14] =	ssyncadd.s32 $0xFFFFF800  }
0x1cf: {  	_ =	swait.ge [sflag:s14], $0x800  }
0x1d0: {  	[sflag:s14] =	ssyncset.done $0x0  }
0x1d1: {  	[sflag:s14] =	ssyncadd.s32 $0xFFFFF800  }
0x1d2: {  	_ =	swait.ge [sflag:s14], $0x800  }
0x1d3: {  	[sflag:s14] =	ssyncset.done $0x0  }
0x1d4: {  	[sflag:s14] =	ssyncadd.s32 $0xFFFFF800  }
0x1d5: {  	_ =	swait.ge [sflag:s14], $0x800  }
0x1d6: {  	[sflag:s14] =	ssyncset.done $0x0  }
0x1d7: {  	[sflag:s14] =	ssyncadd.s32 $0xFFFFF800  }
0x1d8: {  	_ =	swait.ge [sflag:s14], $0x800  }
0x1d9: {  	[sflag:s14] =	ssyncset.done $0x0  }
0x1da: {  	[sflag:s14] =	ssyncadd.s32 $0xFFFFF800  }
0x1db: {  	_ =	swait.ge [sflag:s14], $0x800  }
0x1dc: {  	[sflag:s14] =	ssyncset.done $0x0  }
0x1dd: {  	[sflag:s14] =	ssyncadd.s32 $0xFFFFF800  }
0x1de: {  	_ =	swait.ge [sflag:s14], $0x800  }
0x1df: {  	[sflag:s14] =	ssyncset.done $0x0  }
0x1e0: {  	[sflag:s14] =	ssyncadd.s32 $0xFFFFF800  }
0x1e1: {  	_ =	swait.ge [sflag:s14], $0x800  }
0x1e2: {  	[sflag:s14] =	ssyncset.done $0x0  }
0x1e3: {  	[sflag:s14] =	ssyncadd.s32 $0xFFFFF800  }
0x1e4: {  	_ =	swait.ge [sflag:s14], $0x800  }
0x1e5: {  	v16 =	vand.u32 $0x7F, v16;
	[sflag:s14] =	ssyncset.done $0x0  }
0x1e6: {  	v50 =	vand.u32 $0x7F, v17;
	v46 =	vbroadcast v16, $0x0;
	[sflag:s14] =	ssyncadd.s32 $0xFFFFF800  }
0x1e7: {  	v47 =	vbroadcast v50, $0x0;
	_ =	swait.ge [sflag:s14], $0x800  }
0x1e8: {  	v46 =	vor.u32 v0, v46;
	[sflag:s14] =	ssyncset.done $0x0  }
0x1e9: {  	v47 =	vor.u32 v0, v47;
	[sflag:s14] =	ssyncadd.s32 $0xFFFFF800  }
0x1ea: {  	_ =	swait.ge [sflag:s14], $0x800  }
0x1eb: {  	[sflag:s14] =	ssyncset.done $0x0  }
0x1ec: {  	[sflag:s14] =	ssyncadd.s32 $0xFFFFF800  }
0x1ed: {  	v44 =	vbroadcast v16, $0x1;
	v46 =	vld.idx.msk [tilespmem:v46+s11+$0x0], $0xffff  }
0x1ee: {  	v45 =	vbroadcast v50, $0x1;
	v47 =	vld.idx.msk [tilespmem:v47+s12+$0x0], $0xffff  }
0x1ef: {  	v44 =	vor.u32 v1, v44  }
0x1f0: {  	v45 =	vor.u32 v1, v45  }
0x1f1: {  	s18 =	sadd.s32 $0x100, s18  }
0x1f2: {  	[tilespmem:s18+$0xFFFFFF80] =	vst v46  }
0x1f3: {  	[tilespmem:s19+$0xFFFFFF80] =	vst v47  }
0x1f4: {  	v43 =	vbroadcast v16, $0x2;
	v44 =	vld.idx.msk [tilespmem:v44+s11+$0x0], $0xffff  }
0x1f5: {  	v42 =	vbroadcast v50, $0x2;
	v45 =	vld.idx.msk [tilespmem:v45+s12+$0x0], $0xffff  }
0x1f6: {  	v43 =	vor.u32 v2, v43  }
0x1f7: {  	v42 =	vor.u32 v2, v42;
	_ =	sdelay $0x1  }
0x1f8: {  	[tilespmem:s18+$0xFFFFFF90] =	vst v44  }
0x1f9: {  	[tilespmem:s19+$0xFFFFFF90] =	vst v45  }
0x1fa: {  	v41 =	vbroadcast v16, $0x3;
	v43 =	vld.idx.msk [tilespmem:v43+s11+$0x0], $0xffff  }
0x1fb: {  	v40 =	vbroadcast v50, $0x3;
	v42 =	vld.idx.msk [tilespmem:v42+s12+$0x0], $0xffff  }
0x1fc: {  	v41 =	vor.u32 v3, v41  }
0x1fd: {  	v40 =	vor.u32 v3, v40;
	_ =	sdelay $0x1  }
0x1fe: {  	[tilespmem:s18+$0xFFFFFFA0] =	vst v43  }
0x1ff: {  	[tilespmem:s19+$0xFFFFFFA0] =	vst v42  }
0x200: {  	v39 =	vbroadcast v16, $0x4;
	v41 =	vld.idx.msk [tilespmem:v41+s11+$0x0], $0xffff  }
0x201: {  	v38 =	vbroadcast v50, $0x4;
	v40 =	vld.idx.msk [tilespmem:v40+s12+$0x0], $0xffff  }
0x202: {  	v39 =	vor.u32 v4, v39  }
0x203: {  	v38 =	vor.u32 v4, v38;
	_ =	sdelay $0x1  }
0x204: {  	[tilespmem:s18+$0xFFFFFFB0] =	vst v41  }
0x205: {  	[tilespmem:s19+$0xFFFFFFB0] =	vst v40  }
0x206: {  	v37 =	vbroadcast v16, $0x5;
	v39 =	vld.idx.msk [tilespmem:v39+s11+$0x0], $0xffff  }
0x207: {  	v36 =	vbroadcast v50, $0x5;
	v38 =	vld.idx.msk [tilespmem:v38+s12+$0x0], $0xffff  }
0x208: {  	v37 =	vor.u32 v5, v37  }
0x209: {  	v36 =	vor.u32 v5, v36;
	_ =	sdelay $0x1  }
0x20a: {  	[tilespmem:s18+$0xFFFFFFC0] =	vst v39  }
0x20b: {  	[tilespmem:s19+$0xFFFFFFC0] =	vst v38  }
0x20c: {  	v35 =	vbroadcast v16, $0x6;
	v37 =	vld.idx.msk [tilespmem:v37+s11+$0x0], $0xffff  }
0x20d: {  	v34 =	vbroadcast v50, $0x6;
	v36 =	vld.idx.msk [tilespmem:v36+s12+$0x0], $0xffff  }
0x20e: {  	v35 =	vor.u32 v6, v35  }
0x20f: {  	v34 =	vor.u32 v6, v34;
	_ =	sdelay $0x1  }
0x210: {  	[tilespmem:s18+$0xFFFFFFD0] =	vst v37  }
0x211: {  	[tilespmem:s19+$0xFFFFFFD0] =	vst v36  }
0x212: {  	v33 =	vbroadcast v16, $0x7;
	v35 =	vld.idx.msk [tilespmem:v35+s11+$0x0], $0xffff  }
0x213: {  	v32 =	vbroadcast v50, $0x7;
	v34 =	vld.idx.msk [tilespmem:v34+s12+$0x0], $0xffff  }
0x214: {  	v33 =	vor.u32 v7, v33  }
0x215: {  	v32 =	vor.u32 v7, v32;
	_ =	sdelay $0x1  }
0x216: {  	[tilespmem:s18+$0xFFFFFFE0] =	vst v35  }
0x217: {  	[tilespmem:s19+$0xFFFFFFE0] =	vst v34  }
0x218: {  	v31 =	vbroadcast v16, $0x8;
	v33 =	vld.idx.msk [tilespmem:v33+s11+$0x0], $0xffff  }
0x219: {  	v30 =	vbroadcast v50, $0x8;
	v32 =	vld.idx.msk [tilespmem:v32+s12+$0x0], $0xffff  }
0x21a: {  	v31 =	vor.u32 v8, v31  }
0x21b: {  	v30 =	vor.u32 v8, v30;
	_ =	sdelay $0x1  }
0x21c: {  	[tilespmem:s18+$0xFFFFFFF0] =	vst v33  }
0x21d: {  	[tilespmem:s19+$0xFFFFFFF0] =	vst v32  }
0x21e: {  	v29 =	vbroadcast v16, $0x9;
	v31 =	vld.idx.msk [tilespmem:v31+s11+$0x0], $0xffff  }
0x21f: {  	v28 =	vbroadcast v50, $0x9;
	v30 =	vld.idx.msk [tilespmem:v30+s12+$0x0], $0xffff  }
0x220: {  	v29 =	vor.u32 v9, v29  }
0x221: {  	v28 =	vor.u32 v9, v28;
	_ =	sdelay $0x1  }
0x222: {  	[tilespmem:s18+$0x0] =	vst v31  }
0x223: {  	[tilespmem:s19+$0x0] =	vst v30  }
0x224: {  	v27 =	vbroadcast v16, $0xA;
	v29 =	vld.idx.msk [tilespmem:v29+s11+$0x0], $0xffff  }
0x225: {  	v26 =	vbroadcast v50, $0xA;
	v28 =	vld.idx.msk [tilespmem:v28+s12+$0x0], $0xffff  }
0x226: {  	v27 =	vor.u32 v10, v27  }
0x227: {  	v26 =	vor.u32 v10, v26;
	_ =	sdelay $0x1  }
0x228: {  	[tilespmem:s18+$0x10] =	vst v29  }
0x229: {  	[tilespmem:s19+$0x10] =	vst v28  }
0x22a: {  	v25 =	vbroadcast v16, $0xB;
	v27 =	vld.idx.msk [tilespmem:v27+s11+$0x0], $0xffff  }
0x22b: {  	v24 =	vbroadcast v50, $0xB;
	v26 =	vld.idx.msk [tilespmem:v26+s12+$0x0], $0xffff  }
0x22c: {  	v25 =	vor.u32 v11, v25  }
0x22d: {  	v24 =	vor.u32 v11, v24;
	_ =	sdelay $0x1  }
0x22e: {  	[tilespmem:s18+$0x20] =	vst v27  }
0x22f: {  	[tilespmem:s19+$0x20] =	vst v26  }
0x230: {  	v23 =	vbroadcast v16, $0xC;
	v25 =	vld.idx.msk [tilespmem:v25+s11+$0x0], $0xffff  }
0x231: {  	v22 =	vbroadcast v50, $0xC;
	v24 =	vld.idx.msk [tilespmem:v24+s12+$0x0], $0xffff  }
0x232: {  	v23 =	vor.u32 v12, v23  }
0x233: {  	v22 =	vor.u32 v12, v22;
	_ =	sdelay $0x1  }
0x234: {  	[tilespmem:s18+$0x30] =	vst v25  }
0x235: {  	[tilespmem:s19+$0x30] =	vst v24  }
0x236: {  	v21 =	vbroadcast v16, $0xD;
	v23 =	vld.idx.msk [tilespmem:v23+s11+$0x0], $0xffff  }
0x237: {  	v20 =	vbroadcast v50, $0xD;
	v22 =	vld.idx.msk [tilespmem:v22+s12+$0x0], $0xffff  }
0x238: {  	v21 =	vor.u32 v13, v21  }
0x239: {  	v20 =	vor.u32 v13, v20;
	_ =	sdelay $0x1  }
0x23a: {  	[tilespmem:s18+$0x40] =	vst v23  }
0x23b: {  	[tilespmem:s19+$0x40] =	vst v22  }
0x23c: {  	v19 =	vbroadcast v16, $0xE;
	v21 =	vld.idx.msk [tilespmem:v21+s11+$0x0], $0xffff  }
0x23d: {  	v18 =	vbroadcast v50, $0xE;
	v20 =	vld.idx.msk [tilespmem:v20+s12+$0x0], $0xffff  }
0x23e: {  	v19 =	vor.u32 v14, v19  }
0x23f: {  	v18 =	vor.u32 v14, v18;
	_ =	sdelay $0x1  }
0x240: {  	[tilespmem:s18+$0x50] =	vst v21  }
0x241: {  	[tilespmem:s19+$0x50] =	vst v20  }
0x242: {  	v17 =	vbroadcast v16, $0xF;
	v19 =	vld.idx.msk [tilespmem:v19+s11+$0x0], $0xffff  }
0x243: {  	v18 =	vld.idx.msk [tilespmem:v18+s12+$0x0], $0xffff  }
0x244: {  	v17 =	vor.u32 v15, v17;
	_ =	sdelay $0x2  }
0x245: {  	v16 =	vbroadcast v50, $0xF;
	[tilespmem:s18+$0x60] =	vst v19  }
0x246: {  	[tilespmem:s19+$0x60] =	vst v18  }
0x247: {  	p0 =	sne.s32 s23, $0x7C0;
	v16 =	vor.u32 v15, v16;
	v17 =	vld.idx.msk [tilespmem:v17+s11+$0x0], $0xffff  }
.Ltmp0:
0x248: {  	_ = 	snop;
	(pc) =	sbr.rel @p0 .LBB2_2-.Ltmp0, $3  }
0x249: {  	_ =	sdelay $0x1  }
0x24a: {  	s21 =	smov.u32 s23;
	s22 =	sadd.s32 $0x40, s23  }
0x24b: {  	s23 =	smov.u32 s22;
	s20 =	smov.u32 s19;
	s19 =	sadd.s32 $0x100, s19;
	v16 =	vld.idx.msk [tilespmem:v16+s12+$0x0], $0xffff;
	[tilespmem:s18+$0x70] =	vst v17  }
0x24c: {  	_ =	sdelay $0x3  }
0x24d: {  	s21 =	sshra.s32 s21, $0x2;
	[tilespmem:s20+$0x70] =	vst v16  }
0x24e: {  	v17 =	vld [tilespmem:s21+$0x0];
	_ =	sdelay $0x1  }
0x24f: {  	v16 =	vld [tilespmem:s21+$0x200];
	_ =	sdelay $0x2  }
0x250: {  	s24 =	rddreg [dreg:$0x6];
	v18 =	vand.u32 $0xFFFFFF80, v17  }
0x251: {  	v18 =	vadd.s32 s24, v18  }
0x252: {  	s25 =	rddreg [dreg:$0x7];
	v19 =	vand.u32 $0xFFFFFF80, v16;
	(v2sf) =	vpush v18, $0x0  }
0x253: {  	v19 =	vadd.s32 s25, v19  }
0x254: {  	(v2sf) =	vpush v19, $0x0;
	_ =	sdelay $0x1  }
0x255: {  	(v2sf) =	vpush v18, $0x1;
	_ =	sdelay $0x1  }
0x256: {  	(v2sf) =	vpush v19, $0x1;
	_ =	sdelay $0x1  }
0x257: {  	(v2sf) =	vpush v18, $0x2;
	_ =	sdelay $0x1  }
0x258: {  	(v2sf) =	vpush v19, $0x2;
	_ =	sdelay $0x1  }
0x259: {  	(v2sf) =	vpush v18, $0x3;
	_ =	sdelay $0x1  }
0x25a: {  	(v2sf) =	vpush v19, $0x3  }
0x25b: {  	s26 =	spop (v2sf)  }
0x25c: {  	(v2sf) =	vpush v18, $0x4;
	[tilespmem:s11], [sflag:$0x1] =	stream.strided.gather [hbm4b:s26+s11], $0x800, s10, s11, $0x38;
	[tilespmem:$0x14400] =	vst v63  }
0x25d: {  	s28 =	rddreg [dreg:$0x8];
	s29 =	spop (v2sf)  }
0x25e: {  	(v2sf) =	vpush v19, $0x4;
	[tilespmem:s12], [sflag:$0x2] =	stream.strided.gather [hbm4b:s29+s11], $0x800, s10, s11, $0x38;
	[tilespmem:$0x14400] =	vst v63  }
0x25f: {  	s30 =	rddreg [dreg:$0x9];
	s22 =	spop (v2sf)  }
0x260: {  	(v2sf) =	vpush v18, $0x5;
	[tilespmem:s28], [sflag:$0x1] =	stream.strided.gather [hbm4b:s22+s11], $0x800, s10, s11, $0x38;
	[tilespmem:$0x14400] =	vst v63  }
0x261: {  	s31 =	rddreg [dreg:$0xa];
	s23 =	spop (v2sf)  }
0x262: {  	(v2sf) =	vpush v19, $0x5;
	[tilespmem:s30], [sflag:$0x2] =	stream.strided.gather [hbm4b:s23+s11], $0x800, s10, s11, $0x38;
	[tilespmem:$0x14400] =	vst v63  }
0x263: {  	s24 =	rddreg [dreg:$0xb];
	s25 =	spop (v2sf)  }
0x264: {  	(v2sf) =	vpush v18, $0x6;
	[tilespmem:s31], [sflag:$0x1] =	stream.strided.gather [hbm4b:s25+s11], $0x800, s10, s11, $0x38;
	[tilespmem:$0x14400] =	vst v63  }
0x265: {  	s26 =	rddreg [dreg:$0xc];
	s28 =	spop (v2sf)  }
0x266: {  	(v2sf) =	vpush v19, $0x6;
	[tilespmem:s24], [sflag:$0x2] =	stream.strided.gather [hbm4b:s28+s11], $0x800, s10, s11, $0x38;
	[tilespmem:$0x14400] =	vst v63  }
0x267: {  	s29 =	rddreg [dreg:$0xd];
	s30 =	spop (v2sf)  }
0x268: {  	(v2sf) =	vpush v18, $0x7;
	[tilespmem:s26], [sflag:$0x1] =	stream.strided.gather [hbm4b:s30+s11], $0x800, s10, s11, $0x38;
	[tilespmem:$0x14400] =	vst v63  }
0x269: {  	s23 =	spop (v2sf);
	s31 =	rddreg [dreg:$0xe]  }
0x26a: {  	(v2sf) =	vpush v19, $0x7;
	[tilespmem:s29], [sflag:$0x2] =	stream.strided.gather [hbm4b:s23+s11], $0x800, s10, s11, $0x38;
	[tilespmem:$0x14400] =	vst v63  }
0x26b: {  	s24 =	rddreg [dreg:$0xf];
	s25 =	spop (v2sf)  }
0x26c: {  	(v2sf) =	vpush v18, $0x8;
	[tilespmem:s31], [sflag:$0x1] =	stream.strided.gather [hbm4b:s25+s11], $0x800, s10, s11, $0x38;
	[tilespmem:$0x14400] =	vst v63  }
0x26d: {  	s26 =	rddreg [dreg:$0x10];
	s28 =	spop (v2sf)  }
0x26e: {  	(v2sf) =	vpush v19, $0x8;
	[tilespmem:s24], [sflag:$0x2] =	stream.strided.gather [hbm4b:s28+s11], $0x800, s10, s11, $0x38;
	[tilespmem:$0x14400] =	vst v63  }
0x26f: {  	s29 =	rddreg [dreg:$0x11];
	s30 =	spop (v2sf)  }
0x270: {  	(v2sf) =	vpush v18, $0x9;
	[tilespmem:s26], [sflag:$0x1] =	stream.strided.gather [hbm4b:s30+s11], $0x800, s10, s11, $0x38;
	[tilespmem:$0x14400] =	vst v63  }
0x271: {  	s31 =	rddreg [dreg:$0x12];
	s23 =	spop (v2sf)  }
0x272: {  	(v2sf) =	vpush v19, $0x9;
	[tilespmem:s29], [sflag:$0x2] =	stream.strided.gather [hbm4b:s23+s11], $0x800, s10, s11, $0x38;
	[tilespmem:$0x14400] =	vst v63  }
0x273: {  	s24 =	rddreg [dreg:$0x13];
	s25 =	spop (v2sf)  }
0x274: {  	(v2sf) =	vpush v18, $0xA;
	[tilespmem:s31], [sflag:$0x1] =	stream.strided.gather [hbm4b:s25+s11], $0x800, s10, s11, $0x38;
	[tilespmem:$0x14400] =	vst v63  }
0x275: {  	s28 =	spop (v2sf);
	s26 =	rddreg [dreg:$0x14]  }
0x276: {  	(v2sf) =	vpush v19, $0xA;
	[tilespmem:s24], [sflag:$0x2] =	stream.strided.gather [hbm4b:s28+s11], $0x800, s10, s11, $0x38;
	[tilespmem:$0x14400] =	vst v63  }
0x277: {  	s30 =	spop (v2sf);
	s29 =	rddreg [dreg:$0x15]  }
0x278: {  	(v2sf) =	vpush v18, $0xB;
	[tilespmem:s26], [sflag:$0x1] =	stream.strided.gather [hbm4b:s30+s11], $0x800, s10, s11, $0x38;
	[tilespmem:$0x14400] =	vst v63  }
0x279: {  	s23 =	spop (v2sf);
	s31 =	rddreg [dreg:$0x16]  }
0x27a: {  	(v2sf) =	vpush v19, $0xB;
	[tilespmem:s29], [sflag:$0x2] =	stream.strided.gather [hbm4b:s23+s11], $0x800, s10, s11, $0x38;
	[tilespmem:$0x14400] =	vst v63  }
0x27b: {  	s24 =	rddreg [dreg:$0x17];
	s25 =	spop (v2sf)  }
0x27c: {  	(v2sf) =	vpush v18, $0xC;
	[tilespmem:s31], [sflag:$0x1] =	stream.strided.gather [hbm4b:s25+s11], $0x800, s10, s11, $0x38;
	[tilespmem:$0x14400] =	vst v63  }
0x27d: {  	s26 =	rddreg [dreg:$0x18];
	s28 =	spop (v2sf)  }
0x27e: {  	(v2sf) =	vpush v19, $0xC;
	[tilespmem:s24], [sflag:$0x2] =	stream.strided.gather [hbm4b:s28+s11], $0x800, s10, s11, $0x38;
	[tilespmem:$0x14400] =	vst v63  }
0x27f: {  	s29 =	rddreg [dreg:$0x19];
	s30 =	spop (v2sf)  }
0x280: {  	(v2sf) =	vpush v18, $0xD;
	[tilespmem:s26], [sflag:$0x1] =	stream.strided.gather [hbm4b:s30+s11], $0x800, s10, s11, $0x38;
	[tilespmem:$0x14400] =	vst v63  }
0x281: {  	s31 =	rddreg [dreg:$0x1a];
	s23 =	spop (v2sf)  }
0x282: {  	(v2sf) =	vpush v19, $0xD;
	[tilespmem:s29], [sflag:$0x2] =	stream.strided.gather [hbm4b:s23+s11], $0x800, s10, s11, $0x38;
	[tilespmem:$0x14400] =	vst v63  }
0x283: {  	s25 =	spop (v2sf);
	s24 =	rddreg [dreg:$0x1b]  }
0x284: {  	(v2sf) =	vpush v18, $0xE;
	[tilespmem:s31], [sflag:$0x1] =	stream.strided.gather [hbm4b:s25+s11], $0x800, s10, s11, $0x38;
	[tilespmem:$0x14400] =	vst v63  }
0x285: {  	s28 =	spop (v2sf);
	s26 =	rddreg [dreg:$0x1c]  }
0x286: {  	(v2sf) =	vpush v19, $0xE;
	[tilespmem:s24], [sflag:$0x2] =	stream.strided.gather [hbm4b:s28+s11], $0x800, s10, s11, $0x38;
	[tilespmem:$0x14400] =	vst v63  }
0x287: {  	s30 =	spop (v2sf);
	s29 =	rddreg [dreg:$0x1d]  }
0x288: {  	(v2sf) =	vpush v18, $0xF;
	[tilespmem:s26], [sflag:$0x1] =	stream.strided.gather [hbm4b:s30+s11], $0x800, s10, s11, $0x38;
	[tilespmem:$0x14400] =	vst v63  }
0x289: {  	s23 =	spop (v2sf);
	s31 =	rddreg [dreg:$0x1e]  }
0x28a: {  	(v2sf) =	vpush v19, $0xF;
	[tilespmem:s29], [sflag:$0x2] =	stream.strided.gather [hbm4b:s23+s11], $0x800, s10, s11, $0x38;
	[tilespmem:$0x14400] =	vst v63  }
0x28b: {  	s24 =	rddreg [dreg:$0x1f];
	s25 =	spop (v2sf)  }
0x28c: {  	[tilespmem:s31], [sflag:$0x1] =	stream.strided.gather [hbm4b:s25+s11], $0x800, s10, s11, $0x38;
	[tilespmem:$0x14400] =	vst v63  }
0x28d: {  	s26 =	sld [smem:$0x7F8];
	s28 =	spop (v2sf)  }
0x28e: {  	[tilespmem:s24], [sflag:$0x2] =	stream.strided.gather [hbm4b:s28+s11], $0x800, s10, s11, $0x38;
	[tilespmem:$0x14400] =	vst v63  }
0x28f: {  	s29 =	sld [smem:$0x7F9];
	s30 =	spop (v2sf)  }
0x290: {  	[tilespmem:s26], [sflag:$0x1] =	stream.strided.gather [hbm4b:s30+s11], $0x800, s10, s11, $0x38;
	[tilespmem:$0x14400] =	vst v63  }
0x291: {  	s23 =	spop (v2sf);
	s31 =	sld [smem:$0x7FA]  }
0x292: {  	[tilespmem:s29], [sflag:$0x2] =	stream.strided.gather [hbm4b:s23+s11], $0x800, s10, s11, $0x38;
	[tilespmem:$0x14400] =	vst v63  }
0x293: {  	s25 =	spop (v2sf);
	s24 =	sld [smem:$0x7FB]  }
0x294: {  	[tilespmem:s31], [sflag:$0x1] =	stream.strided.gather [hbm4b:s25+s11], $0x800, s10, s11, $0x38;
	[tilespmem:$0x14400] =	vst v63  }
0x295: {  	s28 =	spop (v2sf);
	s26 =	sld [smem:$0x7FC]  }
0x296: {  	[tilespmem:s24], [sflag:$0x2] =	stream.strided.gather [hbm4b:s28+s11], $0x800, s10, s11, $0x38;
	[tilespmem:$0x14400] =	vst v63  }
0x297: {  	s30 =	spop (v2sf);
	s29 =	sld [smem:$0x7FD]  }
0x298: {  	[tilespmem:s26], [sflag:$0x1] =	stream.strided.gather [hbm4b:s30+s11], $0x800, s10, s11, $0x38;
	[tilespmem:$0x14400] =	vst v63  }
0x299: {  	s31 =	spop (v2sf)  }
0x29a: {  	[tilespmem:s29], [sflag:$0x2] =	stream.strided.gather [hbm4b:s31+s11], $0x800, s10, s11, $0x38;
	[tilespmem:$0x14400] =	vst v63  }
0x29b: {  	_ =	swait.ge [sflag:s13], $0x800  }
0x29c: {  	[sflag:s13] =	ssyncset.done $0x0  }
0x29d: {  	[sflag:s13] =	ssyncadd.s32 $0xFFFFF800  }
0x29e: {  	_ =	swait.ge [sflag:s13], $0x800  }
0x29f: {  	[sflag:s13] =	ssyncset.done $0x0  }
0x2a0: {  	[sflag:s13] =	ssyncadd.s32 $0xFFFFF800  }
0x2a1: {  	_ =	swait.ge [sflag:s13], $0x800  }
0x2a2: {  	[sflag:s13] =	ssyncset.done $0x0  }
0x2a3: {  	[sflag:s13] =	ssyncadd.s32 $0xFFFFF800  }
0x2a4: {  	_ =	swait.ge [sflag:s13], $0x800  }
0x2a5: {  	[sflag:s13] =	ssyncset.done $0x0  }
0x2a6: {  	[sflag:s13] =	ssyncadd.s32 $0xFFFFF800  }
0x2a7: {  	_ =	swait.ge [sflag:s13], $0x800  }
0x2a8: {  	[sflag:s13] =	ssyncset.done $0x0  }
0x2a9: {  	[sflag:s13] =	ssyncadd.s32 $0xFFFFF800  }
0x2aa: {  	_ =	swait.ge [sflag:s13], $0x800  }
0x2ab: {  	[sflag:s13] =	ssyncset.done $0x0  }
0x2ac: {  	[sflag:s13] =	ssyncadd.s32 $0xFFFFF800  }
0x2ad: {  	_ =	swait.ge [sflag:s13], $0x800  }
0x2ae: {  	[sflag:s13] =	ssyncset.done $0x0  }
0x2af: {  	[sflag:s13] =	ssyncadd.s32 $0xFFFFF800  }
0x2b0: {  	_ =	swait.ge [sflag:s13], $0x800  }
0x2b1: {  	[sflag:s13] =	ssyncset.done $0x0  }
0x2b2: {  	[sflag:s13] =	ssyncadd.s32 $0xFFFFF800  }
0x2b3: {  	_ =	swait.ge [sflag:s13], $0x800  }
0x2b4: {  	[sflag:s13] =	ssyncset.done $0x0  }
0x2b5: {  	[sflag:s13] =	ssyncadd.s32 $0xFFFFF800  }
0x2b6: {  	_ =	swait.ge [sflag:s13], $0x800  }
0x2b7: {  	[sflag:s13] =	ssyncset.done $0x0  }
0x2b8: {  	[sflag:s13] =	ssyncadd.s32 $0xFFFFF800  }
0x2b9: {  	_ =	swait.ge [sflag:s13], $0x800  }
0x2ba: {  	[sflag:s13] =	ssyncset.done $0x0  }
0x2bb: {  	[sflag:s13] =	ssyncadd.s32 $0xFFFFF800  }
0x2bc: {  	_ =	swait.ge [sflag:s13], $0x800  }
0x2bd: {  	[sflag:s13] =	ssyncset.done $0x0  }
0x2be: {  	[sflag:s13] =	ssyncadd.s32 $0xFFFFF800  }
0x2bf: {  	_ =	swait.ge [sflag:s13], $0x800  }
0x2c0: {  	[sflag:s13] =	ssyncset.done $0x0  }
0x2c1: {  	[sflag:s13] =	ssyncadd.s32 $0xFFFFF800  }
0x2c2: {  	_ =	swait.ge [sflag:s13], $0x800  }
0x2c3: {  	[sflag:s13] =	ssyncset.done $0x0  }
0x2c4: {  	[sflag:s13] =	ssyncadd.s32 $0xFFFFF800  }
0x2c5: {  	_ =	swait.ge [sflag:s13], $0x800  }
0x2c6: {  	[sflag:s13] =	ssyncset.done $0x0  }
0x2c7: {  	[sflag:s13] =	ssyncadd.s32 $0xFFFFF800  }
0x2c8: {  	_ =	swait.ge [sflag:s13], $0x800  }
0x2c9: {  	[sflag:s13] =	ssyncset.done $0x0  }
0x2ca: {  	[sflag:s13] =	ssyncadd.s32 $0xFFFFF800  }
0x2cb: {  	_ =	swait.ge [sflag:s14], $0x800  }
0x2cc: {  	[sflag:s14] =	ssyncset.done $0x0  }
0x2cd: {  	[sflag:s14] =	ssyncadd.s32 $0xFFFFF800  }
0x2ce: {  	_ =	swait.ge [sflag:s14], $0x800  }
0x2cf: {  	[sflag:s14] =	ssyncset.done $0x0  }
0x2d0: {  	[sflag:s14] =	ssyncadd.s32 $0xFFFFF800  }
0x2d1: {  	_ =	swait.ge [sflag:s14], $0x800  }
0x2d2: {  	[sflag:s14] =	ssyncset.done $0x0  }
0x2d3: {  	[sflag:s14] =	ssyncadd.s32 $0xFFFFF800  }
0x2d4: {  	_ =	swait.ge [sflag:s14], $0x800  }
0x2d5: {  	[sflag:s14] =	ssyncset.done $0x0  }
0x2d6: {  	[sflag:s14] =	ssyncadd.s32 $0xFFFFF800  }
0x2d7: {  	_ =	swait.ge [sflag:s14], $0x800  }
0x2d8: {  	[sflag:s14] =	ssyncset.done $0x0  }
0x2d9: {  	[sflag:s14] =	ssyncadd.s32 $0xFFFFF800  }
0x2da: {  	_ =	swait.ge [sflag:s14], $0x800  }
0x2db: {  	[sflag:s14] =	ssyncset.done $0x0  }
0x2dc: {  	[sflag:s14] =	ssyncadd.s32 $0xFFFFF800  }
0x2dd: {  	_ =	swait.ge [sflag:s14], $0x800  }
0x2de: {  	[sflag:s14] =	ssyncset.done $0x0  }
0x2df: {  	[sflag:s14] =	ssyncadd.s32 $0xFFFFF800  }
0x2e0: {  	_ =	swait.ge [sflag:s14], $0x800  }
0x2e1: {  	[sflag:s14] =	ssyncset.done $0x0  }
0x2e2: {  	[sflag:s14] =	ssyncadd.s32 $0xFFFFF800  }
0x2e3: {  	_ =	swait.ge [sflag:s14], $0x800  }
0x2e4: {  	[sflag:s14] =	ssyncset.done $0x0  }
0x2e5: {  	[sflag:s14] =	ssyncadd.s32 $0xFFFFF800  }
0x2e6: {  	_ =	swait.ge [sflag:s14], $0x800  }
0x2e7: {  	[sflag:s14] =	ssyncset.done $0x0  }
0x2e8: {  	[sflag:s14] =	ssyncadd.s32 $0xFFFFF800  }
0x2e9: {  	_ =	swait.ge [sflag:s14], $0x800  }
0x2ea: {  	[sflag:s14] =	ssyncset.done $0x0  }
0x2eb: {  	[sflag:s14] =	ssyncadd.s32 $0xFFFFF800  }
0x2ec: {  	_ =	swait.ge [sflag:s14], $0x800  }
0x2ed: {  	[sflag:s14] =	ssyncset.done $0x0  }
0x2ee: {  	[sflag:s14] =	ssyncadd.s32 $0xFFFFF800  }
0x2ef: {  	_ =	swait.ge [sflag:s14], $0x800  }
0x2f0: {  	[sflag:s14] =	ssyncset.done $0x0  }
0x2f1: {  	[sflag:s14] =	ssyncadd.s32 $0xFFFFF800  }
0x2f2: {  	_ =	swait.ge [sflag:s14], $0x800  }
0x2f3: {  	v17 =	vand.u32 $0x7F, v17;
	[sflag:s14] =	ssyncset.done $0x0  }
0x2f4: {  	v16 =	vand.u32 $0x7F, v16;
	v36 =	vbroadcast v17, $0x0;
	[sflag:s14] =	ssyncadd.s32 $0xFFFFF800  }
0x2f5: {  	v37 =	vbroadcast v16, $0x0;
	_ =	swait.ge [sflag:s14], $0x800  }
0x2f6: {  	v18 =	vor.u32 v0, v36;
	[sflag:s14] =	ssyncset.done $0x0  }
0x2f7: {  	v19 =	vor.u32 v0, v37;
	[sflag:s14] =	ssyncadd.s32 $0xFFFFF800  }
0x2f8: {  	_ =	swait.ge [sflag:s14], $0x800  }
0x2f9: {  	[sflag:s14] =	ssyncset.done $0x0  }
0x2fa: {  	[sflag:s14] =	ssyncadd.s32 $0xFFFFF800  }
0x2fb: {  	v20 =	vbroadcast v17, $0x1;
	v18 =	vld.idx.msk [tilespmem:v18+s11+$0x0], $0xffff  }
0x2fc: {  	v21 =	vbroadcast v16, $0x1;
	v19 =	vld.idx.msk [tilespmem:v19+s12+$0x0], $0xffff  }
0x2fd: {  	v20 =	vor.u32 v1, v20  }
0x2fe: {  	v21 =	vor.u32 v1, v21  }
0x2ff: {  	s18 =	sadd.s32 $0x100, s18  }
0x300: {  	[tilespmem:s18+$0xFFFFFF80] =	vst v18  }
0x301: {  	[tilespmem:s19+$0xFFFFFF80] =	vst v19  }
0x302: {  	v38 =	vbroadcast v17, $0x2;
	v19 =	vld.idx.msk [tilespmem:v20+s11+$0x0], $0xffff  }
0x303: {  	v39 =	vbroadcast v16, $0x2;
	v21 =	vld.idx.msk [tilespmem:v21+s12+$0x0], $0xffff  }
0x304: {  	v18 =	vor.u32 v2, v38  }
0x305: {  	v20 =	vor.u32 v2, v39;
	_ =	sdelay $0x1  }
0x306: {  	[tilespmem:s18+$0xFFFFFF90] =	vst v19  }
0x307: {  	[tilespmem:s19+$0xFFFFFF90] =	vst v21  }
0x308: {  	v40 =	vbroadcast v17, $0x3;
	v18 =	vld.idx.msk [tilespmem:v18+s11+$0x0], $0xffff  }
0x309: {  	v41 =	vbroadcast v16, $0x3;
	v20 =	vld.idx.msk [tilespmem:v20+s12+$0x0], $0xffff  }
0x30a: {  	v19 =	vor.u32 v3, v40  }
0x30b: {  	v21 =	vor.u32 v3, v41;
	_ =	sdelay $0x1  }
0x30c: {  	[tilespmem:s18+$0xFFFFFFA0] =	vst v18  }
0x30d: {  	[tilespmem:s19+$0xFFFFFFA0] =	vst v20  }
0x30e: {  	v42 =	vbroadcast v17, $0x4;
	v19 =	vld.idx.msk [tilespmem:v19+s11+$0x0], $0xffff  }
0x30f: {  	v43 =	vbroadcast v16, $0x4;
	v21 =	vld.idx.msk [tilespmem:v21+s12+$0x0], $0xffff  }
0x310: {  	v18 =	vor.u32 v4, v42  }
0x311: {  	v20 =	vor.u32 v4, v43;
	_ =	sdelay $0x1  }
0x312: {  	[tilespmem:s18+$0xFFFFFFB0] =	vst v19  }
0x313: {  	[tilespmem:s19+$0xFFFFFFB0] =	vst v21  }
0x314: {  	v44 =	vbroadcast v17, $0x5;
	v18 =	vld.idx.msk [tilespmem:v18+s11+$0x0], $0xffff  }
0x315: {  	v45 =	vbroadcast v16, $0x5;
	v20 =	vld.idx.msk [tilespmem:v20+s12+$0x0], $0xffff  }
0x316: {  	v19 =	vor.u32 v5, v44  }
0x317: {  	v21 =	vor.u32 v5, v45;
	_ =	sdelay $0x1  }
0x318: {  	[tilespmem:s18+$0xFFFFFFC0] =	vst v18  }
0x319: {  	[tilespmem:s19+$0xFFFFFFC0] =	vst v20  }
0x31a: {  	v46 =	vbroadcast v17, $0x6;
	v19 =	vld.idx.msk [tilespmem:v19+s11+$0x0], $0xffff  }
0x31b: {  	v47 =	vbroadcast v16, $0x6;
	v21 =	vld.idx.msk [tilespmem:v21+s12+$0x0], $0xffff  }
0x31c: {  	v18 =	vor.u32 v6, v46  }
0x31d: {  	v20 =	vor.u32 v6, v47;
	_ =	sdelay $0x1  }
0x31e: {  	[tilespmem:s18+$0xFFFFFFD0] =	vst v19  }
0x31f: {  	[tilespmem:s19+$0xFFFFFFD0] =	vst v21  }
0x320: {  	v48 =	vbroadcast v17, $0x7;
	v18 =	vld.idx.msk [tilespmem:v18+s11+$0x0], $0xffff  }
0x321: {  	v49 =	vbroadcast v16, $0x7;
	v20 =	vld.idx.msk [tilespmem:v20+s12+$0x0], $0xffff  }
0x322: {  	v19 =	vor.u32 v7, v48  }
0x323: {  	v21 =	vor.u32 v7, v49;
	_ =	sdelay $0x1  }
0x324: {  	[tilespmem:s18+$0xFFFFFFE0] =	vst v18  }
0x325: {  	[tilespmem:s19+$0xFFFFFFE0] =	vst v20  }
0x326: {  	v50 =	vbroadcast v17, $0x8;
	v19 =	vld.idx.msk [tilespmem:v19+s11+$0x0], $0xffff  }
0x327: {  	v51 =	vbroadcast v16, $0x8;
	v21 =	vld.idx.msk [tilespmem:v21+s12+$0x0], $0xffff  }
0x328: {  	v18 =	vor.u32 v8, v50  }
0x329: {  	v20 =	vor.u32 v8, v51;
	_ =	sdelay $0x1  }
0x32a: {  	[tilespmem:s18+$0xFFFFFFF0] =	vst v19  }
0x32b: {  	[tilespmem:s19+$0xFFFFFFF0] =	vst v21  }
0x32c: {  	v52 =	vbroadcast v17, $0x9;
	v18 =	vld.idx.msk [tilespmem:v18+s11+$0x0], $0xffff  }
0x32d: {  	v53 =	vbroadcast v16, $0x9;
	v20 =	vld.idx.msk [tilespmem:v20+s12+$0x0], $0xffff  }
0x32e: {  	v19 =	vor.u32 v9, v52  }
0x32f: {  	v21 =	vor.u32 v9, v53;
	_ =	sdelay $0x1  }
0x330: {  	[tilespmem:s18+$0x0] =	vst v18  }
0x331: {  	[tilespmem:s19+$0x0] =	vst v20  }
0x332: {  	v54 =	vbroadcast v17, $0xA;
	v19 =	vld.idx.msk [tilespmem:v19+s11+$0x0], $0xffff  }
0x333: {  	v55 =	vbroadcast v16, $0xA;
	v21 =	vld.idx.msk [tilespmem:v21+s12+$0x0], $0xffff  }
0x334: {  	v18 =	vor.u32 v10, v54  }
0x335: {  	v20 =	vor.u32 v10, v55;
	_ =	sdelay $0x1  }
0x336: {  	[tilespmem:s18+$0x10] =	vst v19  }
0x337: {  	[tilespmem:s19+$0x10] =	vst v21  }
0x338: {  	v56 =	vbroadcast v17, $0xB;
	v18 =	vld.idx.msk [tilespmem:v18+s11+$0x0], $0xffff  }
0x339: {  	v57 =	vbroadcast v16, $0xB;
	v20 =	vld.idx.msk [tilespmem:v20+s12+$0x0], $0xffff  }
0x33a: {  	v19 =	vor.u32 v11, v56  }
0x33b: {  	v21 =	vor.u32 v11, v57;
	_ =	sdelay $0x1  }
0x33c: {  	[tilespmem:s18+$0x20] =	vst v18  }
0x33d: {  	[tilespmem:s19+$0x20] =	vst v20  }
0x33e: {  	v58 =	vbroadcast v17, $0xC;
	v19 =	vld.idx.msk [tilespmem:v19+s11+$0x0], $0xffff  }
0x33f: {  	v59 =	vbroadcast v16, $0xC;
	v21 =	vld.idx.msk [tilespmem:v21+s12+$0x0], $0xffff  }
0x340: {  	v18 =	vor.u32 v12, v58  }
0x341: {  	v20 =	vor.u32 v12, v59;
	_ =	sdelay $0x1  }
0x342: {  	[tilespmem:s18+$0x30] =	vst v19  }
0x343: {  	[tilespmem:s19+$0x30] =	vst v21  }
0x344: {  	v60 =	vbroadcast v17, $0xD;
	v18 =	vld.idx.msk [tilespmem:v18+s11+$0x0], $0xffff  }
0x345: {  	v61 =	vbroadcast v16, $0xD;
	v20 =	vld.idx.msk [tilespmem:v20+s12+$0x0], $0xffff  }
0x346: {  	v19 =	vor.u32 v13, v60  }
0x347: {  	v21 =	vor.u32 v13, v61;
	_ =	sdelay $0x1  }
0x348: {  	[tilespmem:s18+$0x40] =	vst v18  }
0x349: {  	[tilespmem:s19+$0x40] =	vst v20  }
0x34a: {  	v62 =	vbroadcast v17, $0xE;
	v19 =	vld.idx.msk [tilespmem:v19+s11+$0x0], $0xffff  }
0x34b: {  	v63 =	vbroadcast v16, $0xE;
	v21 =	vld.idx.msk [tilespmem:v21+s12+$0x0], $0xffff  }
0x34c: {  	v18 =	vor.u32 v14, v62  }
0x34d: {  	v20 =	vor.u32 v14, v63;
	_ =	sdelay $0x1  }
0x34e: {  	[tilespmem:s18+$0x50] =	vst v19  }
0x34f: {  	[tilespmem:s19+$0x50] =	vst v21  }
0x350: {  	v17 =	vbroadcast v17, $0xF;
	v18 =	vld.idx.msk [tilespmem:v18+s11+$0x0], $0xffff  }
0x351: {  	v16 =	vbroadcast v16, $0xF;
	v19 =	vld.idx.msk [tilespmem:v20+s12+$0x0], $0xffff  }
0x352: {  	v17 =	vor.u32 v15, v17  }
0x353: {  	v16 =	vor.u32 v15, v16;
	_ =	sdelay $0x1  }
0x354: {  	[tilespmem:s18+$0x60] =	vst v18  }
0x355: {  	[tilespmem:s19+$0x60] =	vst v19  }
0x356: {  	v17 =	vld.idx.msk [tilespmem:v17+s11+$0x0], $0xffff  }
0x357: {  	v16 =	vld.idx.msk [tilespmem:v16+s12+$0x0], $0xffff;
	_ =	sdelay $0x3  }
0x358: {  	[tilespmem:s18+$0x70] =	vst v17  }
0x359: {  	[tilespmem:s19+$0x70] =	vst v16  }
0x35a: {  	[hbm4b:s5+s1] =	stream.linear.scatter [tilespmem:s15], [sflag:$0x3], $0x2000, $0x38;
	[tilespmem:$0x14400] =	vst v63  }
0x35b: {  	s17 =	sadd.s32 $0x1, s17;
	_ =	swait.ge [sflag:s8], $0x2000  }
0x35c: {  	p0 =	sne.s32 s17, s7;
	[sflag:s8] =	ssyncset.done $0x0  }
.Ltmp1:
0x35d: {  	[sflag:s8] =	ssyncadd.s32 $0xFFFFE000;
	(pc) =	sbr.rel @p0 .LBB2_1-.Ltmp1, $4  }
0x35e: {  	[hbm4b:s6+s1] =	stream.linear.scatter [tilespmem:s16], [sflag:$0x3], $0x2000, $0x38;
	[tilespmem:$0x14400] =	vst v63  }
0x35f: {  	_ =	swait.ge [sflag:s8], $0x2000  }
0x360: {  	[sflag:s8] =	ssyncset.done $0x0  }
0x361: {  	[sflag:s8] =	ssyncadd.s32 $0xFFFFE000  }
0x362: {  	_ =	sfence.sel $0x180000  }
0x363: {  	[bflag:$0x0] =	sbarrier.arrive $0xFFFF  }
0x364: {  	p0 =	sne.s32 s2, $0x0;
	_ =	strace $0x90000047  }
0x365: {  	s0 =	sadd.s32 @!p0 $0x100000, s0;
	[bflag:$0x2] =	sbarrier.arrive $0xFFFF  }
0x366: {  	[sflag:s0] =	ssyncadd.tile.s32 @!p0 $0x1;
	_ =	shalt  }
.Lfunc_end2:
_tile_overlayer_lowered:
.L_overlay_start_2:
0x367: {  	(tag) =	ssettag $0x2  }
0x368: {  	s0 =	rddreg [dreg:$0x0];
	s2 =	stileid.u32  }
0x369: {  	s1 =	rddreg [dreg:$0x1];
	p0 =	sne.s32 s2, $0x0  }
0x36a: {  	s3 =	rddreg [dreg:$0x2];
	[bflag:$0x3] =	sbarrier.arrive $0xFFFF;
	s2 =	simm.s32 @!p0 $0x1C03  }
0x36b: {  	[timem:s3], [sflag:s2] =	dma.local @!p0 [hbm:s0], s1  }
0x36c: {  	s0 =	simm.s32 @!p0 $0x3  }
0x36d: {  	_ =	swait.ge @!p0 [sflag:s0], s1  }
0x36e: {  	s1 =	ssub.s32 @!p0 $0x0, s1;
	[sflag:s0] =	ssyncset.done @!p0 $0x0  }
0x36f: {  	[sflag:s0] =	ssyncadd.s32 @!p0 s1  }
0x370: {  	[bflag:$0x3] =	sbarrier.arrive $0xFFFF  }
0x371: {  	_ =	shalt  }

</sc_bundles>
